<compile_context>
chip_gen: v7x
topology: tpu7x:2x2x1
jax: 0.10.2.dev20260603
libtpu: 0.0.44.dev20260713+nightly
codegen_flags: <defaults>
</compile_context>

<pallas_src>
import functools

import jax
import jax.numpy as jnp
from jax import lax
from jax.experimental import pallas as pl
from jax.experimental.pallas import tpu as pltpu
from jax.experimental.pallas import tpu_sc as plsc

_SEG = (48, 48, 48, 56)


@functools.lru_cache(maxsize=None)
def _make_kernel(B, S, D, V):
    info = plsc.get_sparse_core_info()
    NC, NS, L = info.num_cores, info.num_subcores, info.num_lanes
    NW = NC * NS
    BPW = B // NW
    NB = 2
    segs = []
    o = 0
    for n in _SEG:
        segs.append((o, n))
        o += n
    assert o == S and all(n % 8 == 0 and s % 8 == 0 and n <= 128
                          for s, n in segs)
    assert B % NW == 0 and BPW % NB == 0 and D % L == 0

    mesh = plsc.VectorSubcoreMesh(core_axis_name="c", subcore_axis_name="s")

    @functools.partial(
        pl.kernel,
        mesh=mesh,
        out_type=jax.ShapeDtypeStruct((B * S, D), jnp.float32),
        scratch_types=[
            pltpu.VMEM((BPW, 2, S // 2), jnp.int32),
            pltpu.VMEM((S, D), jnp.float32),
            pltpu.VMEM((NB, S, D), jnp.float32),
        ] + [pltpu.SemaphoreType.DMA] * (2 * NB),
    )
    def k(x_hbm, tok_hbm, pos_hbm, out_hbm, idx_v, pos_v, rows_v, *sems):
        sin, sout = sems[:NB], sems[NB:]
        wid = lax.axis_index("s") * NC + lax.axis_index("c")
        b0 = wid * BPW
        pltpu.sync_copy(pos_hbm, pos_v)
        pltpu.sync_copy(x_hbm.at[pl.ds(b0, BPW)], idx_v)

        H = S // 2

        def gather_copy(i, buf, j):
            return pltpu.make_async_copy(
                tok_hbm.at[idx_v.at[i, j]],
                rows_v.at[buf, pl.ds(j * H, H)], sin[buf])

        def gather_start(i, buf):
            for j in range(2):
                gather_copy(i, buf, j).start()

        def gather_wait(i, buf):
            for j in range(2):
                gather_copy(i, buf, j).wait()

        def out_start(i, buf, seg):
            s0, n = segs[seg]
            pltpu.async_copy(rows_v.at[buf, pl.ds(s0, n)],
                             out_hbm.at[pl.ds((b0 + i) * S + s0, n)],
                             sout[buf])

        def out_wait(buf):
            for s0, n in segs:
                pltpu.make_async_copy(rows_v.at[buf, pl.ds(s0, n)],
                                      out_hbm.at[pl.ds(s0, n)],
                                      sout[buf]).wait()

        def add_pos(buf, seg):
            s0, n = segs[seg]

            @plsc.parallel_loop(s0, s0 + n, step=1, unroll=4)
            def _(r):
                for v in range(D // L):
                    sl = pl.ds(v * L, L)
                    plsc.addupdate(rows_v.at[buf, r, sl], pos_v[r, sl])

        gather_start(0, 0)

        def outer(t, carry):
            for b in range(NB):
                i = NB * t + b
                nb1 = (b + 1) % NB

                @pl.when(i >= 1)
                def _():
                    out_wait(nb1)

                @pl.when(i + 1 < BPW)
                def _():
                    gather_start(i + 1, nb1)

                gather_wait(i, b)
                for seg in range(len(segs)):
                    add_pos(b, seg)
                    out_start(i, b, seg)
            return carry

        lax.fori_loop(0, BPW // NB, outer, 0)
        out_wait((BPW - 1) % NB)

    return k


def kernel(x, token_table, pos_table):
    B, S = x.shape
    V, D = token_table.shape
    x2 = x.astype(jnp.int32).reshape(B, 2, S // 2)
    out = _make_kernel(B, S, D, V)(x2, token_table, pos_table)
    return out.reshape(B, S, D)

# --- scband reference (transcript-rebuilt; emitter-appended) ---
"""Pipeline reference for scband-token-and-position-embedding-39479339385330 (READ-ONLY COPY).

The authoritative reference and input builder live on the scoring server;
editing this copy changes nothing except your own understanding.
"""

import jax, jax.numpy as jnp
import numpy as np

VOCAB = 100000
MAXLEN = 200
EMBED = 128
BATCH = 4096
SEQ = 200

def setup_inputs(seed: int = 0) -> dict:
    key = jax.random.key(seed)
    k1, k2, k3 = jax.random.split(key, 3)
    x = jax.random.randint(k1, (BATCH, SEQ), 0, VOCAB, dtype=jnp.int64 if jax.config.jax_enable_x64 else jnp.int32)
    token_table = jax.random.normal(k2, (VOCAB, EMBED), dtype=jnp.float32) * 0.02
    pos_table = jax.random.normal(k3, (MAXLEN, EMBED), dtype=jnp.float32) * 0.02
    return {"x": x, "token_table": token_table, "pos_table": pos_table}

def reference(x, token_table, pos_table):
    seqlen = x.shape[1]
    positions = jnp.arange(seqlen)
    positions = jnp.broadcast_to(positions[None, :], x.shape)
    tok = jnp.take(token_table, x, axis=0)
    pos = jnp.take(pos_table, positions, axis=0)
    return tok + pos

if __name__ == "__main__":
    import jax
    _d = setup_inputs()
    print(jax.jit(kernel)(*tuple(_d.values())))

</pallas_src>

<mosaic_0001>
#map = affine_map<(d0, d1) -> (0, 0, 0)>
#map1 = affine_map<(d0, d1) -> (0, 0)>
module attributes {stable_mosaic.version = 14 : i64} {
  func.func @k(%arg0: i32, %arg1: i32, %arg2: memref<4096x2x100xi32, #tpu.memory_space<hbm>>, %arg3: memref<100000x128xf32, #tpu.memory_space<hbm>>, %arg4: memref<200x128xf32, #tpu.memory_space<hbm>>, %arg5: memref<819200x128xf32, #tpu.memory_space<hbm>>, %arg6: memref<128x2x100xi32, #tpu.memory_space<vmem>>, %arg7: memref<200x128xf32, #tpu.memory_space<vmem>>, %arg8: memref<2x200x128xf32, #tpu.memory_space<vmem>>, %arg9: memref<!tpu.dma_semaphore, #tpu.memory_space<semaphore_mem>>, %arg10: memref<!tpu.dma_semaphore, #tpu.memory_space<semaphore_mem>>, %arg11: memref<!tpu.dma_semaphore, #tpu.memory_space<semaphore_mem>>, %arg12: memref<!tpu.dma_semaphore, #tpu.memory_space<semaphore_mem>>) attributes {dimension_semantics = [#tpu.dimension_semantics<core_parallel>, #tpu.dimension_semantics<subcore_parallel>], iteration_bounds = array<i64: 2, 16>, scalar_prefetch = 0 : i64, scratch_operands = 7 : i64, tpu.core_type = #tpu.core_type<sc_vector_subcore>, window_params = [{transform_indices = #map}, {transform_indices = #map1}, {transform_indices = #map1}, {transform_indices = #map1}]} {
    %mul3A = arith.constant 2 : i32
    %mul3A_0 = arith.muli %arg1, %mul3A : i32
    %add3A = arith.addi %mul3A_0, %arg0 : i32
    %mul3A_1 = arith.constant 128 : i32
    %mul3A_2 = arith.muli %add3A, %mul3A_1 : i32
    "tpu.region"() ({
      %run_scoped3A = tpu.sem_alloc : memref<!tpu.dma_semaphore, #tpu.memory_space<semaphore_mem>>
      tpu.enqueue_dma source(%arg4 : memref<200x128xf32, #tpu.memory_space<hbm>>) target(%arg7 : memref<200x128xf32, #tpu.memory_space<vmem>>) target_semaphore(%run_scoped3A : memref<!tpu.dma_semaphore, #tpu.memory_space<semaphore_mem>>)
      tpu.wait_dma2 semaphore(%run_scoped3A : memref<!tpu.dma_semaphore, #tpu.memory_space<semaphore_mem>>) src(%arg4 : memref<200x128xf32, #tpu.memory_space<hbm>>) dst(%arg7 : memref<200x128xf32, #tpu.memory_space<vmem>>)
      tpu.yield
    }) : () -> ()
    "tpu.region"() ({
      %run_scoped3A = tpu.sem_alloc : memref<!tpu.dma_semaphore, #tpu.memory_space<semaphore_mem>>
      %dma_start3A_92 = arith.constant 0 : i32
      %dma_start3A_93 = arith.constant 0 : i32
      %dma_start3A_94 = tpu.memref_slice %arg2[%mul3A_2, %dma_start3A_92, %dma_start3A_93] : memref<4096x2x100xi32, #tpu.memory_space<hbm>> -> memref<128x2x100xi32, #tpu.memory_space<hbm>>
      %dma_start3A_95 = arith.constant 0 : i32
      %dma_start3A_96 = arith.constant 0 : i32
      %dma_start3A_97 = tpu.memref_slice %arg2[%mul3A_2, %dma_start3A_95, %dma_start3A_96] : memref<4096x2x100xi32, #tpu.memory_space<hbm>> -> memref<128x2x100xi32, #tpu.memory_space<hbm>>
      tpu.enqueue_dma source(%dma_start3A_97 : memref<128x2x100xi32, #tpu.memory_space<hbm>>) target(%arg6 : memref<128x2x100xi32, #tpu.memory_space<vmem>>) target_semaphore(%run_scoped3A : memref<!tpu.dma_semaphore, #tpu.memory_space<semaphore_mem>>)
      %dma_wait3A_98 = arith.constant 0 : i32
      %dma_wait3A_99 = arith.constant 0 : i32
      %dma_wait3A_100 = tpu.memref_slice %arg2[%mul3A_2, %dma_wait3A_98, %dma_wait3A_99] : memref<4096x2x100xi32, #tpu.memory_space<hbm>> -> memref<128x2x100xi32, #tpu.memory_space<hbm>>
      %dma_wait3A_101 = arith.constant 0 : i32
      %dma_wait3A_102 = arith.constant 0 : i32
      %dma_wait3A_103 = tpu.memref_slice %arg2[%mul3A_2, %dma_wait3A_101, %dma_wait3A_102] : memref<4096x2x100xi32, #tpu.memory_space<hbm>> -> memref<128x2x100xi32, #tpu.memory_space<hbm>>
      tpu.wait_dma2 semaphore(%run_scoped3A : memref<!tpu.dma_semaphore, #tpu.memory_space<semaphore_mem>>) src(%dma_wait3A_103 : memref<128x2x100xi32, #tpu.memory_space<hbm>>) dst(%arg6 : memref<128x2x100xi32, #tpu.memory_space<vmem>>)
      tpu.yield
    }) : () -> ()
    %dma_start3A = arith.constant 0 : i32
    %dma_start3A_3 = arith.constant 0 : i32
    %dma_start3A_4 = arith.constant 0 : i32
    %dma_start3A_5 = arith.constant 0 : i32
    %dma_start3A_6 = arith.constant 0 : i32
    %dma_start3A_7 = tpu.memref_slice %arg8[%dma_start3A_4, %dma_start3A_5, %dma_start3A_6] : memref<2x200x128xf32, #tpu.memory_space<vmem>> -> memref<1x100x128xf32, #tpu.memory_space<vmem>>
    %dma_start3A_8 = tpu.memref_squeeze %dma_start3A_7 : memref<1x100x128xf32, #tpu.memory_space<vmem>> -> memref<100x128xf32, #tpu.memory_space<vmem>>
    %dma_start3A_9 = arith.constant 0 : i32
    %dma_start3A_10 = tpu.memref_slice %arg6[%dma_start3A, %dma_start3A_3, %dma_start3A_9] : memref<128x2x100xi32, #tpu.memory_space<vmem>> -> memref<1x1x100xi32, #tpu.memory_space<vmem>>
    %dma_start3A_11 = tpu.memref_squeeze %dma_start3A_10 : memref<1x1x100xi32, #tpu.memory_space<vmem>> -> memref<100xi32, #tpu.memory_space<vmem>>
    %dma_start3A_12 = arith.constant 0 : i32
    %dma_start3A_13 = arith.constant 0 : i32
    %dma_start3A_14 = tpu.memref_slice %arg3[%dma_start3A_12, %dma_start3A_13] : memref<100000x128xf32, #tpu.memory_space<hbm>> -> memref<100000x128xf32, #tpu.memory_space<hbm>>
    tpu.enqueue_indirect_dma source(%dma_start3A_14 : memref<100000x128xf32, #tpu.memory_space<hbm>>) target(%dma_start3A_8 : memref<100x128xf32, #tpu.memory_space<vmem>>) offsets(%dma_start3A_11 : memref<100xi32, #tpu.memory_space<vmem>>) semaphore(%arg9 : memref<!tpu.dma_semaphore, #tpu.memory_space<semaphore_mem>>)
    %dma_start3A_15 = arith.constant 0 : i32
    %dma_start3A_16 = arith.constant 1 : i32
    %dma_start3A_17 = arith.constant 0 : i32
    %dma_start3A_18 = arith.constant 100 : i32
    %dma_start3A_19 = arith.constant 0 : i32
    %dma_start3A_20 = tpu.memref_slice %arg8[%dma_start3A_17, %dma_start3A_18, %dma_start3A_19] : memref<2x200x128xf32, #tpu.memory_space<vmem>> -> memref<1x100x128xf32, #tpu.memory_space<vmem>>
    %dma_start3A_21 = tpu.memref_squeeze %dma_start3A_20 : memref<1x100x128xf32, #tpu.memory_space<vmem>> -> memref<100x128xf32, #tpu.memory_space<vmem>>
    %dma_start3A_22 = arith.constant 0 : i32
    %dma_start3A_23 = tpu.memref_slice %arg6[%dma_start3A_15, %dma_start3A_16, %dma_start3A_22] : memref<128x2x100xi32, #tpu.memory_space<vmem>> -> memref<1x1x100xi32, #tpu.memory_space<vmem>>
    %dma_start3A_24 = tpu.memref_squeeze %dma_start3A_23 : memref<1x1x100xi32, #tpu.memory_space<vmem>> -> memref<100xi32, #tpu.memory_space<vmem>>
    %dma_start3A_25 = arith.constant 0 : i32
    %dma_start3A_26 = arith.constant 0 : i32
    %dma_start3A_27 = tpu.memref_slice %arg3[%dma_start3A_25, %dma_start3A_26] : memref<100000x128xf32, #tpu.memory_space<hbm>> -> memref<100000x128xf32, #tpu.memory_space<hbm>>
    tpu.enqueue_indirect_dma source(%dma_start3A_27 : memref<100000x128xf32, #tpu.memory_space<hbm>>) target(%dma_start3A_21 : memref<100x128xf32, #tpu.memory_space<vmem>>) offsets(%dma_start3A_24 : memref<100xi32, #tpu.memory_space<vmem>>) semaphore(%arg9 : memref<!tpu.dma_semaphore, #tpu.memory_space<semaphore_mem>>)
    %scan3A = arith.constant 0 : i32
    %scan3A_28 = arith.constant 0 : i32
    %scan3A_29 = arith.constant 64 : i32
    %scan3A_30 = arith.addi %scan3A_28, %scan3A_29 : i32
    %scan3A_31 = arith.constant 1 : i32
    scf.for %scan3A_92 = %scan3A_28 to %scan3A_30 step %scan3A_31  : i32 {
      %mul3A_93 = arith.constant 2 : i32
      %mul3A_94 = arith.muli %mul3A_93, %scan3A_92 : i32
      %add3A_95 = arith.constant 0 : i32
      %add3A_96 = arith.addi %mul3A_94, %add3A_95 : i32
      %ge3A = arith.constant 1 : i32
      %ge3A_97 = arith.cmpi sge, %add3A_96, %ge3A : i32
      %convert_element_type3A = arith.extui %ge3A_97 : i1 to i32
      %cond3A = arith.constant 0 : i32
      %cond3A_98 = arith.cmpi ne, %convert_element_type3A, %cond3A : i32
      scf.if %cond3A_98 {
        %dma_wait3A_336 = arith.constant 1 : i32
        %dma_wait3A_337 = arith.constant 0 : i32
        %dma_wait3A_338 = arith.constant 0 : i32
        %dma_wait3A_339 = tpu.memref_slice %arg8[%dma_wait3A_336, %dma_wait3A_337, %dma_wait3A_338] : memref<2x200x128xf32, #tpu.memory_space<vmem>> -> memref<1x48x128xf32, #tpu.memory_space<vmem>>
        %dma_wait3A_340 = tpu.memref_squeeze %dma_wait3A_339 : memref<1x48x128xf32, #tpu.memory_space<vmem>> -> memref<48x128xf32, #tpu.memory_space<vmem>>
        %dma_wait3A_341 = arith.constant 0 : i32
        %dma_wait3A_342 = arith.constant 0 : i32
        %dma_wait3A_343 = tpu.memref_slice %arg5[%dma_wait3A_341, %dma_wait3A_342] : memref<819200x128xf32, #tpu.memory_space<hbm>> -> memref<48x128xf32, #tpu.memory_space<hbm>>
        %dma_wait3A_344 = arith.constant 0 : i32
        %dma_wait3A_345 = arith.constant 0 : i32
        %dma_wait3A_346 = tpu.memref_slice %arg5[%dma_wait3A_344, %dma_wait3A_345] : memref<819200x128xf32, #tpu.memory_space<hbm>> -> memref<48x128xf32, #tpu.memory_space<hbm>>
        %dma_wait3A_347 = arith.constant 0 : i32
        %dma_wait3A_348 = arith.constant 0 : i32
        %dma_wait3A_349 = tpu.memref_slice %arg8[%dma_wait3A_336, %dma_wait3A_347, %dma_wait3A_348] : memref<2x200x128xf32, #tpu.memory_space<vmem>> -> memref<1x48x128xf32, #tpu.memory_space<vmem>>
        %dma_wait3A_350 = tpu.memref_squeeze %dma_wait3A_349 : memref<1x48x128xf32, #tpu.memory_space<vmem>> -> memref<48x128xf32, #tpu.memory_space<vmem>>
        tpu.wait_dma2 semaphore(%arg12 : memref<!tpu.dma_semaphore, #tpu.memory_space<semaphore_mem>>) src(%dma_wait3A_350 : memref<48x128xf32, #tpu.memory_space<vmem>>) dst(%dma_wait3A_346 : memref<48x128xf32, #tpu.memory_space<hbm>>)
        %dma_wait3A_351 = arith.constant 1 : i32
        %dma_wait3A_352 = arith.constant 48 : i32
        %dma_wait3A_353 = arith.constant 0 : i32
        %dma_wait3A_354 = tpu.memref_slice %arg8[%dma_wait3A_351, %dma_wait3A_352, %dma_wait3A_353] : memref<2x200x128xf32, #tpu.memory_space<vmem>> -> memref<1x48x128xf32, #tpu.memory_space<vmem>>
        %dma_wait3A_355 = tpu.memref_squeeze %dma_wait3A_354 : memref<1x48x128xf32, #tpu.memory_space<vmem>> -> memref<48x128xf32, #tpu.memory_space<vmem>>
        %dma_wait3A_356 = arith.constant 48 : i32
        %dma_wait3A_357 = arith.constant 0 : i32
        %dma_wait3A_358 = tpu.memref_slice %arg5[%dma_wait3A_356, %dma_wait3A_357] : memref<819200x128xf32, #tpu.memory_space<hbm>> -> memref<48x128xf32, #tpu.memory_space<hbm>>
        %dma_wait3A_359 = arith.constant 48 : i32
        %dma_wait3A_360 = arith.constant 0 : i32
        %dma_wait3A_361 = tpu.memref_slice %arg5[%dma_wait3A_359, %dma_wait3A_360] : memref<819200x128xf32, #tpu.memory_space<hbm>> -> memref<48x128xf32, #tpu.memory_space<hbm>>
        %dma_wait3A_362 = arith.constant 48 : i32
        %dma_wait3A_363 = arith.constant 0 : i32
        %dma_wait3A_364 = tpu.memref_slice %arg8[%dma_wait3A_351, %dma_wait3A_362, %dma_wait3A_363] : memref<2x200x128xf32, #tpu.memory_space<vmem>> -> memref<1x48x128xf32, #tpu.memory_space<vmem>>
        %dma_wait3A_365 = tpu.memref_squeeze %dma_wait3A_364 : memref<1x48x128xf32, #tpu.memory_space<vmem>> -> memref<48x128xf32, #tpu.memory_space<vmem>>
        tpu.wait_dma2 semaphore(%arg12 : memref<!tpu.dma_semaphore, #tpu.memory_space<semaphore_mem>>) src(%dma_wait3A_365 : memref<48x128xf32, #tpu.memory_space<vmem>>) dst(%dma_wait3A_361 : memref<48x128xf32, #tpu.memory_space<hbm>>)
        %dma_wait3A_366 = arith.constant 1 : i32
        %dma_wait3A_367 = arith.constant 96 : i32
        %dma_wait3A_368 = arith.constant 0 : i32
        %dma_wait3A_369 = tpu.memref_slice %arg8[%dma_wait3A_366, %dma_wait3A_367, %dma_wait3A_368] : memref<2x200x128xf32, #tpu.memory_space<vmem>> -> memref<1x48x128xf32, #tpu.memory_space<vmem>>
        %dma_wait3A_370 = tpu.memref_squeeze %dma_wait3A_369 : memref<1x48x128xf32, #tpu.memory_space<vmem>> -> memref<48x128xf32, #tpu.memory_space<vmem>>
        %dma_wait3A_371 = arith.constant 96 : i32
        %dma_wait3A_372 = arith.constant 0 : i32
        %dma_wait3A_373 = tpu.memref_slice %arg5[%dma_wait3A_371, %dma_wait3A_372] : memref<819200x128xf32, #tpu.memory_space<hbm>> -> memref<48x128xf32, #tpu.memory_space<hbm>>
        %dma_wait3A_374 = arith.constant 96 : i32
        %dma_wait3A_375 = arith.constant 0 : i32
        %dma_wait3A_376 = tpu.memref_slice %arg5[%dma_wait3A_374, %dma_wait3A_375] : memref<819200x128xf32, #tpu.memory_space<hbm>> -> memref<48x128xf32, #tpu.memory_space<hbm>>
        %dma_wait3A_377 = arith.constant 96 : i32
        %dma_wait3A_378 = arith.constant 0 : i32
        %dma_wait3A_379 = tpu.memref_slice %arg8[%dma_wait3A_366, %dma_wait3A_377, %dma_wait3A_378] : memref<2x200x128xf32, #tpu.memory_space<vmem>> -> memref<1x48x128xf32, #tpu.memory_space<vmem>>
        %dma_wait3A_380 = tpu.memref_squeeze %dma_wait3A_379 : memref<1x48x128xf32, #tpu.memory_space<vmem>> -> memref<48x128xf32, #tpu.memory_space<vmem>>
        tpu.wait_dma2 semaphore(%arg12 : memref<!tpu.dma_semaphore, #tpu.memory_space<semaphore_mem>>) src(%dma_wait3A_380 : memref<48x128xf32, #tpu.memory_space<vmem>>) dst(%dma_wait3A_376 : memref<48x128xf32, #tpu.memory_space<hbm>>)
        %dma_wait3A_381 = arith.constant 1 : i32
        %dma_wait3A_382 = arith.constant 144 : i32
        %dma_wait3A_383 = arith.constant 0 : i32
        %dma_wait3A_384 = tpu.memref_slice %arg8[%dma_wait3A_381, %dma_wait3A_382, %dma_wait3A_383] : memref<2x200x128xf32, #tpu.memory_space<vmem>> -> memref<1x56x128xf32, #tpu.memory_space<vmem>>
        %dma_wait3A_385 = tpu.memref_squeeze %dma_wait3A_384 : memref<1x56x128xf32, #tpu.memory_space<vmem>> -> memref<56x128xf32, #tpu.memory_space<vmem>>
        %dma_wait3A_386 = arith.constant 144 : i32
        %dma_wait3A_387 = arith.constant 0 : i32
        %dma_wait3A_388 = tpu.memref_slice %arg5[%dma_wait3A_386, %dma_wait3A_387] : memref<819200x128xf32, #tpu.memory_space<hbm>> -> memref<56x128xf32, #tpu.memory_space<hbm>>
        %dma_wait3A_389 = arith.constant 144 : i32
        %dma_wait3A_390 = arith.constant 0 : i32
        %dma_wait3A_391 = tpu.memref_slice %arg5[%dma_wait3A_389, %dma_wait3A_390] : memref<819200x128xf32, #tpu.memory_space<hbm>> -> memref<56x128xf32, #tpu.memory_space<hbm>>
        %dma_wait3A_392 = arith.constant 144 : i32
        %dma_wait3A_393 = arith.constant 0 : i32
        %dma_wait3A_394 = tpu.memref_slice %arg8[%dma_wait3A_381, %dma_wait3A_392, %dma_wait3A_393] : memref<2x200x128xf32, #tpu.memory_space<vmem>> -> memref<1x56x128xf32, #tpu.memory_space<vmem>>
        %dma_wait3A_395 = tpu.memref_squeeze %dma_wait3A_394 : memref<1x56x128xf32, #tpu.memory_space<vmem>> -> memref<56x128xf32, #tpu.memory_space<vmem>>
        tpu.wait_dma2 semaphore(%arg12 : memref<!tpu.dma_semaphore, #tpu.memory_space<semaphore_mem>>) src(%dma_wait3A_395 : memref<56x128xf32, #tpu.memory_space<vmem>>) dst(%dma_wait3A_391 : memref<56x128xf32, #tpu.memory_space<hbm>>)
      } else {
      }
      %add3A_99 = arith.constant 1 : i32
      %add3A_100 = arith.addi %add3A_96, %add3A_99 : i32
      %lt3A = arith.constant 128 : i32
      %lt3A_101 = arith.cmpi slt, %add3A_100, %lt3A : i32
      %convert_element_type3A_102 = arith.extui %lt3A_101 : i1 to i32
      %cond3A_103 = arith.constant 0 : i32
      %cond3A_104 = arith.cmpi ne, %convert_element_type3A_102, %cond3A_103 : i32
      scf.if %cond3A_104 {
        %add3A_336 = arith.constant 1 : i32
        %add3A_337 = arith.addi %add3A_96, %add3A_336 : i32
        %dma_start3A_338 = arith.constant 0 : i32
        %dma_start3A_339 = arith.constant 1 : i32
        %dma_start3A_340 = arith.constant 0 : i32
        %dma_start3A_341 = arith.constant 0 : i32
        %dma_start3A_342 = tpu.memref_slice %arg8[%dma_start3A_339, %dma_start3A_340, %dma_start3A_341] : memref<2x200x128xf32, #tpu.memory_space<vmem>> -> memref<1x100x128xf32, #tpu.memory_space<vmem>>
        %dma_start3A_343 = tpu.memref_squeeze %dma_start3A_342 : memref<1x100x128xf32, #tpu.memory_space<vmem>> -> memref<100x128xf32, #tpu.memory_space<vmem>>
        %dma_start3A_344 = arith.constant 0 : i32
        %dma_start3A_345 = tpu.memref_slice %arg6[%add3A_337, %dma_start3A_338, %dma_start3A_344] : memref<128x2x100xi32, #tpu.memory_space<vmem>> -> memref<1x1x100xi32, #tpu.memory_space<vmem>>
        %dma_start3A_346 = tpu.memref_squeeze %dma_start3A_345 : memref<1x1x100xi32, #tpu.memory_space<vmem>> -> memref<100xi32, #tpu.memory_space<vmem>>
        %dma_start3A_347 = arith.constant 0 : i32
        %dma_start3A_348 = arith.constant 0 : i32
        %dma_start3A_349 = tpu.memref_slice %arg3[%dma_start3A_347, %dma_start3A_348] : memref<100000x128xf32, #tpu.memory_space<hbm>> -> memref<100000x128xf32, #tpu.memory_space<hbm>>
        tpu.enqueue_indirect_dma source(%dma_start3A_349 : memref<100000x128xf32, #tpu.memory_space<hbm>>) target(%dma_start3A_343 : memref<100x128xf32, #tpu.memory_space<vmem>>) offsets(%dma_start3A_346 : memref<100xi32, #tpu.memory_space<vmem>>) semaphore(%arg10 : memref<!tpu.dma_semaphore, #tpu.memory_space<semaphore_mem>>)
        %dma_start3A_350 = arith.constant 1 : i32
        %dma_start3A_351 = arith.constant 1 : i32
        %dma_start3A_352 = arith.constant 100 : i32
        %dma_start3A_353 = arith.constant 0 : i32
        %dma_start3A_354 = tpu.memref_slice %arg8[%dma_start3A_351, %dma_start3A_352, %dma_start3A_353] : memref<2x200x128xf32, #tpu.memory_space<vmem>> -> memref<1x100x128xf32, #tpu.memory_space<vmem>>
        %dma_start3A_355 = tpu.memref_squeeze %dma_start3A_354 : memref<1x100x128xf32, #tpu.memory_space<vmem>> -> memref<100x128xf32, #tpu.memory_space<vmem>>
        %dma_start3A_356 = arith.constant 0 : i32
        %dma_start3A_357 = tpu.memref_slice %arg6[%add3A_337, %dma_start3A_350, %dma_start3A_356] : memref<128x2x100xi32, #tpu.memory_space<vmem>> -> memref<1x1x100xi32, #tpu.memory_space<vmem>>
        %dma_start3A_358 = tpu.memref_squeeze %dma_start3A_357 : memref<1x1x100xi32, #tpu.memory_space<vmem>> -> memref<100xi32, #tpu.memory_space<vmem>>
        %dma_start3A_359 = arith.constant 0 : i32
        %dma_start3A_360 = arith.constant 0 : i32
        %dma_start3A_361 = tpu.memref_slice %arg3[%dma_start3A_359, %dma_start3A_360] : memref<100000x128xf32, #tpu.memory_space<hbm>> -> memref<100000x128xf32, #tpu.memory_space<hbm>>
        tpu.enqueue_indirect_dma source(%dma_start3A_361 : memref<100000x128xf32, #tpu.memory_space<hbm>>) target(%dma_start3A_355 : memref<100x128xf32, #tpu.memory_space<vmem>>) offsets(%dma_start3A_358 : memref<100xi32, #tpu.memory_space<vmem>>) semaphore(%arg10 : memref<!tpu.dma_semaphore, #tpu.memory_space<semaphore_mem>>)
      } else {
      }
      %dma_wait3A_105 = arith.constant 0 : i32
      %dma_wait3A_106 = arith.constant 0 : i32
      %dma_wait3A_107 = arith.constant 0 : i32
      %dma_wait3A_108 = arith.constant 0 : i32
      %dma_wait3A_109 = tpu.memref_slice %arg8[%dma_wait3A_106, %dma_wait3A_107, %dma_wait3A_108] : memref<2x200x128xf32, #tpu.memory_space<vmem>> -> memref<1x100x128xf32, #tpu.memory_space<vmem>>
      %dma_wait3A_110 = tpu.memref_squeeze %dma_wait3A_109 : memref<1x100x128xf32, #tpu.memory_space<vmem>> -> memref<100x128xf32, #tpu.memory_space<vmem>>
      %dma_wait3A_111 = arith.constant 0 : i32
      %dma_wait3A_112 = tpu.memref_slice %arg6[%add3A_96, %dma_wait3A_105, %dma_wait3A_111] : memref<128x2x100xi32, #tpu.memory_space<vmem>> -> memref<1x1x100xi32, #tpu.memory_space<vmem>>
      %dma_wait3A_113 = tpu.memref_squeeze %dma_wait3A_112 : memref<1x1x100xi32, #tpu.memory_space<vmem>> -> memref<100xi32, #tpu.memory_space<vmem>>
      %dma_wait3A_114 = arith.constant 0 : i32
      %dma_wait3A_115 = arith.constant 0 : i32
      %dma_wait3A_116 = tpu.memref_slice %arg3[%dma_wait3A_114, %dma_wait3A_115] : memref<100000x128xf32, #tpu.memory_space<hbm>> -> memref<100000x128xf32, #tpu.memory_space<hbm>>
      tpu.wait_indirect_dma semaphore(%arg9 : memref<!tpu.dma_semaphore, #tpu.memory_space<semaphore_mem>>) src(%dma_wait3A_116 : memref<100000x128xf32, #tpu.memory_space<hbm>>) dst(%dma_wait3A_110 : memref<100x128xf32, #tpu.memory_space<vmem>>)
      %dma_wait3A_117 = arith.constant 1 : i32
      %dma_wait3A_118 = arith.constant 0 : i32
      %dma_wait3A_119 = arith.constant 100 : i32
      %dma_wait3A_120 = arith.constant 0 : i32
      %dma_wait3A_121 = tpu.memref_slice %arg8[%dma_wait3A_118, %dma_wait3A_119, %dma_wait3A_120] : memref<2x200x128xf32, #tpu.memory_space<vmem>> -> memref<1x100x128xf32, #tpu.memory_space<vmem>>
      %dma_wait3A_122 = tpu.memref_squeeze %dma_wait3A_121 : memref<1x100x128xf32, #tpu.memory_space<vmem>> -> memref<100x128xf32, #tpu.memory_space<vmem>>
      %dma_wait3A_123 = arith.constant 0 : i32
      %dma_wait3A_124 = tpu.memref_slice %arg6[%add3A_96, %dma_wait3A_117, %dma_wait3A_123] : memref<128x2x100xi32, #tpu.memory_space<vmem>> -> memref<1x1x100xi32, #tpu.memory_space<vmem>>
      %dma_wait3A_125 = tpu.memref_squeeze %dma_wait3A_124 : memref<1x1x100xi32, #tpu.memory_space<vmem>> -> memref<100xi32, #tpu.memory_space<vmem>>
      %dma_wait3A_126 = arith.constant 0 : i32
      %dma_wait3A_127 = arith.constant 0 : i32
      %dma_wait3A_128 = tpu.memref_slice %arg3[%dma_wait3A_126, %dma_wait3A_127] : memref<100000x128xf32, #tpu.memory_space<hbm>> -> memref<100000x128xf32, #tpu.memory_space<hbm>>
      tpu.wait_indirect_dma semaphore(%arg9 : memref<!tpu.dma_semaphore, #tpu.memory_space<semaphore_mem>>) src(%dma_wait3A_128 : memref<100000x128xf32, #tpu.memory_space<hbm>>) dst(%dma_wait3A_122 : memref<100x128xf32, #tpu.memory_space<vmem>>)
      %parallel_loop3A = arith.constant 0 : i32
      %parallel_loop3A_129 = arith.constant 48 : i32
      %parallel_loop3A_130 = arith.constant 1 : i32
      scf.for %parallel_loop3A_336 = %parallel_loop3A to %parallel_loop3A_129 step %parallel_loop3A_130  : i32 {
        %parallel_loop3A_337 = arith.index_cast %parallel_loop3A_336 : i32 to index
        %parallel_loop3A_338 = arith.constant 0 : index
        %parallel_loop3A_339 = tpu.vector_load %arg7[%parallel_loop3A_337, %parallel_loop3A_338] {strides = array<i32>} : memref<200x128xf32, #tpu.memory_space<vmem>>, vector<1x16xf32>,
        %parallel_loop3A_340 = vector.shape_cast %parallel_loop3A_339 : vector<1x16xf32> to vector<16xf32>
        %parallel_loop3A_341 = arith.constant 0 : i32
        %parallel_loop3A_342 = arith.index_cast %parallel_loop3A_341 : i32 to index
        %parallel_loop3A_343 = arith.index_cast %parallel_loop3A_336 : i32 to index
        %parallel_loop3A_344 = arith.constant 0 : index
        %parallel_loop3A_345 = tpu.vector_load %arg8[%parallel_loop3A_342, %parallel_loop3A_343, %parallel_loop3A_344] {strides = array<i32>} : memref<2x200x128xf32, #tpu.memory_space<vmem>>, vector<1x1x16xf32>,
        %parallel_loop3A_346 = vector.shape_cast %parallel_loop3A_345 : vector<1x1x16xf32> to vector<16xf32>
        %parallel_loop3A_347 = vector.shape_cast %parallel_loop3A_340 : vector<16xf32> to vector<1x1x16xf32>
        tpu.vector_store %arg8[%parallel_loop3A_342, %parallel_loop3A_343, %parallel_loop3A_344], %parallel_loop3A_347 {add = true, strides = array<i32>} : memref<2x200x128xf32, #tpu.memory_space<vmem>>, vector<1x1x16xf32>,
        %parallel_loop3A_348 = arith.index_cast %parallel_loop3A_336 : i32 to index
        %parallel_loop3A_349 = arith.constant 16 : index
        %parallel_loop3A_350 = tpu.vector_load %arg7[%parallel_loop3A_348, %parallel_loop3A_349] {strides = array<i32>} : memref<200x128xf32, #tpu.memory_space<vmem>>, vector<1x16xf32>,
        %parallel_loop3A_351 = vector.shape_cast %parallel_loop3A_350 : vector<1x16xf32> to vector<16xf32>
        %parallel_loop3A_352 = arith.constant 0 : i32
        %parallel_loop3A_353 = arith.index_cast %parallel_loop3A_352 : i32 to index
        %parallel_loop3A_354 = arith.index_cast %parallel_loop3A_336 : i32 to index
        %parallel_loop3A_355 = arith.constant 16 : index
        %parallel_loop3A_356 = tpu.vector_load %arg8[%parallel_loop3A_353, %parallel_loop3A_354, %parallel_loop3A_355] {strides = array<i32>} : memref<2x200x128xf32, #tpu.memory_space<vmem>>, vector<1x1x16xf32>,
        %parallel_loop3A_357 = vector.shape_cast %parallel_loop3A_356 : vector<1x1x16xf32> to vector<16xf32>
        %parallel_loop3A_358 = vector.shape_cast %parallel_loop3A_351 : vector<16xf32> to vector<1x1x16xf32>
        tpu.vector_store %arg8[%parallel_loop3A_353, %parallel_loop3A_354, %parallel_loop3A_355], %parallel_loop3A_358 {add = true, strides = array<i32>} : memref<2x200x128xf32, #tpu.memory_space<vmem>>, vector<1x1x16xf32>,
        %parallel_loop3A_359 = arith.index_cast %parallel_loop3A_336 : i32 to index
        %parallel_loop3A_360 = arith.constant 32 : index
        %parallel_loop3A_361 = tpu.vector_load %arg7[%parallel_loop3A_359, %parallel_loop3A_360] {strides = array<i32>} : memref<200x128xf32, #tpu.memory_space<vmem>>, vector<1x16xf32>,
        %parallel_loop3A_362 = vector.shape_cast %parallel_loop3A_361 : vector<1x16xf32> to vector<16xf32>
        %parallel_loop3A_363 = arith.constant 0 : i32
        %parallel_loop3A_364 = arith.index_cast %parallel_loop3A_363 : i32 to index
        %parallel_loop3A_365 = arith.index_cast %parallel_loop3A_336 : i32 to index
        %parallel_loop3A_366 = arith.constant 32 : index
        %parallel_loop3A_367 = tpu.vector_load %arg8[%parallel_loop3A_364, %parallel_loop3A_365, %parallel_loop3A_366] {strides = array<i32>} : memref<2x200x128xf32, #tpu.memory_space<vmem>>, vector<1x1x16xf32>,
        %parallel_loop3A_368 = vector.shape_cast %parallel_loop3A_367 : vector<1x1x16xf32> to vector<16xf32>
        %parallel_loop3A_369 = vector.shape_cast %parallel_loop3A_362 : vector<16xf32> to vector<1x1x16xf32>
        tpu.vector_store %arg8[%parallel_loop3A_364, %parallel_loop3A_365, %parallel_loop3A_366], %parallel_loop3A_369 {add = true, strides = array<i32>} : memref<2x200x128xf32, #tpu.memory_space<vmem>>, vector<1x1x16xf32>,
        %parallel_loop3A_370 = arith.index_cast %parallel_loop3A_336 : i32 to index
        %parallel_loop3A_371 = arith.constant 48 : index
        %parallel_loop3A_372 = tpu.vector_load %arg7[%parallel_loop3A_370, %parallel_loop3A_371] {strides = array<i32>} : memref<200x128xf32, #tpu.memory_space<vmem>>, vector<1x16xf32>,
        %parallel_loop3A_373 = vector.shape_cast %parallel_loop3A_372 : vector<1x16xf32> to vector<16xf32>
        %parallel_loop3A_374 = arith.constant 0 : i32
        %parallel_loop3A_375 = arith.index_cast %parallel_loop3A_374 : i32 to index
        %parallel_loop3A_376 = arith.index_cast %parallel_loop3A_336 : i32 to index
        %parallel_loop3A_377 = arith.constant 48 : index
        %parallel_loop3A_378 = tpu.vector_load %arg8[%parallel_loop3A_375, %parallel_loop3A_376, %parallel_loop3A_377] {strides = array<i32>} : memref<2x200x128xf32, #tpu.memory_space<vmem>>, vector<1x1x16xf32>,
        %parallel_loop3A_379 = vector.shape_cast %parallel_loop3A_378 : vector<1x1x16xf32> to vector<16xf32>
        %parallel_loop3A_380 = vector.shape_cast %parallel_loop3A_373 : vector<16xf32> to vector<1x1x16xf32>
        tpu.vector_store %arg8[%parallel_loop3A_375, %parallel_loop3A_376, %parallel_loop3A_377], %parallel_loop3A_380 {add = true, strides = array<i32>} : memref<2x200x128xf32, #tpu.memory_space<vmem>>, vector<1x1x16xf32>,
        %parallel_loop3A_381 = arith.index_cast %parallel_loop3A_336 : i32 to index
        %parallel_loop3A_382 = arith.constant 64 : index
        %parallel_loop3A_383 = tpu.vector_load %arg7[%parallel_loop3A_381, %parallel_loop3A_382] {strides = array<i32>} : memref<200x128xf32, #tpu.memory_space<vmem>>, vector<1x16xf32>,
        %parallel_loop3A_384 = vector.shape_cast %parallel_loop3A_383 : vector<1x16xf32> to vector<16xf32>
        %parallel_loop3A_385 = arith.constant 0 : i32
        %parallel_loop3A_386 = arith.index_cast %parallel_loop3A_385 : i32 to index
        %parallel_loop3A_387 = arith.index_cast %parallel_loop3A_336 : i32 to index
        %parallel_loop3A_388 = arith.constant 64 : index
        %parallel_loop3A_389 = tpu.vector_load %arg8[%parallel_loop3A_386, %parallel_loop3A_387, %parallel_loop3A_388] {strides = array<i32>} : memref<2x200x128xf32, #tpu.memory_space<vmem>>, vector<1x1x16xf32>,
        %parallel_loop3A_390 = vector.shape_cast %parallel_loop3A_389 : vector<1x1x16xf32> to vector<16xf32>
        %parallel_loop3A_391 = vector.shape_cast %parallel_loop3A_384 : vector<16xf32> to vector<1x1x16xf32>
        tpu.vector_store %arg8[%parallel_loop3A_386, %parallel_loop3A_387, %parallel_loop3A_388], %parallel_loop3A_391 {add = true, strides = array<i32>} : memref<2x200x128xf32, #tpu.memory_space<vmem>>, vector<1x1x16xf32>,
        %parallel_loop3A_392 = arith.index_cast %parallel_loop3A_336 : i32 to index
        %parallel_loop3A_393 = arith.constant 80 : index
        %parallel_loop3A_394 = tpu.vector_load %arg7[%parallel_loop3A_392, %parallel_loop3A_393] {strides = array<i32>} : memref<200x128xf32, #tpu.memory_space<vmem>>, vector<1x16xf32>,
        %parallel_loop3A_395 = vector.shape_cast %parallel_loop3A_394 : vector<1x16xf32> to vector<16xf32>
        %parallel_loop3A_396 = arith.constant 0 : i32
        %parallel_loop3A_397 = arith.index_cast %parallel_loop3A_396 : i32 to index
        %parallel_loop3A_398 = arith.index_cast %parallel_loop3A_336 : i32 to index
        %parallel_loop3A_399 = arith.constant 80 : index
        %parallel_loop3A_400 = tpu.vector_load %arg8[%parallel_loop3A_397, %parallel_loop3A_398, %parallel_loop3A_399] {strides = array<i32>} : memref<2x200x128xf32, #tpu.memory_space<vmem>>, vector<1x1x16xf32>,
        %parallel_loop3A_401 = vector.shape_cast %parallel_loop3A_400 : vector<1x1x16xf32> to vector<16xf32>
        %parallel_loop3A_402 = vector.shape_cast %parallel_loop3A_395 : vector<16xf32> to vector<1x1x16xf32>
        tpu.vector_store %arg8[%parallel_loop3A_397, %parallel_loop3A_398, %parallel_loop3A_399], %parallel_loop3A_402 {add = true, strides = array<i32>} : memref<2x200x128xf32, #tpu.memory_space<vmem>>, vector<1x1x16xf32>,
        %parallel_loop3A_403 = arith.index_cast %parallel_loop3A_336 : i32 to index
        %parallel_loop3A_404 = arith.constant 96 : index
        %parallel_loop3A_405 = tpu.vector_load %arg7[%parallel_loop3A_403, %parallel_loop3A_404] {strides = array<i32>} : memref<200x128xf32, #tpu.memory_space<vmem>>, vector<1x16xf32>,
        %parallel_loop3A_406 = vector.shape_cast %parallel_loop3A_405 : vector<1x16xf32> to vector<16xf32>
        %parallel_loop3A_407 = arith.constant 0 : i32
        %parallel_loop3A_408 = arith.index_cast %parallel_loop3A_407 : i32 to index
        %parallel_loop3A_409 = arith.index_cast %parallel_loop3A_336 : i32 to index
        %parallel_loop3A_410 = arith.constant 96 : index
        %parallel_loop3A_411 = tpu.vector_load %arg8[%parallel_loop3A_408, %parallel_loop3A_409, %parallel_loop3A_410] {strides = array<i32>} : memref<2x200x128xf32, #tpu.memory_space<vmem>>, vector<1x1x16xf32>,
        %parallel_loop3A_412 = vector.shape_cast %parallel_loop3A_411 : vector<1x1x16xf32> to vector<16xf32>
        %parallel_loop3A_413 = vector.shape_cast %parallel_loop3A_406 : vector<16xf32> to vector<1x1x16xf32>
        tpu.vector_store %arg8[%parallel_loop3A_408, %parallel_loop3A_409, %parallel_loop3A_410], %parallel_loop3A_413 {add = true, strides = array<i32>} : memref<2x200x128xf32, #tpu.memory_space<vmem>>, vector<1x1x16xf32>,
        %parallel_loop3A_414 = arith.index_cast %parallel_loop3A_336 : i32 to index
        %parallel_loop3A_415 = arith.constant 112 : index
        %parallel_loop3A_416 = tpu.vector_load %arg7[%parallel_loop3A_414, %parallel_loop3A_415] {strides = array<i32>} : memref<200x128xf32, #tpu.memory_space<vmem>>, vector<1x16xf32>,
        %parallel_loop3A_417 = vector.shape_cast %parallel_loop3A_416 : vector<1x16xf32> to vector<16xf32>
        %parallel_loop3A_418 = arith.constant 0 : i32
        %parallel_loop3A_419 = arith.index_cast %parallel_loop3A_418 : i32 to index
        %parallel_loop3A_420 = arith.index_cast %parallel_loop3A_336 : i32 to index
        %parallel_loop3A_421 = arith.constant 112 : index
        %parallel_loop3A_422 = tpu.vector_load %arg8[%parallel_loop3A_419, %parallel_loop3A_420, %parallel_loop3A_421] {strides = array<i32>} : memref<2x200x128xf32, #tpu.memory_space<vmem>>, vector<1x1x16xf32>,
        %parallel_loop3A_423 = vector.shape_cast %parallel_loop3A_422 : vector<1x1x16xf32> to vector<16xf32>
        %parallel_loop3A_424 = vector.shape_cast %parallel_loop3A_417 : vector<16xf32> to vector<1x1x16xf32>
        tpu.vector_store %arg8[%parallel_loop3A_419, %parallel_loop3A_420, %parallel_loop3A_421], %parallel_loop3A_424 {add = true, strides = array<i32>} : memref<2x200x128xf32, #tpu.memory_space<vmem>>, vector<1x1x16xf32>,
      } {sc.loop_unroll_factor = 4 : i64, sc.parallel_access}
      %add3A_131 = arith.addi %mul3A_2, %add3A_96 : i32
      %mul3A_132 = arith.constant 200 : i32
      %mul3A_133 = arith.muli %add3A_131, %mul3A_132 : i32
      %add3A_134 = arith.constant 0 : i32
      %add3A_135 = arith.addi %mul3A_133, %add3A_134 : i32
      %dma_start3A_136 = arith.constant 0 : i32
      %dma_start3A_137 = arith.constant 0 : i32
      %dma_start3A_138 = arith.constant 0 : i32
      %dma_start3A_139 = tpu.memref_slice %arg8[%dma_start3A_136, %dma_start3A_137, %dma_start3A_138] : memref<2x200x128xf32, #tpu.memory_space<vmem>> -> memref<1x48x128xf32, #tpu.memory_space<vmem>>
      %dma_start3A_140 = tpu.memref_squeeze %dma_start3A_139 : memref<1x48x128xf32, #tpu.memory_space<vmem>> -> memref<48x128xf32, #tpu.memory_space<vmem>>
      %dma_start3A_141 = arith.constant 0 : i32
      %dma_start3A_142 = tpu.memref_slice %arg5[%add3A_135, %dma_start3A_141] : memref<819200x128xf32, #tpu.memory_space<hbm>> -> memref<48x128xf32, #tpu.memory_space<hbm>>
      %dma_start3A_143 = arith.constant 0 : i32
      %dma_start3A_144 = tpu.memref_slice %arg5[%add3A_135, %dma_start3A_143] : memref<819200x128xf32, #tpu.memory_space<hbm>> -> memref<48x128xf32, #tpu.memory_space<hbm>>
      %dma_start3A_145 = arith.constant 0 : i32
      %dma_start3A_146 = arith.constant 0 : i32
      %dma_start3A_147 = tpu.memref_slice %arg8[%dma_start3A_136, %dma_start3A_145, %dma_start3A_146] : memref<2x200x128xf32, #tpu.memory_space<vmem>> -> memref<1x48x128xf32, #tpu.memory_space<vmem>>
      %dma_start3A_148 = tpu.memref_squeeze %dma_start3A_147 : memref<1x48x128xf32, #tpu.memory_space<vmem>> -> memref<48x128xf32, #tpu.memory_space<vmem>>
      tpu.enqueue_dma source(%dma_start3A_148 : memref<48x128xf32, #tpu.memory_space<vmem>>) target(%dma_start3A_144 : memref<48x128xf32, #tpu.memory_space<hbm>>) target_semaphore(%arg11 : memref<!tpu.dma_semaphore, #tpu.memory_space<semaphore_mem>>)
      %parallel_loop3A_149 = arith.constant 48 : i32
      %parallel_loop3A_150 = arith.constant 96 : i32
      %parallel_loop3A_151 = arith.constant 1 : i32
      scf.for %parallel_loop3A_336 = %parallel_loop3A_149 to %parallel_loop3A_150 step %parallel_loop3A_151  : i32 {
        %parallel_loop3A_337 = arith.index_cast %parallel_loop3A_336 : i32 to index
        %parallel_loop3A_338 = arith.constant 0 : index
        %parallel_loop3A_339 = tpu.vector_load %arg7[%parallel_loop3A_337, %parallel_loop3A_338] {strides = array<i32>} : memref<200x128xf32, #tpu.memory_space<vmem>>, vector<1x16xf32>,
        %parallel_loop3A_340 = vector.shape_cast %parallel_loop3A_339 : vector<1x16xf32> to vector<16xf32>
        %parallel_loop3A_341 = arith.constant 0 : i32
        %parallel_loop3A_342 = arith.index_cast %parallel_loop3A_341 : i32 to index
        %parallel_loop3A_343 = arith.index_cast %parallel_loop3A_336 : i32 to index
        %parallel_loop3A_344 = arith.constant 0 : index
        %parallel_loop3A_345 = tpu.vector_load %arg8[%parallel_loop3A_342, %parallel_loop3A_343, %parallel_loop3A_344] {strides = array<i32>} : memref<2x200x128xf32, #tpu.memory_space<vmem>>, vector<1x1x16xf32>,
        %parallel_loop3A_346 = vector.shape_cast %parallel_loop3A_345 : vector<1x1x16xf32> to vector<16xf32>
        %parallel_loop3A_347 = vector.shape_cast %parallel_loop3A_340 : vector<16xf32> to vector<1x1x16xf32>
        tpu.vector_store %arg8[%parallel_loop3A_342, %parallel_loop3A_343, %parallel_loop3A_344], %parallel_loop3A_347 {add = true, strides = array<i32>} : memref<2x200x128xf32, #tpu.memory_space<vmem>>, vector<1x1x16xf32>,
        %parallel_loop3A_348 = arith.index_cast %parallel_loop3A_336 : i32 to index
        %parallel_loop3A_349 = arith.constant 16 : index
        %parallel_loop3A_350 = tpu.vector_load %arg7[%parallel_loop3A_348, %parallel_loop3A_349] {strides = array<i32>} : memref<200x128xf32, #tpu.memory_space<vmem>>, vector<1x16xf32>,
        %parallel_loop3A_351 = vector.shape_cast %parallel_loop3A_350 : vector<1x16xf32> to vector<16xf32>
        %parallel_loop3A_352 = arith.constant 0 : i32
        %parallel_loop3A_353 = arith.index_cast %parallel_loop3A_352 : i32 to index
        %parallel_loop3A_354 = arith.index_cast %parallel_loop3A_336 : i32 to index
        %parallel_loop3A_355 = arith.constant 16 : index
        %parallel_loop3A_356 = tpu.vector_load %arg8[%parallel_loop3A_353, %parallel_loop3A_354, %parallel_loop3A_355] {strides = array<i32>} : memref<2x200x128xf32, #tpu.memory_space<vmem>>, vector<1x1x16xf32>,
        %parallel_loop3A_357 = vector.shape_cast %parallel_loop3A_356 : vector<1x1x16xf32> to vector<16xf32>
        %parallel_loop3A_358 = vector.shape_cast %parallel_loop3A_351 : vector<16xf32> to vector<1x1x16xf32>
        tpu.vector_store %arg8[%parallel_loop3A_353, %parallel_loop3A_354, %parallel_loop3A_355], %parallel_loop3A_358 {add = true, strides = array<i32>} : memref<2x200x128xf32, #tpu.memory_space<vmem>>, vector<1x1x16xf32>,
        %parallel_loop3A_359 = arith.index_cast %parallel_loop3A_336 : i32 to index
        %parallel_loop3A_360 = arith.constant 32 : index
        %parallel_loop3A_361 = tpu.vector_load %arg7[%parallel_loop3A_359, %parallel_loop3A_360] {strides = array<i32>} : memref<200x128xf32, #tpu.memory_space<vmem>>, vector<1x16xf32>,
        %parallel_loop3A_362 = vector.shape_cast %parallel_loop3A_361 : vector<1x16xf32> to vector<16xf32>
        %parallel_loop3A_363 = arith.constant 0 : i32
        %parallel_loop3A_364 = arith.index_cast %parallel_loop3A_363 : i32 to index
        %parallel_loop3A_365 = arith.index_cast %parallel_loop3A_336 : i32 to index
        %parallel_loop3A_366 = arith.constant 32 : index
        %parallel_loop3A_367 = tpu.vector_load %arg8[%parallel_loop3A_364, %parallel_loop3A_365, %parallel_loop3A_366] {strides = array<i32>} : memref<2x200x128xf32, #tpu.memory_space<vmem>>, vector<1x1x16xf32>,
        %parallel_loop3A_368 = vector.shape_cast %parallel_loop3A_367 : vector<1x1x16xf32> to vector<16xf32>
        %parallel_loop3A_369 = vector.shape_cast %parallel_loop3A_362 : vector<16xf32> to vector<1x1x16xf32>
        tpu.vector_store %arg8[%parallel_loop3A_364, %parallel_loop3A_365, %parallel_loop3A_366], %parallel_loop3A_369 {add = true, strides = array<i32>} : memref<2x200x128xf32, #tpu.memory_space<vmem>>, vector<1x1x16xf32>,
        %parallel_loop3A_370 = arith.index_cast %parallel_loop3A_336 : i32 to index
        %parallel_loop3A_371 = arith.constant 48 : index
        %parallel_loop3A_372 = tpu.vector_load %arg7[%parallel_loop3A_370, %parallel_loop3A_371] {strides = array<i32>} : memref<200x128xf32, #tpu.memory_space<vmem>>, vector<1x16xf32>,
        %parallel_loop3A_373 = vector.shape_cast %parallel_loop3A_372 : vector<1x16xf32> to vector<16xf32>
        %parallel_loop3A_374 = arith.constant 0 : i32
        %parallel_loop3A_375 = arith.index_cast %parallel_loop3A_374 : i32 to index
        %parallel_loop3A_376 = arith.index_cast %parallel_loop3A_336 : i32 to index
        %parallel_loop3A_377 = arith.constant 48 : index
        %parallel_loop3A_378 = tpu.vector_load %arg8[%parallel_loop3A_375, %parallel_loop3A_376, %parallel_loop3A_377] {strides = array<i32>} : memref<2x200x128xf32, #tpu.memory_space<vmem>>, vector<1x1x16xf32>,
        %parallel_loop3A_379 = vector.shape_cast %parallel_loop3A_378 : vector<1x1x16xf32> to vector<16xf32>
        %parallel_loop3A_380 = vector.shape_cast %parallel_loop3A_373 : vector<16xf32> to vector<1x1x16xf32>
        tpu.vector_store %arg8[%parallel_loop3A_375, %parallel_loop3A_376, %parallel_loop3A_377], %parallel_loop3A_380 {add = true, strides = array<i32>} : memref<2x200x128xf32, #tpu.memory_space<vmem>>, vector<1x1x16xf32>,
        %parallel_loop3A_381 = arith.index_cast %parallel_loop3A_336 : i32 to index
        %parallel_loop3A_382 = arith.constant 64 : index
        %parallel_loop3A_383 = tpu.vector_load %arg7[%parallel_loop3A_381, %parallel_loop3A_382] {strides = array<i32>} : memref<200x128xf32, #tpu.memory_space<vmem>>, vector<1x16xf32>,
        %parallel_loop3A_384 = vector.shape_cast %parallel_loop3A_383 : vector<1x16xf32> to vector<16xf32>
        %parallel_loop3A_385 = arith.constant 0 : i32
        %parallel_loop3A_386 = arith.index_cast %parallel_loop3A_385 : i32 to index
        %parallel_loop3A_387 = arith.index_cast %parallel_loop3A_336 : i32 to index
        %parallel_loop3A_388 = arith.constant 64 : index
        %parallel_loop3A_389 = tpu.vector_load %arg8[%parallel_loop3A_386, %parallel_loop3A_387, %parallel_loop3A_388] {strides = array<i32>} : memref<2x200x128xf32, #tpu.memory_space<vmem>>, vector<1x1x16xf32>,
        %parallel_loop3A_390 = vector.shape_cast %parallel_loop3A_389 : vector<1x1x16xf32> to vector<16xf32>
        %parallel_loop3A_391 = vector.shape_cast %parallel_loop3A_384 : vector<16xf32> to vector<1x1x16xf32>
        tpu.vector_store %arg8[%parallel_loop3A_386, %parallel_loop3A_387, %parallel_loop3A_388], %parallel_loop3A_391 {add = true, strides = array<i32>} : memref<2x200x128xf32, #tpu.memory_space<vmem>>, vector<1x1x16xf32>,
        %parallel_loop3A_392 = arith.index_cast %parallel_loop3A_336 : i32 to index
        %parallel_loop3A_393 = arith.constant 80 : index
        %parallel_loop3A_394 = tpu.vector_load %arg7[%parallel_loop3A_392, %parallel_loop3A_393] {strides = array<i32>} : memref<200x128xf32, #tpu.memory_space<vmem>>, vector<1x16xf32>,
        %parallel_loop3A_395 = vector.shape_cast %parallel_loop3A_394 : vector<1x16xf32> to vector<16xf32>
        %parallel_loop3A_396 = arith.constant 0 : i32
        %parallel_loop3A_397 = arith.index_cast %parallel_loop3A_396 : i32 to index
        %parallel_loop3A_398 = arith.index_cast %parallel_loop3A_336 : i32 to index
        %parallel_loop3A_399 = arith.constant 80 : index
        %parallel_loop3A_400 = tpu.vector_load %arg8[%parallel_loop3A_397, %parallel_loop3A_398, %parallel_loop3A_399] {strides = array<i32>} : memref<2x200x128xf32, #tpu.memory_space<vmem>>, vector<1x1x16xf32>,
        %parallel_loop3A_401 = vector.shape_cast %parallel_loop3A_400 : vector<1x1x16xf32> to vector<16xf32>
        %parallel_loop3A_402 = vector.shape_cast %parallel_loop3A_395 : vector<16xf32> to vector<1x1x16xf32>
        tpu.vector_store %arg8[%parallel_loop3A_397, %parallel_loop3A_398, %parallel_loop3A_399], %parallel_loop3A_402 {add = true, strides = array<i32>} : memref<2x200x128xf32, #tpu.memory_space<vmem>>, vector<1x1x16xf32>,
        %parallel_loop3A_403 = arith.index_cast %parallel_loop3A_336 : i32 to index
        %parallel_loop3A_404 = arith.constant 96 : index
        %parallel_loop3A_405 = tpu.vector_load %arg7[%parallel_loop3A_403, %parallel_loop3A_404] {strides = array<i32>} : memref<200x128xf32, #tpu.memory_space<vmem>>, vector<1x16xf32>,
        %parallel_loop3A_406 = vector.shape_cast %parallel_loop3A_405 : vector<1x16xf32> to vector<16xf32>
        %parallel_loop3A_407 = arith.constant 0 : i32
        %parallel_loop3A_408 = arith.index_cast %parallel_loop3A_407 : i32 to index
        %parallel_loop3A_409 = arith.index_cast %parallel_loop3A_336 : i32 to index
        %parallel_loop3A_410 = arith.constant 96 : index
        %parallel_loop3A_411 = tpu.vector_load %arg8[%parallel_loop3A_408, %parallel_loop3A_409, %parallel_loop3A_410] {strides = array<i32>} : memref<2x200x128xf32, #tpu.memory_space<vmem>>, vector<1x1x16xf32>,
        %parallel_loop3A_412 = vector.shape_cast %parallel_loop3A_411 : vector<1x1x16xf32> to vector<16xf32>
        %parallel_loop3A_413 = vector.shape_cast %parallel_loop3A_406 : vector<16xf32> to vector<1x1x16xf32>
        tpu.vector_store %arg8[%parallel_loop3A_408, %parallel_loop3A_409, %parallel_loop3A_410], %parallel_loop3A_413 {add = true, strides = array<i32>} : memref<2x200x128xf32, #tpu.memory_space<vmem>>, vector<1x1x16xf32>,
        %parallel_loop3A_414 = arith.index_cast %parallel_loop3A_336 : i32 to index
        %parallel_loop3A_415 = arith.constant 112 : index
        %parallel_loop3A_416 = tpu.vector_load %arg7[%parallel_loop3A_414, %parallel_loop3A_415] {strides = array<i32>} : memref<200x128xf32, #tpu.memory_space<vmem>>, vector<1x16xf32>,
        %parallel_loop3A_417 = vector.shape_cast %parallel_loop3A_416 : vector<1x16xf32> to vector<16xf32>
        %parallel_loop3A_418 = arith.constant 0 : i32
        %parallel_loop3A_419 = arith.index_cast %parallel_loop3A_418 : i32 to index
        %parallel_loop3A_420 = arith.index_cast %parallel_loop3A_336 : i32 to index
        %parallel_loop3A_421 = arith.constant 112 : index
        %parallel_loop3A_422 = tpu.vector_load %arg8[%parallel_loop3A_419, %parallel_loop3A_420, %parallel_loop3A_421] {strides = array<i32>} : memref<2x200x128xf32, #tpu.memory_space<vmem>>, vector<1x1x16xf32>,
        %parallel_loop3A_423 = vector.shape_cast %parallel_loop3A_422 : vector<1x1x16xf32> to vector<16xf32>
        %parallel_loop3A_424 = vector.shape_cast %parallel_loop3A_417 : vector<16xf32> to vector<1x1x16xf32>
        tpu.vector_store %arg8[%parallel_loop3A_419, %parallel_loop3A_420, %parallel_loop3A_421], %parallel_loop3A_424 {add = true, strides = array<i32>} : memref<2x200x128xf32, #tpu.memory_space<vmem>>, vector<1x1x16xf32>,
      } {sc.loop_unroll_factor = 4 : i64, sc.parallel_access}
      %add3A_152 = arith.addi %mul3A_2, %add3A_96 : i32
      %mul3A_153 = arith.constant 200 : i32
      %mul3A_154 = arith.muli %add3A_152, %mul3A_153 : i32
      %add3A_155 = arith.constant 48 : i32
      %add3A_156 = arith.addi %mul3A_154, %add3A_155 : i32
      %dma_start3A_157 = arith.constant 0 : i32
      %dma_start3A_158 = arith.constant 48 : i32
      %dma_start3A_159 = arith.constant 0 : i32
      %dma_start3A_160 = tpu.memref_slice %arg8[%dma_start3A_157, %dma_start3A_158, %dma_start3A_159] : memref<2x200x128xf32, #tpu.memory_space<vmem>> -> memref<1x48x128xf32, #tpu.memory_space<vmem>>
      %dma_start3A_161 = tpu.memref_squeeze %dma_start3A_160 : memref<1x48x128xf32, #tpu.memory_space<vmem>> -> memref<48x128xf32, #tpu.memory_space<vmem>>
      %dma_start3A_162 = arith.constant 0 : i32
      %dma_start3A_163 = tpu.memref_slice %arg5[%add3A_156, %dma_start3A_162] : memref<819200x128xf32, #tpu.memory_space<hbm>> -> memref<48x128xf32, #tpu.memory_space<hbm>>
      %dma_start3A_164 = arith.constant 0 : i32
      %dma_start3A_165 = tpu.memref_slice %arg5[%add3A_156, %dma_start3A_164] : memref<819200x128xf32, #tpu.memory_space<hbm>> -> memref<48x128xf32, #tpu.memory_space<hbm>>
      %dma_start3A_166 = arith.constant 48 : i32
      %dma_start3A_167 = arith.constant 0 : i32
      %dma_start3A_168 = tpu.memref_slice %arg8[%dma_start3A_157, %dma_start3A_166, %dma_start3A_167] : memref<2x200x128xf32, #tpu.memory_space<vmem>> -> memref<1x48x128xf32, #tpu.memory_space<vmem>>
      %dma_start3A_169 = tpu.memref_squeeze %dma_start3A_168 : memref<1x48x128xf32, #tpu.memory_space<vmem>> -> memref<48x128xf32, #tpu.memory_space<vmem>>
      tpu.enqueue_dma source(%dma_start3A_169 : memref<48x128xf32, #tpu.memory_space<vmem>>) target(%dma_start3A_165 : memref<48x128xf32, #tpu.memory_space<hbm>>) target_semaphore(%arg11 : memref<!tpu.dma_semaphore, #tpu.memory_space<semaphore_mem>>)
      %parallel_loop3A_170 = arith.constant 96 : i32
      %parallel_loop3A_171 = arith.constant 144 : i32
      %parallel_loop3A_172 = arith.constant 1 : i32
      scf.for %parallel_loop3A_336 = %parallel_loop3A_170 to %parallel_loop3A_171 step %parallel_loop3A_172  : i32 {
        %parallel_loop3A_337 = arith.index_cast %parallel_loop3A_336 : i32 to index
        %parallel_loop3A_338 = arith.constant 0 : index
        %parallel_loop3A_339 = tpu.vector_load %arg7[%parallel_loop3A_337, %parallel_loop3A_338] {strides = array<i32>} : memref<200x128xf32, #tpu.memory_space<vmem>>, vector<1x16xf32>,
        %parallel_loop3A_340 = vector.shape_cast %parallel_loop3A_339 : vector<1x16xf32> to vector<16xf32>
        %parallel_loop3A_341 = arith.constant 0 : i32
        %parallel_loop3A_342 = arith.index_cast %parallel_loop3A_341 : i32 to index
        %parallel_loop3A_343 = arith.index_cast %parallel_loop3A_336 : i32 to index
        %parallel_loop3A_344 = arith.constant 0 : index
        %parallel_loop3A_345 = tpu.vector_load %arg8[%parallel_loop3A_342, %parallel_loop3A_343, %parallel_loop3A_344] {strides = array<i32>} : memref<2x200x128xf32, #tpu.memory_space<vmem>>, vector<1x1x16xf32>,
        %parallel_loop3A_346 = vector.shape_cast %parallel_loop3A_345 : vector<1x1x16xf32> to vector<16xf32>
        %parallel_loop3A_347 = vector.shape_cast %parallel_loop3A_340 : vector<16xf32> to vector<1x1x16xf32>
        tpu.vector_store %arg8[%parallel_loop3A_342, %parallel_loop3A_343, %parallel_loop3A_344], %parallel_loop3A_347 {add = true, strides = array<i32>} : memref<2x200x128xf32, #tpu.memory_space<vmem>>, vector<1x1x16xf32>,
        %parallel_loop3A_348 = arith.index_cast %parallel_loop3A_336 : i32 to index
        %parallel_loop3A_349 = arith.constant 16 : index
        %parallel_loop3A_350 = tpu.vector_load %arg7[%parallel_loop3A_348, %parallel_loop3A_349] {strides = array<i32>} : memref<200x128xf32, #tpu.memory_space<vmem>>, vector<1x16xf32>,
        %parallel_loop3A_351 = vector.shape_cast %parallel_loop3A_350 : vector<1x16xf32> to vector<16xf32>
        %parallel_loop3A_352 = arith.constant 0 : i32
        %parallel_loop3A_353 = arith.index_cast %parallel_loop3A_352 : i32 to index
        %parallel_loop3A_354 = arith.index_cast %parallel_loop3A_336 : i32 to index
        %parallel_loop3A_355 = arith.constant 16 : index
        %parallel_loop3A_356 = tpu.vector_load %arg8[%parallel_loop3A_353, %parallel_loop3A_354, %parallel_loop3A_355] {strides = array<i32>} : memref<2x200x128xf32, #tpu.memory_space<vmem>>, vector<1x1x16xf32>,
        %parallel_loop3A_357 = vector.shape_cast %parallel_loop3A_356 : vector<1x1x16xf32> to vector<16xf32>
        %parallel_loop3A_358 = vector.shape_cast %parallel_loop3A_351 : vector<16xf32> to vector<1x1x16xf32>
        tpu.vector_store %arg8[%parallel_loop3A_353, %parallel_loop3A_354, %parallel_loop3A_355], %parallel_loop3A_358 {add = true, strides = array<i32>} : memref<2x200x128xf32, #tpu.memory_space<vmem>>, vector<1x1x16xf32>,
        %parallel_loop3A_359 = arith.index_cast %parallel_loop3A_336 : i32 to index
        %parallel_loop3A_360 = arith.constant 32 : index
        %parallel_loop3A_361 = tpu.vector_load %arg7[%parallel_loop3A_359, %parallel_loop3A_360] {strides = array<i32>} : memref<200x128xf32, #tpu.memory_space<vmem>>, vector<1x16xf32>,
        %parallel_loop3A_362 = vector.shape_cast %parallel_loop3A_361 : vector<1x16xf32> to vector<16xf32>
        %parallel_loop3A_363 = arith.constant 0 : i32
        %parallel_loop3A_364 = arith.index_cast %parallel_loop3A_363 : i32 to index
        %parallel_loop3A_365 = arith.index_cast %parallel_loop3A_336 : i32 to index
        %parallel_loop3A_366 = arith.constant 32 : index
        %parallel_loop3A_367 = tpu.vector_load %arg8[%parallel_loop3A_364, %parallel_loop3A_365, %parallel_loop3A_366] {strides = array<i32>} : memref<2x200x128xf32, #tpu.memory_space<vmem>>, vector<1x1x16xf32>,
        %parallel_loop3A_368 = vector.shape_cast %parallel_loop3A_367 : vector<1x1x16xf32> to vector<16xf32>
        %parallel_loop3A_369 = vector.shape_cast %parallel_loop3A_362 : vector<16xf32> to vector<1x1x16xf32>
        tpu.vector_store %arg8[%parallel_loop3A_364, %parallel_loop3A_365, %parallel_loop3A_366], %parallel_loop3A_369 {add = true, strides = array<i32>} : memref<2x200x128xf32, #tpu.memory_space<vmem>>, vector<1x1x16xf32>,
        %parallel_loop3A_370 = arith.index_cast %parallel_loop3A_336 : i32 to index
        %parallel_loop3A_371 = arith.constant 48 : index
        %parallel_loop3A_372 = tpu.vector_load %arg7[%parallel_loop3A_370, %parallel_loop3A_371] {strides = array<i32>} : memref<200x128xf32, #tpu.memory_space<vmem>>, vector<1x16xf32>,
        %parallel_loop3A_373 = vector.shape_cast %parallel_loop3A_372 : vector<1x16xf32> to vector<16xf32>
        %parallel_loop3A_374 = arith.constant 0 : i32
        %parallel_loop3A_375 = arith.index_cast %parallel_loop3A_374 : i32 to index
        %parallel_loop3A_376 = arith.index_cast %parallel_loop3A_336 : i32 to index
        %parallel_loop3A_377 = arith.constant 48 : index
        %parallel_loop3A_378 = tpu.vector_load %arg8[%parallel_loop3A_375, %parallel_loop3A_376, %parallel_loop3A_377] {strides = array<i32>} : memref<2x200x128xf32, #tpu.memory_space<vmem>>, vector<1x1x16xf32>,
        %parallel_loop3A_379 = vector.shape_cast %parallel_loop3A_378 : vector<1x1x16xf32> to vector<16xf32>
        %parallel_loop3A_380 = vector.shape_cast %parallel_loop3A_373 : vector<16xf32> to vector<1x1x16xf32>
        tpu.vector_store %arg8[%parallel_loop3A_375, %parallel_loop3A_376, %parallel_loop3A_377], %parallel_loop3A_380 {add = true, strides = array<i32>} : memref<2x200x128xf32, #tpu.memory_space<vmem>>, vector<1x1x16xf32>,
        %parallel_loop3A_381 = arith.index_cast %parallel_loop3A_336 : i32 to index
        %parallel_loop3A_382 = arith.constant 64 : index
        %parallel_loop3A_383 = tpu.vector_load %arg7[%parallel_loop3A_381, %parallel_loop3A_382] {strides = array<i32>} : memref<200x128xf32, #tpu.memory_space<vmem>>, vector<1x16xf32>,
        %parallel_loop3A_384 = vector.shape_cast %parallel_loop3A_383 : vector<1x16xf32> to vector<16xf32>
        %parallel_loop3A_385 = arith.constant 0 : i32
        %parallel_loop3A_386 = arith.index_cast %parallel_loop3A_385 : i32 to index
        %parallel_loop3A_387 = arith.index_cast %parallel_loop3A_336 : i32 to index
        %parallel_loop3A_388 = arith.constant 64 : index
        %parallel_loop3A_389 = tpu.vector_load %arg8[%parallel_loop3A_386, %parallel_loop3A_387, %parallel_loop3A_388] {strides = array<i32>} : memref<2x200x128xf32, #tpu.memory_space<vmem>>, vector<1x1x16xf32>,
        %parallel_loop3A_390 = vector.shape_cast %parallel_loop3A_389 : vector<1x1x16xf32> to vector<16xf32>
        %parallel_loop3A_391 = vector.shape_cast %parallel_loop3A_384 : vector<16xf32> to vector<1x1x16xf32>
        tpu.vector_store %arg8[%parallel_loop3A_386, %parallel_loop3A_387, %parallel_loop3A_388], %parallel_loop3A_391 {add = true, strides = array<i32>} : memref<2x200x128xf32, #tpu.memory_space<vmem>>, vector<1x1x16xf32>,
        %parallel_loop3A_392 = arith.index_cast %parallel_loop3A_336 : i32 to index
        %parallel_loop3A_393 = arith.constant 80 : index
        %parallel_loop3A_394 = tpu.vector_load %arg7[%parallel_loop3A_392, %parallel_loop3A_393] {strides = array<i32>} : memref<200x128xf32, #tpu.memory_space<vmem>>, vector<1x16xf32>,
        %parallel_loop3A_395 = vector.shape_cast %parallel_loop3A_394 : vector<1x16xf32> to vector<16xf32>
        %parallel_loop3A_396 = arith.constant 0 : i32
        %parallel_loop3A_397 = arith.index_cast %parallel_loop3A_396 : i32 to index
        %parallel_loop3A_398 = arith.index_cast %parallel_loop3A_336 : i32 to index
        %parallel_loop3A_399 = arith.constant 80 : index
        %parallel_loop3A_400 = tpu.vector_load %arg8[%parallel_loop3A_397, %parallel_loop3A_398, %parallel_loop3A_399] {strides = array<i32>} : memref<2x200x128xf32, #tpu.memory_space<vmem>>, vector<1x1x16xf32>,
        %parallel_loop3A_401 = vector.shape_cast %parallel_loop3A_400 : vector<1x1x16xf32> to vector<16xf32>
        %parallel_loop3A_402 = vector.shape_cast %parallel_loop3A_395 : vector<16xf32> to vector<1x1x16xf32>
        tpu.vector_store %arg8[%parallel_loop3A_397, %parallel_loop3A_398, %parallel_loop3A_399], %parallel_loop3A_402 {add = true, strides = array<i32>} : memref<2x200x128xf32, #tpu.memory_space<vmem>>, vector<1x1x16xf32>,
        %parallel_loop3A_403 = arith.index_cast %parallel_loop3A_336 : i32 to index
        %parallel_loop3A_404 = arith.constant 96 : index
        %parallel_loop3A_405 = tpu.vector_load %arg7[%parallel_loop3A_403, %parallel_loop3A_404] {strides = array<i32>} : memref<200x128xf32, #tpu.memory_space<vmem>>, vector<1x16xf32>,
        %parallel_loop3A_406 = vector.shape_cast %parallel_loop3A_405 : vector<1x16xf32> to vector<16xf32>
        %parallel_loop3A_407 = arith.constant 0 : i32
        %parallel_loop3A_408 = arith.index_cast %parallel_loop3A_407 : i32 to index
        %parallel_loop3A_409 = arith.index_cast %parallel_loop3A_336 : i32 to index
        %parallel_loop3A_410 = arith.constant 96 : index
        %parallel_loop3A_411 = tpu.vector_load %arg8[%parallel_loop3A_408, %parallel_loop3A_409, %parallel_loop3A_410] {strides = array<i32>} : memref<2x200x128xf32, #tpu.memory_space<vmem>>, vector<1x1x16xf32>,
        %parallel_loop3A_412 = vector.shape_cast %parallel_loop3A_411 : vector<1x1x16xf32> to vector<16xf32>
        %parallel_loop3A_413 = vector.shape_cast %parallel_loop3A_406 : vector<16xf32> to vector<1x1x16xf32>
        tpu.vector_store %arg8[%parallel_loop3A_408, %parallel_loop3A_409, %parallel_loop3A_410], %parallel_loop3A_413 {add = true, strides = array<i32>} : memref<2x200x128xf32, #tpu.memory_space<vmem>>, vector<1x1x16xf32>,
        %parallel_loop3A_414 = arith.index_cast %parallel_loop3A_336 : i32 to index
        %parallel_loop3A_415 = arith.constant 112 : index
        %parallel_loop3A_416 = tpu.vector_load %arg7[%parallel_loop3A_414, %parallel_loop3A_415] {strides = array<i32>} : memref<200x128xf32, #tpu.memory_space<vmem>>, vector<1x16xf32>,
        %parallel_loop3A_417 = vector.shape_cast %parallel_loop3A_416 : vector<1x16xf32> to vector<16xf32>
        %parallel_loop3A_418 = arith.constant 0 : i32
        %parallel_loop3A_419 = arith.index_cast %parallel_loop3A_418 : i32 to index
        %parallel_loop3A_420 = arith.index_cast %parallel_loop3A_336 : i32 to index
        %parallel_loop3A_421 = arith.constant 112 : index
        %parallel_loop3A_422 = tpu.vector_load %arg8[%parallel_loop3A_419, %parallel_loop3A_420, %parallel_loop3A_421] {strides = array<i32>} : memref<2x200x128xf32, #tpu.memory_space<vmem>>, vector<1x1x16xf32>,
        %parallel_loop3A_423 = vector.shape_cast %parallel_loop3A_422 : vector<1x1x16xf32> to vector<16xf32>
        %parallel_loop3A_424 = vector.shape_cast %parallel_loop3A_417 : vector<16xf32> to vector<1x1x16xf32>
        tpu.vector_store %arg8[%parallel_loop3A_419, %parallel_loop3A_420, %parallel_loop3A_421], %parallel_loop3A_424 {add = true, strides = array<i32>} : memref<2x200x128xf32, #tpu.memory_space<vmem>>, vector<1x1x16xf32>,
      } {sc.loop_unroll_factor = 4 : i64, sc.parallel_access}
      %add3A_173 = arith.addi %mul3A_2, %add3A_96 : i32
      %mul3A_174 = arith.constant 200 : i32
      %mul3A_175 = arith.muli %add3A_173, %mul3A_174 : i32
      %add3A_176 = arith.constant 96 : i32
      %add3A_177 = arith.addi %mul3A_175, %add3A_176 : i32
      %dma_start3A_178 = arith.constant 0 : i32
      %dma_start3A_179 = arith.constant 96 : i32
      %dma_start3A_180 = arith.constant 0 : i32
      %dma_start3A_181 = tpu.memref_slice %arg8[%dma_start3A_178, %dma_start3A_179, %dma_start3A_180] : memref<2x200x128xf32, #tpu.memory_space<vmem>> -> memref<1x48x128xf32, #tpu.memory_space<vmem>>
      %dma_start3A_182 = tpu.memref_squeeze %dma_start3A_181 : memref<1x48x128xf32, #tpu.memory_space<vmem>> -> memref<48x128xf32, #tpu.memory_space<vmem>>
      %dma_start3A_183 = arith.constant 0 : i32
      %dma_start3A_184 = tpu.memref_slice %arg5[%add3A_177, %dma_start3A_183] : memref<819200x128xf32, #tpu.memory_space<hbm>> -> memref<48x128xf32, #tpu.memory_space<hbm>>
      %dma_start3A_185 = arith.constant 0 : i32
      %dma_start3A_186 = tpu.memref_slice %arg5[%add3A_177, %dma_start3A_185] : memref<819200x128xf32, #tpu.memory_space<hbm>> -> memref<48x128xf32, #tpu.memory_space<hbm>>
      %dma_start3A_187 = arith.constant 96 : i32
      %dma_start3A_188 = arith.constant 0 : i32
      %dma_start3A_189 = tpu.memref_slice %arg8[%dma_start3A_178, %dma_start3A_187, %dma_start3A_188] : memref<2x200x128xf32, #tpu.memory_space<vmem>> -> memref<1x48x128xf32, #tpu.memory_space<vmem>>
      %dma_start3A_190 = tpu.memref_squeeze %dma_start3A_189 : memref<1x48x128xf32, #tpu.memory_space<vmem>> -> memref<48x128xf32, #tpu.memory_space<vmem>>
      tpu.enqueue_dma source(%dma_start3A_190 : memref<48x128xf32, #tpu.memory_space<vmem>>) target(%dma_start3A_186 : memref<48x128xf32, #tpu.memory_space<hbm>>) target_semaphore(%arg11 : memref<!tpu.dma_semaphore, #tpu.memory_space<semaphore_mem>>)
      %parallel_loop3A_191 = arith.constant 144 : i32
      %parallel_loop3A_192 = arith.constant 200 : i32
      %parallel_loop3A_193 = arith.constant 1 : i32
      scf.for %parallel_loop3A_336 = %parallel_loop3A_191 to %parallel_loop3A_192 step %parallel_loop3A_193  : i32 {
        %parallel_loop3A_337 = arith.index_cast %parallel_loop3A_336 : i32 to index
        %parallel_loop3A_338 = arith.constant 0 : index
        %parallel_loop3A_339 = tpu.vector_load %arg7[%parallel_loop3A_337, %parallel_loop3A_338] {strides = array<i32>} : memref<200x128xf32, #tpu.memory_space<vmem>>, vector<1x16xf32>,
        %parallel_loop3A_340 = vector.shape_cast %parallel_loop3A_339 : vector<1x16xf32> to vector<16xf32>
        %parallel_loop3A_341 = arith.constant 0 : i32
        %parallel_loop3A_342 = arith.index_cast %parallel_loop3A_341 : i32 to index
        %parallel_loop3A_343 = arith.index_cast %parallel_loop3A_336 : i32 to index
        %parallel_loop3A_344 = arith.constant 0 : index
        %parallel_loop3A_345 = tpu.vector_load %arg8[%parallel_loop3A_342, %parallel_loop3A_343, %parallel_loop3A_344] {strides = array<i32>} : memref<2x200x128xf32, #tpu.memory_space<vmem>>, vector<1x1x16xf32>,
        %parallel_loop3A_346 = vector.shape_cast %parallel_loop3A_345 : vector<1x1x16xf32> to vector<16xf32>
        %parallel_loop3A_347 = vector.shape_cast %parallel_loop3A_340 : vector<16xf32> to vector<1x1x16xf32>
        tpu.vector_store %arg8[%parallel_loop3A_342, %parallel_loop3A_343, %parallel_loop3A_344], %parallel_loop3A_347 {add = true, strides = array<i32>} : memref<2x200x128xf32, #tpu.memory_space<vmem>>, vector<1x1x16xf32>,
        %parallel_loop3A_348 = arith.index_cast %parallel_loop3A_336 : i32 to index
        %parallel_loop3A_349 = arith.constant 16 : index
        %parallel_loop3A_350 = tpu.vector_load %arg7[%parallel_loop3A_348, %parallel_loop3A_349] {strides = array<i32>} : memref<200x128xf32, #tpu.memory_space<vmem>>, vector<1x16xf32>,
        %parallel_loop3A_351 = vector.shape_cast %parallel_loop3A_350 : vector<1x16xf32> to vector<16xf32>
        %parallel_loop3A_352 = arith.constant 0 : i32
        %parallel_loop3A_353 = arith.index_cast %parallel_loop3A_352 : i32 to index
        %parallel_loop3A_354 = arith.index_cast %parallel_loop3A_336 : i32 to index
        %parallel_loop3A_355 = arith.constant 16 : index
        %parallel_loop3A_356 = tpu.vector_load %arg8[%parallel_loop3A_353, %parallel_loop3A_354, %parallel_loop3A_355] {strides = array<i32>} : memref<2x200x128xf32, #tpu.memory_space<vmem>>, vector<1x1x16xf32>,
        %parallel_loop3A_357 = vector.shape_cast %parallel_loop3A_356 : vector<1x1x16xf32> to vector<16xf32>
        %parallel_loop3A_358 = vector.shape_cast %parallel_loop3A_351 : vector<16xf32> to vector<1x1x16xf32>
        tpu.vector_store %arg8[%parallel_loop3A_353, %parallel_loop3A_354, %parallel_loop3A_355], %parallel_loop3A_358 {add = true, strides = array<i32>} : memref<2x200x128xf32, #tpu.memory_space<vmem>>, vector<1x1x16xf32>,
        %parallel_loop3A_359 = arith.index_cast %parallel_loop3A_336 : i32 to index
        %parallel_loop3A_360 = arith.constant 32 : index
        %parallel_loop3A_361 = tpu.vector_load %arg7[%parallel_loop3A_359, %parallel_loop3A_360] {strides = array<i32>} : memref<200x128xf32, #tpu.memory_space<vmem>>, vector<1x16xf32>,
        %parallel_loop3A_362 = vector.shape_cast %parallel_loop3A_361 : vector<1x16xf32> to vector<16xf32>
        %parallel_loop3A_363 = arith.constant 0 : i32
        %parallel_loop3A_364 = arith.index_cast %parallel_loop3A_363 : i32 to index
        %parallel_loop3A_365 = arith.index_cast %parallel_loop3A_336 : i32 to index
        %parallel_loop3A_366 = arith.constant 32 : index
        %parallel_loop3A_367 = tpu.vector_load %arg8[%parallel_loop3A_364, %parallel_loop3A_365, %parallel_loop3A_366] {strides = array<i32>} : memref<2x200x128xf32, #tpu.memory_space<vmem>>, vector<1x1x16xf32>,
        %parallel_loop3A_368 = vector.shape_cast %parallel_loop3A_367 : vector<1x1x16xf32> to vector<16xf32>
        %parallel_loop3A_369 = vector.shape_cast %parallel_loop3A_362 : vector<16xf32> to vector<1x1x16xf32>
        tpu.vector_store %arg8[%parallel_loop3A_364, %parallel_loop3A_365, %parallel_loop3A_366], %parallel_loop3A_369 {add = true, strides = array<i32>} : memref<2x200x128xf32, #tpu.memory_space<vmem>>, vector<1x1x16xf32>,
        %parallel_loop3A_370 = arith.index_cast %parallel_loop3A_336 : i32 to index
        %parallel_loop3A_371 = arith.constant 48 : index
        %parallel_loop3A_372 = tpu.vector_load %arg7[%parallel_loop3A_370, %parallel_loop3A_371] {strides = array<i32>} : memref<200x128xf32, #tpu.memory_space<vmem>>, vector<1x16xf32>,
        %parallel_loop3A_373 = vector.shape_cast %parallel_loop3A_372 : vector<1x16xf32> to vector<16xf32>
        %parallel_loop3A_374 = arith.constant 0 : i32
        %parallel_loop3A_375 = arith.index_cast %parallel_loop3A_374 : i32 to index
        %parallel_loop3A_376 = arith.index_cast %parallel_loop3A_336 : i32 to index
        %parallel_loop3A_377 = arith.constant 48 : index
        %parallel_loop3A_378 = tpu.vector_load %arg8[%parallel_loop3A_375, %parallel_loop3A_376, %parallel_loop3A_377] {strides = array<i32>} : memref<2x200x128xf32, #tpu.memory_space<vmem>>, vector<1x1x16xf32>,
        %parallel_loop3A_379 = vector.shape_cast %parallel_loop3A_378 : vector<1x1x16xf32> to vector<16xf32>
        %parallel_loop3A_380 = vector.shape_cast %parallel_loop3A_373 : vector<16xf32> to vector<1x1x16xf32>
        tpu.vector_store %arg8[%parallel_loop3A_375, %parallel_loop3A_376, %parallel_loop3A_377], %parallel_loop3A_380 {add = true, strides = array<i32>} : memref<2x200x128xf32, #tpu.memory_space<vmem>>, vector<1x1x16xf32>,
        %parallel_loop3A_381 = arith.index_cast %parallel_loop3A_336 : i32 to index
        %parallel_loop3A_382 = arith.constant 64 : index
        %parallel_loop3A_383 = tpu.vector_load %arg7[%parallel_loop3A_381, %parallel_loop3A_382] {strides = array<i32>} : memref<200x128xf32, #tpu.memory_space<vmem>>, vector<1x16xf32>,
        %parallel_loop3A_384 = vector.shape_cast %parallel_loop3A_383 : vector<1x16xf32> to vector<16xf32>
        %parallel_loop3A_385 = arith.constant 0 : i32
        %parallel_loop3A_386 = arith.index_cast %parallel_loop3A_385 : i32 to index
        %parallel_loop3A_387 = arith.index_cast %parallel_loop3A_336 : i32 to index
        %parallel_loop3A_388 = arith.constant 64 : index
        %parallel_loop3A_389 = tpu.vector_load %arg8[%parallel_loop3A_386, %parallel_loop3A_387, %parallel_loop3A_388] {strides = array<i32>} : memref<2x200x128xf32, #tpu.memory_space<vmem>>, vector<1x1x16xf32>,
        %parallel_loop3A_390 = vector.shape_cast %parallel_loop3A_389 : vector<1x1x16xf32> to vector<16xf32>
        %parallel_loop3A_391 = vector.shape_cast %parallel_loop3A_384 : vector<16xf32> to vector<1x1x16xf32>
        tpu.vector_store %arg8[%parallel_loop3A_386, %parallel_loop3A_387, %parallel_loop3A_388], %parallel_loop3A_391 {add = true, strides = array<i32>} : memref<2x200x128xf32, #tpu.memory_space<vmem>>, vector<1x1x16xf32>,
        %parallel_loop3A_392 = arith.index_cast %parallel_loop3A_336 : i32 to index
        %parallel_loop3A_393 = arith.constant 80 : index
        %parallel_loop3A_394 = tpu.vector_load %arg7[%parallel_loop3A_392, %parallel_loop3A_393] {strides = array<i32>} : memref<200x128xf32, #tpu.memory_space<vmem>>, vector<1x16xf32>,
        %parallel_loop3A_395 = vector.shape_cast %parallel_loop3A_394 : vector<1x16xf32> to vector<16xf32>
        %parallel_loop3A_396 = arith.constant 0 : i32
        %parallel_loop3A_397 = arith.index_cast %parallel_loop3A_396 : i32 to index
        %parallel_loop3A_398 = arith.index_cast %parallel_loop3A_336 : i32 to index
        %parallel_loop3A_399 = arith.constant 80 : index
        %parallel_loop3A_400 = tpu.vector_load %arg8[%parallel_loop3A_397, %parallel_loop3A_398, %parallel_loop3A_399] {strides = array<i32>} : memref<2x200x128xf32, #tpu.memory_space<vmem>>, vector<1x1x16xf32>,
        %parallel_loop3A_401 = vector.shape_cast %parallel_loop3A_400 : vector<1x1x16xf32> to vector<16xf32>
        %parallel_loop3A_402 = vector.shape_cast %parallel_loop3A_395 : vector<16xf32> to vector<1x1x16xf32>
        tpu.vector_store %arg8[%parallel_loop3A_397, %parallel_loop3A_398, %parallel_loop3A_399], %parallel_loop3A_402 {add = true, strides = array<i32>} : memref<2x200x128xf32, #tpu.memory_space<vmem>>, vector<1x1x16xf32>,
        %parallel_loop3A_403 = arith.index_cast %parallel_loop3A_336 : i32 to index
        %parallel_loop3A_404 = arith.constant 96 : index
        %parallel_loop3A_405 = tpu.vector_load %arg7[%parallel_loop3A_403, %parallel_loop3A_404] {strides = array<i32>} : memref<200x128xf32, #tpu.memory_space<vmem>>, vector<1x16xf32>,
        %parallel_loop3A_406 = vector.shape_cast %parallel_loop3A_405 : vector<1x16xf32> to vector<16xf32>
        %parallel_loop3A_407 = arith.constant 0 : i32
        %parallel_loop3A_408 = arith.index_cast %parallel_loop3A_407 : i32 to index
        %parallel_loop3A_409 = arith.index_cast %parallel_loop3A_336 : i32 to index
        %parallel_loop3A_410 = arith.constant 96 : index
        %parallel_loop3A_411 = tpu.vector_load %arg8[%parallel_loop3A_408, %parallel_loop3A_409, %parallel_loop3A_410] {strides = array<i32>} : memref<2x200x128xf32, #tpu.memory_space<vmem>>, vector<1x1x16xf32>,
        %parallel_loop3A_412 = vector.shape_cast %parallel_loop3A_411 : vector<1x1x16xf32> to vector<16xf32>
        %parallel_loop3A_413 = vector.shape_cast %parallel_loop3A_406 : vector<16xf32> to vector<1x1x16xf32>
        tpu.vector_store %arg8[%parallel_loop3A_408, %parallel_loop3A_409, %parallel_loop3A_410], %parallel_loop3A_413 {add = true, strides = array<i32>} : memref<2x200x128xf32, #tpu.memory_space<vmem>>, vector<1x1x16xf32>,
        %parallel_loop3A_414 = arith.index_cast %parallel_loop3A_336 : i32 to index
        %parallel_loop3A_415 = arith.constant 112 : index
        %parallel_loop3A_416 = tpu.vector_load %arg7[%parallel_loop3A_414, %parallel_loop3A_415] {strides = array<i32>} : memref<200x128xf32, #tpu.memory_space<vmem>>, vector<1x16xf32>,
        %parallel_loop3A_417 = vector.shape_cast %parallel_loop3A_416 : vector<1x16xf32> to vector<16xf32>
        %parallel_loop3A_418 = arith.constant 0 : i32
        %parallel_loop3A_419 = arith.index_cast %parallel_loop3A_418 : i32 to index
        %parallel_loop3A_420 = arith.index_cast %parallel_loop3A_336 : i32 to index
        %parallel_loop3A_421 = arith.constant 112 : index
        %parallel_loop3A_422 = tpu.vector_load %arg8[%parallel_loop3A_419, %parallel_loop3A_420, %parallel_loop3A_421] {strides = array<i32>} : memref<2x200x128xf32, #tpu.memory_space<vmem>>, vector<1x1x16xf32>,
        %parallel_loop3A_423 = vector.shape_cast %parallel_loop3A_422 : vector<1x1x16xf32> to vector<16xf32>
        %parallel_loop3A_424 = vector.shape_cast %parallel_loop3A_417 : vector<16xf32> to vector<1x1x16xf32>
        tpu.vector_store %arg8[%parallel_loop3A_419, %parallel_loop3A_420, %parallel_loop3A_421], %parallel_loop3A_424 {add = true, strides = array<i32>} : memref<2x200x128xf32, #tpu.memory_space<vmem>>, vector<1x1x16xf32>,
      } {sc.loop_unroll_factor = 4 : i64, sc.parallel_access}
      %add3A_194 = arith.addi %mul3A_2, %add3A_96 : i32
      %mul3A_195 = arith.constant 200 : i32
      %mul3A_196 = arith.muli %add3A_194, %mul3A_195 : i32
      %add3A_197 = arith.constant 144 : i32
      %add3A_198 = arith.addi %mul3A_196, %add3A_197 : i32
      %dma_start3A_199 = arith.constant 0 : i32
      %dma_start3A_200 = arith.constant 144 : i32
      %dma_start3A_201 = arith.constant 0 : i32
      %dma_start3A_202 = tpu.memref_slice %arg8[%dma_start3A_199, %dma_start3A_200, %dma_start3A_201] : memref<2x200x128xf32, #tpu.memory_space<vmem>> -> memref<1x56x128xf32, #tpu.memory_space<vmem>>
      %dma_start3A_203 = tpu.memref_squeeze %dma_start3A_202 : memref<1x56x128xf32, #tpu.memory_space<vmem>> -> memref<56x128xf32, #tpu.memory_space<vmem>>
      %dma_start3A_204 = arith.constant 0 : i32
      %dma_start3A_205 = tpu.memref_slice %arg5[%add3A_198, %dma_start3A_204] : memref<819200x128xf32, #tpu.memory_space<hbm>> -> memref<56x128xf32, #tpu.memory_space<hbm>>
      %dma_start3A_206 = arith.constant 0 : i32
      %dma_start3A_207 = tpu.memref_slice %arg5[%add3A_198, %dma_start3A_206] : memref<819200x128xf32, #tpu.memory_space<hbm>> -> memref<56x128xf32, #tpu.memory_space<hbm>>
      %dma_start3A_208 = arith.constant 144 : i32
      %dma_start3A_209 = arith.constant 0 : i32
      %dma_start3A_210 = tpu.memref_slice %arg8[%dma_start3A_199, %dma_start3A_208, %dma_start3A_209] : memref<2x200x128xf32, #tpu.memory_space<vmem>> -> memref<1x56x128xf32, #tpu.memory_space<vmem>>
      %dma_start3A_211 = tpu.memref_squeeze %dma_start3A_210 : memref<1x56x128xf32, #tpu.memory_space<vmem>> -> memref<56x128xf32, #tpu.memory_space<vmem>>
      tpu.enqueue_dma source(%dma_start3A_211 : memref<56x128xf32, #tpu.memory_space<vmem>>) target(%dma_start3A_207 : memref<56x128xf32, #tpu.memory_space<hbm>>) target_semaphore(%arg11 : memref<!tpu.dma_semaphore, #tpu.memory_space<semaphore_mem>>)
      %mul3A_212 = arith.constant 2 : i32
      %mul3A_213 = arith.muli %mul3A_212, %scan3A_92 : i32
      %add3A_214 = arith.constant 1 : i32
      %add3A_215 = arith.addi %mul3A_213, %add3A_214 : i32
      %ge3A_216 = arith.constant 1 : i32
      %ge3A_217 = arith.cmpi sge, %add3A_215, %ge3A_216 : i32
      %convert_element_type3A_218 = arith.extui %ge3A_217 : i1 to i32
      %cond3A_219 = arith.constant 0 : i32
      %cond3A_220 = arith.cmpi ne, %convert_element_type3A_218, %cond3A_219 : i32
      scf.if %cond3A_220 {
        %dma_wait3A_336 = arith.constant 0 : i32
        %dma_wait3A_337 = arith.constant 0 : i32
        %dma_wait3A_338 = arith.constant 0 : i32
        %dma_wait3A_339 = tpu.memref_slice %arg8[%dma_wait3A_336, %dma_wait3A_337, %dma_wait3A_338] : memref<2x200x128xf32, #tpu.memory_space<vmem>> -> memref<1x48x128xf32, #tpu.memory_space<vmem>>
        %dma_wait3A_340 = tpu.memref_squeeze %dma_wait3A_339 : memref<1x48x128xf32, #tpu.memory_space<vmem>> -> memref<48x128xf32, #tpu.memory_space<vmem>>
        %dma_wait3A_341 = arith.constant 0 : i32
        %dma_wait3A_342 = arith.constant 0 : i32
        %dma_wait3A_343 = tpu.memref_slice %arg5[%dma_wait3A_341, %dma_wait3A_342] : memref<819200x128xf32, #tpu.memory_space<hbm>> -> memref<48x128xf32, #tpu.memory_space<hbm>>
        %dma_wait3A_344 = arith.constant 0 : i32
        %dma_wait3A_345 = arith.constant 0 : i32
        %dma_wait3A_346 = tpu.memref_slice %arg5[%dma_wait3A_344, %dma_wait3A_345] : memref<819200x128xf32, #tpu.memory_space<hbm>> -> memref<48x128xf32, #tpu.memory_space<hbm>>
        %dma_wait3A_347 = arith.constant 0 : i32
        %dma_wait3A_348 = arith.constant 0 : i32
        %dma_wait3A_349 = tpu.memref_slice %arg8[%dma_wait3A_336, %dma_wait3A_347, %dma_wait3A_348] : memref<2x200x128xf32, #tpu.memory_space<vmem>> -> memref<1x48x128xf32, #tpu.memory_space<vmem>>
        %dma_wait3A_350 = tpu.memref_squeeze %dma_wait3A_349 : memref<1x48x128xf32, #tpu.memory_space<vmem>> -> memref<48x128xf32, #tpu.memory_space<vmem>>
        tpu.wait_dma2 semaphore(%arg11 : memref<!tpu.dma_semaphore, #tpu.memory_space<semaphore_mem>>) src(%dma_wait3A_350 : memref<48x128xf32, #tpu.memory_space<vmem>>) dst(%dma_wait3A_346 : memref<48x128xf32, #tpu.memory_space<hbm>>)
        %dma_wait3A_351 = arith.constant 0 : i32
        %dma_wait3A_352 = arith.constant 48 : i32
        %dma_wait3A_353 = arith.constant 0 : i32
        %dma_wait3A_354 = tpu.memref_slice %arg8[%dma_wait3A_351, %dma_wait3A_352, %dma_wait3A_353] : memref<2x200x128xf32, #tpu.memory_space<vmem>> -> memref<1x48x128xf32, #tpu.memory_space<vmem>>
        %dma_wait3A_355 = tpu.memref_squeeze %dma_wait3A_354 : memref<1x48x128xf32, #tpu.memory_space<vmem>> -> memref<48x128xf32, #tpu.memory_space<vmem>>
        %dma_wait3A_356 = arith.constant 48 : i32
        %dma_wait3A_357 = arith.constant 0 : i32
        %dma_wait3A_358 = tpu.memref_slice %arg5[%dma_wait3A_356, %dma_wait3A_357] : memref<819200x128xf32, #tpu.memory_space<hbm>> -> memref<48x128xf32, #tpu.memory_space<hbm>>
        %dma_wait3A_359 = arith.constant 48 : i32
        %dma_wait3A_360 = arith.constant 0 : i32
        %dma_wait3A_361 = tpu.memref_slice %arg5[%dma_wait3A_359, %dma_wait3A_360] : memref<819200x128xf32, #tpu.memory_space<hbm>> -> memref<48x128xf32, #tpu.memory_space<hbm>>
        %dma_wait3A_362 = arith.constant 48 : i32
        %dma_wait3A_363 = arith.constant 0 : i32
        %dma_wait3A_364 = tpu.memref_slice %arg8[%dma_wait3A_351, %dma_wait3A_362, %dma_wait3A_363] : memref<2x200x128xf32, #tpu.memory_space<vmem>> -> memref<1x48x128xf32, #tpu.memory_space<vmem>>
        %dma_wait3A_365 = tpu.memref_squeeze %dma_wait3A_364 : memref<1x48x128xf32, #tpu.memory_space<vmem>> -> memref<48x128xf32, #tpu.memory_space<vmem>>
        tpu.wait_dma2 semaphore(%arg11 : memref<!tpu.dma_semaphore, #tpu.memory_space<semaphore_mem>>) src(%dma_wait3A_365 : memref<48x128xf32, #tpu.memory_space<vmem>>) dst(%dma_wait3A_361 : memref<48x128xf32, #tpu.memory_space<hbm>>)
        %dma_wait3A_366 = arith.constant 0 : i32
        %dma_wait3A_367 = arith.constant 96 : i32
        %dma_wait3A_368 = arith.constant 0 : i32
        %dma_wait3A_369 = tpu.memref_slice %arg8[%dma_wait3A_366, %dma_wait3A_367, %dma_wait3A_368] : memref<2x200x128xf32, #tpu.memory_space<vmem>> -> memref<1x48x128xf32, #tpu.memory_space<vmem>>
        %dma_wait3A_370 = tpu.memref_squeeze %dma_wait3A_369 : memref<1x48x128xf32, #tpu.memory_space<vmem>> -> memref<48x128xf32, #tpu.memory_space<vmem>>
        %dma_wait3A_371 = arith.constant 96 : i32
        %dma_wait3A_372 = arith.constant 0 : i32
        %dma_wait3A_373 = tpu.memref_slice %arg5[%dma_wait3A_371, %dma_wait3A_372] : memref<819200x128xf32, #tpu.memory_space<hbm>> -> memref<48x128xf32, #tpu.memory_space<hbm>>
        %dma_wait3A_374 = arith.constant 96 : i32
        %dma_wait3A_375 = arith.constant 0 : i32
        %dma_wait3A_376 = tpu.memref_slice %arg5[%dma_wait3A_374, %dma_wait3A_375] : memref<819200x128xf32, #tpu.memory_space<hbm>> -> memref<48x128xf32, #tpu.memory_space<hbm>>
        %dma_wait3A_377 = arith.constant 96 : i32
        %dma_wait3A_378 = arith.constant 0 : i32
        %dma_wait3A_379 = tpu.memref_slice %arg8[%dma_wait3A_366, %dma_wait3A_377, %dma_wait3A_378] : memref<2x200x128xf32, #tpu.memory_space<vmem>> -> memref<1x48x128xf32, #tpu.memory_space<vmem>>
        %dma_wait3A_380 = tpu.memref_squeeze %dma_wait3A_379 : memref<1x48x128xf32, #tpu.memory_space<vmem>> -> memref<48x128xf32, #tpu.memory_space<vmem>>
        tpu.wait_dma2 semaphore(%arg11 : memref<!tpu.dma_semaphore, #tpu.memory_space<semaphore_mem>>) src(%dma_wait3A_380 : memref<48x128xf32, #tpu.memory_space<vmem>>) dst(%dma_wait3A_376 : memref<48x128xf32, #tpu.memory_space<hbm>>)
        %dma_wait3A_381 = arith.constant 0 : i32
        %dma_wait3A_382 = arith.constant 144 : i32
        %dma_wait3A_383 = arith.constant 0 : i32
        %dma_wait3A_384 = tpu.memref_slice %arg8[%dma_wait3A_381, %dma_wait3A_382, %dma_wait3A_383] : memref<2x200x128xf32, #tpu.memory_space<vmem>> -> memref<1x56x128xf32, #tpu.memory_space<vmem>>
        %dma_wait3A_385 = tpu.memref_squeeze %dma_wait3A_384 : memref<1x56x128xf32, #tpu.memory_space<vmem>> -> memref<56x128xf32, #tpu.memory_space<vmem>>
        %dma_wait3A_386 = arith.constant 144 : i32
        %dma_wait3A_387 = arith.constant 0 : i32
        %dma_wait3A_388 = tpu.memref_slice %arg5[%dma_wait3A_386, %dma_wait3A_387] : memref<819200x128xf32, #tpu.memory_space<hbm>> -> memref<56x128xf32, #tpu.memory_space<hbm>>
        %dma_wait3A_389 = arith.constant 144 : i32
        %dma_wait3A_390 = arith.constant 0 : i32
        %dma_wait3A_391 = tpu.memref_slice %arg5[%dma_wait3A_389, %dma_wait3A_390] : memref<819200x128xf32, #tpu.memory_space<hbm>> -> memref<56x128xf32, #tpu.memory_space<hbm>>
        %dma_wait3A_392 = arith.constant 144 : i32
        %dma_wait3A_393 = arith.constant 0 : i32
        %dma_wait3A_394 = tpu.memref_slice %arg8[%dma_wait3A_381, %dma_wait3A_392, %dma_wait3A_393] : memref<2x200x128xf32, #tpu.memory_space<vmem>> -> memref<1x56x128xf32, #tpu.memory_space<vmem>>
        %dma_wait3A_395 = tpu.memref_squeeze %dma_wait3A_394 : memref<1x56x128xf32, #tpu.memory_space<vmem>> -> memref<56x128xf32, #tpu.memory_space<vmem>>
        tpu.wait_dma2 semaphore(%arg11 : memref<!tpu.dma_semaphore, #tpu.memory_space<semaphore_mem>>) src(%dma_wait3A_395 : memref<56x128xf32, #tpu.memory_space<vmem>>) dst(%dma_wait3A_391 : memref<56x128xf32, #tpu.memory_space<hbm>>)
      } else {
      }
      %add3A_221 = arith.constant 1 : i32
      %add3A_222 = arith.addi %add3A_215, %add3A_221 : i32
      %lt3A_223 = arith.constant 128 : i32
      %lt3A_224 = arith.cmpi slt, %add3A_222, %lt3A_223 : i32
      %convert_element_type3A_225 = arith.extui %lt3A_224 : i1 to i32
      %cond3A_226 = arith.constant 0 : i32
      %cond3A_227 = arith.cmpi ne, %convert_element_type3A_225, %cond3A_226 : i32
      scf.if %cond3A_227 {
        %add3A_336 = arith.constant 1 : i32
        %add3A_337 = arith.addi %add3A_215, %add3A_336 : i32
        %dma_start3A_338 = arith.constant 0 : i32
        %dma_start3A_339 = arith.constant 0 : i32
        %dma_start3A_340 = arith.constant 0 : i32
        %dma_start3A_341 = arith.constant 0 : i32
        %dma_start3A_342 = tpu.memref_slice %arg8[%dma_start3A_339, %dma_start3A_340, %dma_start3A_341] : memref<2x200x128xf32, #tpu.memory_space<vmem>> -> memref<1x100x128xf32, #tpu.memory_space<vmem>>
        %dma_start3A_343 = tpu.memref_squeeze %dma_start3A_342 : memref<1x100x128xf32, #tpu.memory_space<vmem>> -> memref<100x128xf32, #tpu.memory_space<vmem>>
        %dma_start3A_344 = arith.constant 0 : i32
        %dma_start3A_345 = tpu.memref_slice %arg6[%add3A_337, %dma_start3A_338, %dma_start3A_344] : memref<128x2x100xi32, #tpu.memory_space<vmem>> -> memref<1x1x100xi32, #tpu.memory_space<vmem>>
        %dma_start3A_346 = tpu.memref_squeeze %dma_start3A_345 : memref<1x1x100xi32, #tpu.memory_space<vmem>> -> memref<100xi32, #tpu.memory_space<vmem>>
        %dma_start3A_347 = arith.constant 0 : i32
        %dma_start3A_348 = arith.constant 0 : i32
        %dma_start3A_349 = tpu.memref_slice %arg3[%dma_start3A_347, %dma_start3A_348] : memref<100000x128xf32, #tpu.memory_space<hbm>> -> memref<100000x128xf32, #tpu.memory_space<hbm>>
        tpu.enqueue_indirect_dma source(%dma_start3A_349 : memref<100000x128xf32, #tpu.memory_space<hbm>>) target(%dma_start3A_343 : memref<100x128xf32, #tpu.memory_space<vmem>>) offsets(%dma_start3A_346 : memref<100xi32, #tpu.memory_space<vmem>>) semaphore(%arg9 : memref<!tpu.dma_semaphore, #tpu.memory_space<semaphore_mem>>)
        %dma_start3A_350 = arith.constant 1 : i32
        %dma_start3A_351 = arith.constant 0 : i32
        %dma_start3A_352 = arith.constant 100 : i32
        %dma_start3A_353 = arith.constant 0 : i32
        %dma_start3A_354 = tpu.memref_slice %arg8[%dma_start3A_351, %dma_start3A_352, %dma_start3A_353] : memref<2x200x128xf32, #tpu.memory_space<vmem>> -> memref<1x100x128xf32, #tpu.memory_space<vmem>>
        %dma_start3A_355 = tpu.memref_squeeze %dma_start3A_354 : memref<1x100x128xf32, #tpu.memory_space<vmem>> -> memref<100x128xf32, #tpu.memory_space<vmem>>
        %dma_start3A_356 = arith.constant 0 : i32
        %dma_start3A_357 = tpu.memref_slice %arg6[%add3A_337, %dma_start3A_350, %dma_start3A_356] : memref<128x2x100xi32, #tpu.memory_space<vmem>> -> memref<1x1x100xi32, #tpu.memory_space<vmem>>
        %dma_start3A_358 = tpu.memref_squeeze %dma_start3A_357 : memref<1x1x100xi32, #tpu.memory_space<vmem>> -> memref<100xi32, #tpu.memory_space<vmem>>
        %dma_start3A_359 = arith.constant 0 : i32
        %dma_start3A_360 = arith.constant 0 : i32
        %dma_start3A_361 = tpu.memref_slice %arg3[%dma_start3A_359, %dma_start3A_360] : memref<100000x128xf32, #tpu.memory_space<hbm>> -> memref<100000x128xf32, #tpu.memory_space<hbm>>
        tpu.enqueue_indirect_dma source(%dma_start3A_361 : memref<100000x128xf32, #tpu.memory_space<hbm>>) target(%dma_start3A_355 : memref<100x128xf32, #tpu.memory_space<vmem>>) offsets(%dma_start3A_358 : memref<100xi32, #tpu.memory_space<vmem>>) semaphore(%arg9 : memref<!tpu.dma_semaphore, #tpu.memory_space<semaphore_mem>>)
      } else {
      }
      %dma_wait3A_228 = arith.constant 0 : i32
      %dma_wait3A_229 = arith.constant 1 : i32
      %dma_wait3A_230 = arith.constant 0 : i32
      %dma_wait3A_231 = arith.constant 0 : i32
      %dma_wait3A_232 = tpu.memref_slice %arg8[%dma_wait3A_229, %dma_wait3A_230, %dma_wait3A_231] : memref<2x200x128xf32, #tpu.memory_space<vmem>> -> memref<1x100x128xf32, #tpu.memory_space<vmem>>
      %dma_wait3A_233 = tpu.memref_squeeze %dma_wait3A_232 : memref<1x100x128xf32, #tpu.memory_space<vmem>> -> memref<100x128xf32, #tpu.memory_space<vmem>>
      %dma_wait3A_234 = arith.constant 0 : i32
      %dma_wait3A_235 = tpu.memref_slice %arg6[%add3A_215, %dma_wait3A_228, %dma_wait3A_234] : memref<128x2x100xi32, #tpu.memory_space<vmem>> -> memref<1x1x100xi32, #tpu.memory_space<vmem>>
      %dma_wait3A_236 = tpu.memref_squeeze %dma_wait3A_235 : memref<1x1x100xi32, #tpu.memory_space<vmem>> -> memref<100xi32, #tpu.memory_space<vmem>>
      %dma_wait3A_237 = arith.constant 0 : i32
      %dma_wait3A_238 = arith.constant 0 : i32
      %dma_wait3A_239 = tpu.memref_slice %arg3[%dma_wait3A_237, %dma_wait3A_238] : memref<100000x128xf32, #tpu.memory_space<hbm>> -> memref<100000x128xf32, #tpu.memory_space<hbm>>
      tpu.wait_indirect_dma semaphore(%arg10 : memref<!tpu.dma_semaphore, #tpu.memory_space<semaphore_mem>>) src(%dma_wait3A_239 : memref<100000x128xf32, #tpu.memory_space<hbm>>) dst(%dma_wait3A_233 : memref<100x128xf32, #tpu.memory_space<vmem>>)
      %dma_wait3A_240 = arith.constant 1 : i32
      %dma_wait3A_241 = arith.constant 1 : i32
      %dma_wait3A_242 = arith.constant 100 : i32
      %dma_wait3A_243 = arith.constant 0 : i32
      %dma_wait3A_244 = tpu.memref_slice %arg8[%dma_wait3A_241, %dma_wait3A_242, %dma_wait3A_243] : memref<2x200x128xf32, #tpu.memory_space<vmem>> -> memref<1x100x128xf32, #tpu.memory_space<vmem>>
      %dma_wait3A_245 = tpu.memref_squeeze %dma_wait3A_244 : memref<1x100x128xf32, #tpu.memory_space<vmem>> -> memref<100x128xf32, #tpu.memory_space<vmem>>
      %dma_wait3A_246 = arith.constant 0 : i32
      %dma_wait3A_247 = tpu.memref_slice %arg6[%add3A_215, %dma_wait3A_240, %dma_wait3A_246] : memref<128x2x100xi32, #tpu.memory_space<vmem>> -> memref<1x1x100xi32, #tpu.memory_space<vmem>>
      %dma_wait3A_248 = tpu.memref_squeeze %dma_wait3A_247 : memref<1x1x100xi32, #tpu.memory_space<vmem>> -> memref<100xi32, #tpu.memory_space<vmem>>
      %dma_wait3A_249 = arith.constant 0 : i32
      %dma_wait3A_250 = arith.constant 0 : i32
      %dma_wait3A_251 = tpu.memref_slice %arg3[%dma_wait3A_249, %dma_wait3A_250] : memref<100000x128xf32, #tpu.memory_space<hbm>> -> memref<100000x128xf32, #tpu.memory_space<hbm>>
      tpu.wait_indirect_dma semaphore(%arg10 : memref<!tpu.dma_semaphore, #tpu.memory_space<semaphore_mem>>) src(%dma_wait3A_251 : memref<100000x128xf32, #tpu.memory_space<hbm>>) dst(%dma_wait3A_245 : memref<100x128xf32, #tpu.memory_space<vmem>>)
      %parallel_loop3A_252 = arith.constant 0 : i32
      %parallel_loop3A_253 = arith.constant 48 : i32
      %parallel_loop3A_254 = arith.constant 1 : i32
      scf.for %parallel_loop3A_336 = %parallel_loop3A_252 to %parallel_loop3A_253 step %parallel_loop3A_254  : i32 {
        %parallel_loop3A_337 = arith.index_cast %parallel_loop3A_336 : i32 to index
        %parallel_loop3A_338 = arith.constant 0 : index
        %parallel_loop3A_339 = tpu.vector_load %arg7[%parallel_loop3A_337, %parallel_loop3A_338] {strides = array<i32>} : memref<200x128xf32, #tpu.memory_space<vmem>>, vector<1x16xf32>,
        %parallel_loop3A_340 = vector.shape_cast %parallel_loop3A_339 : vector<1x16xf32> to vector<16xf32>
        %parallel_loop3A_341 = arith.constant 1 : i32
        %parallel_loop3A_342 = arith.index_cast %parallel_loop3A_341 : i32 to index
        %parallel_loop3A_343 = arith.index_cast %parallel_loop3A_336 : i32 to index
        %parallel_loop3A_344 = arith.constant 0 : index
        %parallel_loop3A_345 = tpu.vector_load %arg8[%parallel_loop3A_342, %parallel_loop3A_343, %parallel_loop3A_344] {strides = array<i32>} : memref<2x200x128xf32, #tpu.memory_space<vmem>>, vector<1x1x16xf32>,
        %parallel_loop3A_346 = vector.shape_cast %parallel_loop3A_345 : vector<1x1x16xf32> to vector<16xf32>
        %parallel_loop3A_347 = vector.shape_cast %parallel_loop3A_340 : vector<16xf32> to vector<1x1x16xf32>
        tpu.vector_store %arg8[%parallel_loop3A_342, %parallel_loop3A_343, %parallel_loop3A_344], %parallel_loop3A_347 {add = true, strides = array<i32>} : memref<2x200x128xf32, #tpu.memory_space<vmem>>, vector<1x1x16xf32>,
        %parallel_loop3A_348 = arith.index_cast %parallel_loop3A_336 : i32 to index
        %parallel_loop3A_349 = arith.constant 16 : index
        %parallel_loop3A_350 = tpu.vector_load %arg7[%parallel_loop3A_348, %parallel_loop3A_349] {strides = array<i32>} : memref<200x128xf32, #tpu.memory_space<vmem>>, vector<1x16xf32>,
        %parallel_loop3A_351 = vector.shape_cast %parallel_loop3A_350 : vector<1x16xf32> to vector<16xf32>
        %parallel_loop3A_352 = arith.constant 1 : i32
        %parallel_loop3A_353 = arith.index_cast %parallel_loop3A_352 : i32 to index
        %parallel_loop3A_354 = arith.index_cast %parallel_loop3A_336 : i32 to index
        %parallel_loop3A_355 = arith.constant 16 : index
        %parallel_loop3A_356 = tpu.vector_load %arg8[%parallel_loop3A_353, %parallel_loop3A_354, %parallel_loop3A_355] {strides = array<i32>} : memref<2x200x128xf32, #tpu.memory_space<vmem>>, vector<1x1x16xf32>,
        %parallel_loop3A_357 = vector.shape_cast %parallel_loop3A_356 : vector<1x1x16xf32> to vector<16xf32>
        %parallel_loop3A_358 = vector.shape_cast %parallel_loop3A_351 : vector<16xf32> to vector<1x1x16xf32>
        tpu.vector_store %arg8[%parallel_loop3A_353, %parallel_loop3A_354, %parallel_loop3A_355], %parallel_loop3A_358 {add = true, strides = array<i32>} : memref<2x200x128xf32, #tpu.memory_space<vmem>>, vector<1x1x16xf32>,
        %parallel_loop3A_359 = arith.index_cast %parallel_loop3A_336 : i32 to index
        %parallel_loop3A_360 = arith.constant 32 : index
        %parallel_loop3A_361 = tpu.vector_load %arg7[%parallel_loop3A_359, %parallel_loop3A_360] {strides = array<i32>} : memref<200x128xf32, #tpu.memory_space<vmem>>, vector<1x16xf32>,
        %parallel_loop3A_362 = vector.shape_cast %parallel_loop3A_361 : vector<1x16xf32> to vector<16xf32>
        %parallel_loop3A_363 = arith.constant 1 : i32
        %parallel_loop3A_364 = arith.index_cast %parallel_loop3A_363 : i32 to index
        %parallel_loop3A_365 = arith.index_cast %parallel_loop3A_336 : i32 to index
        %parallel_loop3A_366 = arith.constant 32 : index
        %parallel_loop3A_367 = tpu.vector_load %arg8[%parallel_loop3A_364, %parallel_loop3A_365, %parallel_loop3A_366] {strides = array<i32>} : memref<2x200x128xf32, #tpu.memory_space<vmem>>, vector<1x1x16xf32>,
        %parallel_loop3A_368 = vector.shape_cast %parallel_loop3A_367 : vector<1x1x16xf32> to vector<16xf32>
        %parallel_loop3A_369 = vector.shape_cast %parallel_loop3A_362 : vector<16xf32> to vector<1x1x16xf32>
        tpu.vector_store %arg8[%parallel_loop3A_364, %parallel_loop3A_365, %parallel_loop3A_366], %parallel_loop3A_369 {add = true, strides = array<i32>} : memref<2x200x128xf32, #tpu.memory_space<vmem>>, vector<1x1x16xf32>,
        %parallel_loop3A_370 = arith.index_cast %parallel_loop3A_336 : i32 to index
        %parallel_loop3A_371 = arith.constant 48 : index
        %parallel_loop3A_372 = tpu.vector_load %arg7[%parallel_loop3A_370, %parallel_loop3A_371] {strides = array<i32>} : memref<200x128xf32, #tpu.memory_space<vmem>>, vector<1x16xf32>,
        %parallel_loop3A_373 = vector.shape_cast %parallel_loop3A_372 : vector<1x16xf32> to vector<16xf32>
        %parallel_loop3A_374 = arith.constant 1 : i32
        %parallel_loop3A_375 = arith.index_cast %parallel_loop3A_374 : i32 to index
        %parallel_loop3A_376 = arith.index_cast %parallel_loop3A_336 : i32 to index
        %parallel_loop3A_377 = arith.constant 48 : index
        %parallel_loop3A_378 = tpu.vector_load %arg8[%parallel_loop3A_375, %parallel_loop3A_376, %parallel_loop3A_377] {strides = array<i32>} : memref<2x200x128xf32, #tpu.memory_space<vmem>>, vector<1x1x16xf32>,
        %parallel_loop3A_379 = vector.shape_cast %parallel_loop3A_378 : vector<1x1x16xf32> to vector<16xf32>
        %parallel_loop3A_380 = vector.shape_cast %parallel_loop3A_373 : vector<16xf32> to vector<1x1x16xf32>
        tpu.vector_store %arg8[%parallel_loop3A_375, %parallel_loop3A_376, %parallel_loop3A_377], %parallel_loop3A_380 {add = true, strides = array<i32>} : memref<2x200x128xf32, #tpu.memory_space<vmem>>, vector<1x1x16xf32>,
        %parallel_loop3A_381 = arith.index_cast %parallel_loop3A_336 : i32 to index
        %parallel_loop3A_382 = arith.constant 64 : index
        %parallel_loop3A_383 = tpu.vector_load %arg7[%parallel_loop3A_381, %parallel_loop3A_382] {strides = array<i32>} : memref<200x128xf32, #tpu.memory_space<vmem>>, vector<1x16xf32>,
        %parallel_loop3A_384 = vector.shape_cast %parallel_loop3A_383 : vector<1x16xf32> to vector<16xf32>
        %parallel_loop3A_385 = arith.constant 1 : i32
        %parallel_loop3A_386 = arith.index_cast %parallel_loop3A_385 : i32 to index
        %parallel_loop3A_387 = arith.index_cast %parallel_loop3A_336 : i32 to index
        %parallel_loop3A_388 = arith.constant 64 : index
        %parallel_loop3A_389 = tpu.vector_load %arg8[%parallel_loop3A_386, %parallel_loop3A_387, %parallel_loop3A_388] {strides = array<i32>} : memref<2x200x128xf32, #tpu.memory_space<vmem>>, vector<1x1x16xf32>,
        %parallel_loop3A_390 = vector.shape_cast %parallel_loop3A_389 : vector<1x1x16xf32> to vector<16xf32>
        %parallel_loop3A_391 = vector.shape_cast %parallel_loop3A_384 : vector<16xf32> to vector<1x1x16xf32>
        tpu.vector_store %arg8[%parallel_loop3A_386, %parallel_loop3A_387, %parallel_loop3A_388], %parallel_loop3A_391 {add = true, strides = array<i32>} : memref<2x200x128xf32, #tpu.memory_space<vmem>>, vector<1x1x16xf32>,
        %parallel_loop3A_392 = arith.index_cast %parallel_loop3A_336 : i32 to index
        %parallel_loop3A_393 = arith.constant 80 : index
        %parallel_loop3A_394 = tpu.vector_load %arg7[%parallel_loop3A_392, %parallel_loop3A_393] {strides = array<i32>} : memref<200x128xf32, #tpu.memory_space<vmem>>, vector<1x16xf32>,
        %parallel_loop3A_395 = vector.shape_cast %parallel_loop3A_394 : vector<1x16xf32> to vector<16xf32>
        %parallel_loop3A_396 = arith.constant 1 : i32
        %parallel_loop3A_397 = arith.index_cast %parallel_loop3A_396 : i32 to index
        %parallel_loop3A_398 = arith.index_cast %parallel_loop3A_336 : i32 to index
        %parallel_loop3A_399 = arith.constant 80 : index
        %parallel_loop3A_400 = tpu.vector_load %arg8[%parallel_loop3A_397, %parallel_loop3A_398, %parallel_loop3A_399] {strides = array<i32>} : memref<2x200x128xf32, #tpu.memory_space<vmem>>, vector<1x1x16xf32>,
        %parallel_loop3A_401 = vector.shape_cast %parallel_loop3A_400 : vector<1x1x16xf32> to vector<16xf32>
        %parallel_loop3A_402 = vector.shape_cast %parallel_loop3A_395 : vector<16xf32> to vector<1x1x16xf32>
        tpu.vector_store %arg8[%parallel_loop3A_397, %parallel_loop3A_398, %parallel_loop3A_399], %parallel_loop3A_402 {add = true, strides = array<i32>} : memref<2x200x128xf32, #tpu.memory_space<vmem>>, vector<1x1x16xf32>,
        %parallel_loop3A_403 = arith.index_cast %parallel_loop3A_336 : i32 to index
        %parallel_loop3A_404 = arith.constant 96 : index
        %parallel_loop3A_405 = tpu.vector_load %arg7[%parallel_loop3A_403, %parallel_loop3A_404] {strides = array<i32>} : memref<200x128xf32, #tpu.memory_space<vmem>>, vector<1x16xf32>,
        %parallel_loop3A_406 = vector.shape_cast %parallel_loop3A_405 : vector<1x16xf32> to vector<16xf32>
        %parallel_loop3A_407 = arith.constant 1 : i32
        %parallel_loop3A_408 = arith.index_cast %parallel_loop3A_407 : i32 to index
        %parallel_loop3A_409 = arith.index_cast %parallel_loop3A_336 : i32 to index
        %parallel_loop3A_410 = arith.constant 96 : index
        %parallel_loop3A_411 = tpu.vector_load %arg8[%parallel_loop3A_408, %parallel_loop3A_409, %parallel_loop3A_410] {strides = array<i32>} : memref<2x200x128xf32, #tpu.memory_space<vmem>>, vector<1x1x16xf32>,
        %parallel_loop3A_412 = vector.shape_cast %parallel_loop3A_411 : vector<1x1x16xf32> to vector<16xf32>
        %parallel_loop3A_413 = vector.shape_cast %parallel_loop3A_406 : vector<16xf32> to vector<1x1x16xf32>
        tpu.vector_store %arg8[%parallel_loop3A_408, %parallel_loop3A_409, %parallel_loop3A_410], %parallel_loop3A_413 {add = true, strides = array<i32>} : memref<2x200x128xf32, #tpu.memory_space<vmem>>, vector<1x1x16xf32>,
        %parallel_loop3A_414 = arith.index_cast %parallel_loop3A_336 : i32 to index
        %parallel_loop3A_415 = arith.constant 112 : index
        %parallel_loop3A_416 = tpu.vector_load %arg7[%parallel_loop3A_414, %parallel_loop3A_415] {strides = array<i32>} : memref<200x128xf32, #tpu.memory_space<vmem>>, vector<1x16xf32>,
        %parallel_loop3A_417 = vector.shape_cast %parallel_loop3A_416 : vector<1x16xf32> to vector<16xf32>
        %parallel_loop3A_418 = arith.constant 1 : i32
        %parallel_loop3A_419 = arith.index_cast %parallel_loop3A_418 : i32 to index
        %parallel_loop3A_420 = arith.index_cast %parallel_loop3A_336 : i32 to index
        %parallel_loop3A_421 = arith.constant 112 : index
        %parallel_loop3A_422 = tpu.vector_load %arg8[%parallel_loop3A_419, %parallel_loop3A_420, %parallel_loop3A_421] {strides = array<i32>} : memref<2x200x128xf32, #tpu.memory_space<vmem>>, vector<1x1x16xf32>,
        %parallel_loop3A_423 = vector.shape_cast %parallel_loop3A_422 : vector<1x1x16xf32> to vector<16xf32>
        %parallel_loop3A_424 = vector.shape_cast %parallel_loop3A_417 : vector<16xf32> to vector<1x1x16xf32>
        tpu.vector_store %arg8[%parallel_loop3A_419, %parallel_loop3A_420, %parallel_loop3A_421], %parallel_loop3A_424 {add = true, strides = array<i32>} : memref<2x200x128xf32, #tpu.memory_space<vmem>>, vector<1x1x16xf32>,
      } {sc.loop_unroll_factor = 4 : i64, sc.parallel_access}
      %add3A_255 = arith.addi %mul3A_2, %add3A_215 : i32
      %mul3A_256 = arith.constant 200 : i32
      %mul3A_257 = arith.muli %add3A_255, %mul3A_256 : i32
      %add3A_258 = arith.constant 0 : i32
      %add3A_259 = arith.addi %mul3A_257, %add3A_258 : i32
      %dma_start3A_260 = arith.constant 1 : i32
      %dma_start3A_261 = arith.constant 0 : i32
      %dma_start3A_262 = arith.constant 0 : i32
      %dma_start3A_263 = tpu.memref_slice %arg8[%dma_start3A_260, %dma_start3A_261, %dma_start3A_262] : memref<2x200x128xf32, #tpu.memory_space<vmem>> -> memref<1x48x128xf32, #tpu.memory_space<vmem>>
      %dma_start3A_264 = tpu.memref_squeeze %dma_start3A_263 : memref<1x48x128xf32, #tpu.memory_space<vmem>> -> memref<48x128xf32, #tpu.memory_space<vmem>>
      %dma_start3A_265 = arith.constant 0 : i32
      %dma_start3A_266 = tpu.memref_slice %arg5[%add3A_259, %dma_start3A_265] : memref<819200x128xf32, #tpu.memory_space<hbm>> -> memref<48x128xf32, #tpu.memory_space<hbm>>
      %dma_start3A_267 = arith.constant 0 : i32
      %dma_start3A_268 = tpu.memref_slice %arg5[%add3A_259, %dma_start3A_267] : memref<819200x128xf32, #tpu.memory_space<hbm>> -> memref<48x128xf32, #tpu.memory_space<hbm>>
      %dma_start3A_269 = arith.constant 0 : i32
      %dma_start3A_270 = arith.constant 0 : i32
      %dma_start3A_271 = tpu.memref_slice %arg8[%dma_start3A_260, %dma_start3A_269, %dma_start3A_270] : memref<2x200x128xf32, #tpu.memory_space<vmem>> -> memref<1x48x128xf32, #tpu.memory_space<vmem>>
      %dma_start3A_272 = tpu.memref_squeeze %dma_start3A_271 : memref<1x48x128xf32, #tpu.memory_space<vmem>> -> memref<48x128xf32, #tpu.memory_space<vmem>>
      tpu.enqueue_dma source(%dma_start3A_272 : memref<48x128xf32, #tpu.memory_space<vmem>>) target(%dma_start3A_268 : memref<48x128xf32, #tpu.memory_space<hbm>>) target_semaphore(%arg12 : memref<!tpu.dma_semaphore, #tpu.memory_space<semaphore_mem>>)
      %parallel_loop3A_273 = arith.constant 48 : i32
      %parallel_loop3A_274 = arith.constant 96 : i32
      %parallel_loop3A_275 = arith.constant 1 : i32
      scf.for %parallel_loop3A_336 = %parallel_loop3A_273 to %parallel_loop3A_274 step %parallel_loop3A_275  : i32 {
        %parallel_loop3A_337 = arith.index_cast %parallel_loop3A_336 : i32 to index
        %parallel_loop3A_338 = arith.constant 0 : index
        %parallel_loop3A_339 = tpu.vector_load %arg7[%parallel_loop3A_337, %parallel_loop3A_338] {strides = array<i32>} : memref<200x128xf32, #tpu.memory_space<vmem>>, vector<1x16xf32>,
        %parallel_loop3A_340 = vector.shape_cast %parallel_loop3A_339 : vector<1x16xf32> to vector<16xf32>
        %parallel_loop3A_341 = arith.constant 1 : i32
        %parallel_loop3A_342 = arith.index_cast %parallel_loop3A_341 : i32 to index
        %parallel_loop3A_343 = arith.index_cast %parallel_loop3A_336 : i32 to index
        %parallel_loop3A_344 = arith.constant 0 : index
        %parallel_loop3A_345 = tpu.vector_load %arg8[%parallel_loop3A_342, %parallel_loop3A_343, %parallel_loop3A_344] {strides = array<i32>} : memref<2x200x128xf32, #tpu.memory_space<vmem>>, vector<1x1x16xf32>,
        %parallel_loop3A_346 = vector.shape_cast %parallel_loop3A_345 : vector<1x1x16xf32> to vector<16xf32>
        %parallel_loop3A_347 = vector.shape_cast %parallel_loop3A_340 : vector<16xf32> to vector<1x1x16xf32>
        tpu.vector_store %arg8[%parallel_loop3A_342, %parallel_loop3A_343, %parallel_loop3A_344], %parallel_loop3A_347 {add = true, strides = array<i32>} : memref<2x200x128xf32, #tpu.memory_space<vmem>>, vector<1x1x16xf32>,
        %parallel_loop3A_348 = arith.index_cast %parallel_loop3A_336 : i32 to index
        %parallel_loop3A_349 = arith.constant 16 : index
        %parallel_loop3A_350 = tpu.vector_load %arg7[%parallel_loop3A_348, %parallel_loop3A_349] {strides = array<i32>} : memref<200x128xf32, #tpu.memory_space<vmem>>, vector<1x16xf32>,
        %parallel_loop3A_351 = vector.shape_cast %parallel_loop3A_350 : vector<1x16xf32> to vector<16xf32>
        %parallel_loop3A_352 = arith.constant 1 : i32
        %parallel_loop3A_353 = arith.index_cast %parallel_loop3A_352 : i32 to index
        %parallel_loop3A_354 = arith.index_cast %parallel_loop3A_336 : i32 to index
        %parallel_loop3A_355 = arith.constant 16 : index
        %parallel_loop3A_356 = tpu.vector_load %arg8[%parallel_loop3A_353, %parallel_loop3A_354, %parallel_loop3A_355] {strides = array<i32>} : memref<2x200x128xf32, #tpu.memory_space<vmem>>, vector<1x1x16xf32>,
        %parallel_loop3A_357 = vector.shape_cast %parallel_loop3A_356 : vector<1x1x16xf32> to vector<16xf32>
        %parallel_loop3A_358 = vector.shape_cast %parallel_loop3A_351 : vector<16xf32> to vector<1x1x16xf32>
        tpu.vector_store %arg8[%parallel_loop3A_353, %parallel_loop3A_354, %parallel_loop3A_355], %parallel_loop3A_358 {add = true, strides = array<i32>} : memref<2x200x128xf32, #tpu.memory_space<vmem>>, vector<1x1x16xf32>,
        %parallel_loop3A_359 = arith.index_cast %parallel_loop3A_336 : i32 to index
        %parallel_loop3A_360 = arith.constant 32 : index
        %parallel_loop3A_361 = tpu.vector_load %arg7[%parallel_loop3A_359, %parallel_loop3A_360] {strides = array<i32>} : memref<200x128xf32, #tpu.memory_space<vmem>>, vector<1x16xf32>,
        %parallel_loop3A_362 = vector.shape_cast %parallel_loop3A_361 : vector<1x16xf32> to vector<16xf32>
        %parallel_loop3A_363 = arith.constant 1 : i32
        %parallel_loop3A_364 = arith.index_cast %parallel_loop3A_363 : i32 to index
        %parallel_loop3A_365 = arith.index_cast %parallel_loop3A_336 : i32 to index
        %parallel_loop3A_366 = arith.constant 32 : index
        %parallel_loop3A_367 = tpu.vector_load %arg8[%parallel_loop3A_364, %parallel_loop3A_365, %parallel_loop3A_366] {strides = array<i32>} : memref<2x200x128xf32, #tpu.memory_space<vmem>>, vector<1x1x16xf32>,
        %parallel_loop3A_368 = vector.shape_cast %parallel_loop3A_367 : vector<1x1x16xf32> to vector<16xf32>
        %parallel_loop3A_369 = vector.shape_cast %parallel_loop3A_362 : vector<16xf32> to vector<1x1x16xf32>
        tpu.vector_store %arg8[%parallel_loop3A_364, %parallel_loop3A_365, %parallel_loop3A_366], %parallel_loop3A_369 {add = true, strides = array<i32>} : memref<2x200x128xf32, #tpu.memory_space<vmem>>, vector<1x1x16xf32>,
        %parallel_loop3A_370 = arith.index_cast %parallel_loop3A_336 : i32 to index
        %parallel_loop3A_371 = arith.constant 48 : index
        %parallel_loop3A_372 = tpu.vector_load %arg7[%parallel_loop3A_370, %parallel_loop3A_371] {strides = array<i32>} : memref<200x128xf32, #tpu.memory_space<vmem>>, vector<1x16xf32>,
        %parallel_loop3A_373 = vector.shape_cast %parallel_loop3A_372 : vector<1x16xf32> to vector<16xf32>
        %parallel_loop3A_374 = arith.constant 1 : i32
        %parallel_loop3A_375 = arith.index_cast %parallel_loop3A_374 : i32 to index
        %parallel_loop3A_376 = arith.index_cast %parallel_loop3A_336 : i32 to index
        %parallel_loop3A_377 = arith.constant 48 : index
        %parallel_loop3A_378 = tpu.vector_load %arg8[%parallel_loop3A_375, %parallel_loop3A_376, %parallel_loop3A_377] {strides = array<i32>} : memref<2x200x128xf32, #tpu.memory_space<vmem>>, vector<1x1x16xf32>,
        %parallel_loop3A_379 = vector.shape_cast %parallel_loop3A_378 : vector<1x1x16xf32> to vector<16xf32>
        %parallel_loop3A_380 = vector.shape_cast %parallel_loop3A_373 : vector<16xf32> to vector<1x1x16xf32>
        tpu.vector_store %arg8[%parallel_loop3A_375, %parallel_loop3A_376, %parallel_loop3A_377], %parallel_loop3A_380 {add = true, strides = array<i32>} : memref<2x200x128xf32, #tpu.memory_space<vmem>>, vector<1x1x16xf32>,
        %parallel_loop3A_381 = arith.index_cast %parallel_loop3A_336 : i32 to index
        %parallel_loop3A_382 = arith.constant 64 : index
        %parallel_loop3A_383 = tpu.vector_load %arg7[%parallel_loop3A_381, %parallel_loop3A_382] {strides = array<i32>} : memref<200x128xf32, #tpu.memory_space<vmem>>, vector<1x16xf32>,
        %parallel_loop3A_384 = vector.shape_cast %parallel_loop3A_383 : vector<1x16xf32> to vector<16xf32>
        %parallel_loop3A_385 = arith.constant 1 : i32
        %parallel_loop3A_386 = arith.index_cast %parallel_loop3A_385 : i32 to index
        %parallel_loop3A_387 = arith.index_cast %parallel_loop3A_336 : i32 to index
        %parallel_loop3A_388 = arith.constant 64 : index
        %parallel_loop3A_389 = tpu.vector_load %arg8[%parallel_loop3A_386, %parallel_loop3A_387, %parallel_loop3A_388] {strides = array<i32>} : memref<2x200x128xf32, #tpu.memory_space<vmem>>, vector<1x1x16xf32>,
        %parallel_loop3A_390 = vector.shape_cast %parallel_loop3A_389 : vector<1x1x16xf32> to vector<16xf32>
        %parallel_loop3A_391 = vector.shape_cast %parallel_loop3A_384 : vector<16xf32> to vector<1x1x16xf32>
        tpu.vector_store %arg8[%parallel_loop3A_386, %parallel_loop3A_387, %parallel_loop3A_388], %parallel_loop3A_391 {add = true, strides = array<i32>} : memref<2x200x128xf32, #tpu.memory_space<vmem>>, vector<1x1x16xf32>,
        %parallel_loop3A_392 = arith.index_cast %parallel_loop3A_336 : i32 to index
        %parallel_loop3A_393 = arith.constant 80 : index
        %parallel_loop3A_394 = tpu.vector_load %arg7[%parallel_loop3A_392, %parallel_loop3A_393] {strides = array<i32>} : memref<200x128xf32, #tpu.memory_space<vmem>>, vector<1x16xf32>,
        %parallel_loop3A_395 = vector.shape_cast %parallel_loop3A_394 : vector<1x16xf32> to vector<16xf32>
        %parallel_loop3A_396 = arith.constant 1 : i32
        %parallel_loop3A_397 = arith.index_cast %parallel_loop3A_396 : i32 to index
        %parallel_loop3A_398 = arith.index_cast %parallel_loop3A_336 : i32 to index
        %parallel_loop3A_399 = arith.constant 80 : index
        %parallel_loop3A_400 = tpu.vector_load %arg8[%parallel_loop3A_397, %parallel_loop3A_398, %parallel_loop3A_399] {strides = array<i32>} : memref<2x200x128xf32, #tpu.memory_space<vmem>>, vector<1x1x16xf32>,
        %parallel_loop3A_401 = vector.shape_cast %parallel_loop3A_400 : vector<1x1x16xf32> to vector<16xf32>
        %parallel_loop3A_402 = vector.shape_cast %parallel_loop3A_395 : vector<16xf32> to vector<1x1x16xf32>
        tpu.vector_store %arg8[%parallel_loop3A_397, %parallel_loop3A_398, %parallel_loop3A_399], %parallel_loop3A_402 {add = true, strides = array<i32>} : memref<2x200x128xf32, #tpu.memory_space<vmem>>, vector<1x1x16xf32>,
        %parallel_loop3A_403 = arith.index_cast %parallel_loop3A_336 : i32 to index
        %parallel_loop3A_404 = arith.constant 96 : index
        %parallel_loop3A_405 = tpu.vector_load %arg7[%parallel_loop3A_403, %parallel_loop3A_404] {strides = array<i32>} : memref<200x128xf32, #tpu.memory_space<vmem>>, vector<1x16xf32>,
        %parallel_loop3A_406 = vector.shape_cast %parallel_loop3A_405 : vector<1x16xf32> to vector<16xf32>
        %parallel_loop3A_407 = arith.constant 1 : i32
        %parallel_loop3A_408 = arith.index_cast %parallel_loop3A_407 : i32 to index
        %parallel_loop3A_409 = arith.index_cast %parallel_loop3A_336 : i32 to index
        %parallel_loop3A_410 = arith.constant 96 : index
        %parallel_loop3A_411 = tpu.vector_load %arg8[%parallel_loop3A_408, %parallel_loop3A_409, %parallel_loop3A_410] {strides = array<i32>} : memref<2x200x128xf32, #tpu.memory_space<vmem>>, vector<1x1x16xf32>,
        %parallel_loop3A_412 = vector.shape_cast %parallel_loop3A_411 : vector<1x1x16xf32> to vector<16xf32>
        %parallel_loop3A_413 = vector.shape_cast %parallel_loop3A_406 : vector<16xf32> to vector<1x1x16xf32>
        tpu.vector_store %arg8[%parallel_loop3A_408, %parallel_loop3A_409, %parallel_loop3A_410], %parallel_loop3A_413 {add = true, strides = array<i32>} : memref<2x200x128xf32, #tpu.memory_space<vmem>>, vector<1x1x16xf32>,
        %parallel_loop3A_414 = arith.index_cast %parallel_loop3A_336 : i32 to index
        %parallel_loop3A_415 = arith.constant 112 : index
        %parallel_loop3A_416 = tpu.vector_load %arg7[%parallel_loop3A_414, %parallel_loop3A_415] {strides = array<i32>} : memref<200x128xf32, #tpu.memory_space<vmem>>, vector<1x16xf32>,
        %parallel_loop3A_417 = vector.shape_cast %parallel_loop3A_416 : vector<1x16xf32> to vector<16xf32>
        %parallel_loop3A_418 = arith.constant 1 : i32
        %parallel_loop3A_419 = arith.index_cast %parallel_loop3A_418 : i32 to index
        %parallel_loop3A_420 = arith.index_cast %parallel_loop3A_336 : i32 to index
        %parallel_loop3A_421 = arith.constant 112 : index
        %parallel_loop3A_422 = tpu.vector_load %arg8[%parallel_loop3A_419, %parallel_loop3A_420, %parallel_loop3A_421] {strides = array<i32>} : memref<2x200x128xf32, #tpu.memory_space<vmem>>, vector<1x1x16xf32>,
        %parallel_loop3A_423 = vector.shape_cast %parallel_loop3A_422 : vector<1x1x16xf32> to vector<16xf32>
        %parallel_loop3A_424 = vector.shape_cast %parallel_loop3A_417 : vector<16xf32> to vector<1x1x16xf32>
        tpu.vector_store %arg8[%parallel_loop3A_419, %parallel_loop3A_420, %parallel_loop3A_421], %parallel_loop3A_424 {add = true, strides = array<i32>} : memref<2x200x128xf32, #tpu.memory_space<vmem>>, vector<1x1x16xf32>,
      } {sc.loop_unroll_factor = 4 : i64, sc.parallel_access}
      %add3A_276 = arith.addi %mul3A_2, %add3A_215 : i32
      %mul3A_277 = arith.constant 200 : i32
      %mul3A_278 = arith.muli %add3A_276, %mul3A_277 : i32
      %add3A_279 = arith.constant 48 : i32
      %add3A_280 = arith.addi %mul3A_278, %add3A_279 : i32
      %dma_start3A_281 = arith.constant 1 : i32
      %dma_start3A_282 = arith.constant 48 : i32
      %dma_start3A_283 = arith.constant 0 : i32
      %dma_start3A_284 = tpu.memref_slice %arg8[%dma_start3A_281, %dma_start3A_282, %dma_start3A_283] : memref<2x200x128xf32, #tpu.memory_space<vmem>> -> memref<1x48x128xf32, #tpu.memory_space<vmem>>
      %dma_start3A_285 = tpu.memref_squeeze %dma_start3A_284 : memref<1x48x128xf32, #tpu.memory_space<vmem>> -> memref<48x128xf32, #tpu.memory_space<vmem>>
      %dma_start3A_286 = arith.constant 0 : i32
      %dma_start3A_287 = tpu.memref_slice %arg5[%add3A_280, %dma_start3A_286] : memref<819200x128xf32, #tpu.memory_space<hbm>> -> memref<48x128xf32, #tpu.memory_space<hbm>>
      %dma_start3A_288 = arith.constant 0 : i32
      %dma_start3A_289 = tpu.memref_slice %arg5[%add3A_280, %dma_start3A_288] : memref<819200x128xf32, #tpu.memory_space<hbm>> -> memref<48x128xf32, #tpu.memory_space<hbm>>
      %dma_start3A_290 = arith.constant 48 : i32
      %dma_start3A_291 = arith.constant 0 : i32
      %dma_start3A_292 = tpu.memref_slice %arg8[%dma_start3A_281, %dma_start3A_290, %dma_start3A_291] : memref<2x200x128xf32, #tpu.memory_space<vmem>> -> memref<1x48x128xf32, #tpu.memory_space<vmem>>
      %dma_start3A_293 = tpu.memref_squeeze %dma_start3A_292 : memref<1x48x128xf32, #tpu.memory_space<vmem>> -> memref<48x128xf32, #tpu.memory_space<vmem>>
      tpu.enqueue_dma source(%dma_start3A_293 : memref<48x128xf32, #tpu.memory_space<vmem>>) target(%dma_start3A_289 : memref<48x128xf32, #tpu.memory_space<hbm>>) target_semaphore(%arg12 : memref<!tpu.dma_semaphore, #tpu.memory_space<semaphore_mem>>)
      %parallel_loop3A_294 = arith.constant 96 : i32
      %parallel_loop3A_295 = arith.constant 144 : i32
      %parallel_loop3A_296 = arith.constant 1 : i32
      scf.for %parallel_loop3A_336 = %parallel_loop3A_294 to %parallel_loop3A_295 step %parallel_loop3A_296  : i32 {
        %parallel_loop3A_337 = arith.index_cast %parallel_loop3A_336 : i32 to index
        %parallel_loop3A_338 = arith.constant 0 : index
        %parallel_loop3A_339 = tpu.vector_load %arg7[%parallel_loop3A_337, %parallel_loop3A_338] {strides = array<i32>} : memref<200x128xf32, #tpu.memory_space<vmem>>, vector<1x16xf32>,
        %parallel_loop3A_340 = vector.shape_cast %parallel_loop3A_339 : vector<1x16xf32> to vector<16xf32>
        %parallel_loop3A_341 = arith.constant 1 : i32
        %parallel_loop3A_342 = arith.index_cast %parallel_loop3A_341 : i32 to index
        %parallel_loop3A_343 = arith.index_cast %parallel_loop3A_336 : i32 to index
        %parallel_loop3A_344 = arith.constant 0 : index
        %parallel_loop3A_345 = tpu.vector_load %arg8[%parallel_loop3A_342, %parallel_loop3A_343, %parallel_loop3A_344] {strides = array<i32>} : memref<2x200x128xf32, #tpu.memory_space<vmem>>, vector<1x1x16xf32>,
        %parallel_loop3A_346 = vector.shape_cast %parallel_loop3A_345 : vector<1x1x16xf32> to vector<16xf32>
        %parallel_loop3A_347 = vector.shape_cast %parallel_loop3A_340 : vector<16xf32> to vector<1x1x16xf32>
        tpu.vector_store %arg8[%parallel_loop3A_342, %parallel_loop3A_343, %parallel_loop3A_344], %parallel_loop3A_347 {add = true, strides = array<i32>} : memref<2x200x128xf32, #tpu.memory_space<vmem>>, vector<1x1x16xf32>,
        %parallel_loop3A_348 = arith.index_cast %parallel_loop3A_336 : i32 to index
        %parallel_loop3A_349 = arith.constant 16 : index
        %parallel_loop3A_350 = tpu.vector_load %arg7[%parallel_loop3A_348, %parallel_loop3A_349] {strides = array<i32>} : memref<200x128xf32, #tpu.memory_space<vmem>>, vector<1x16xf32>,
        %parallel_loop3A_351 = vector.shape_cast %parallel_loop3A_350 : vector<1x16xf32> to vector<16xf32>
        %parallel_loop3A_352 = arith.constant 1 : i32
        %parallel_loop3A_353 = arith.index_cast %parallel_loop3A_352 : i32 to index
        %parallel_loop3A_354 = arith.index_cast %parallel_loop3A_336 : i32 to index
        %parallel_loop3A_355 = arith.constant 16 : index
        %parallel_loop3A_356 = tpu.vector_load %arg8[%parallel_loop3A_353, %parallel_loop3A_354, %parallel_loop3A_355] {strides = array<i32>} : memref<2x200x128xf32, #tpu.memory_space<vmem>>, vector<1x1x16xf32>,
        %parallel_loop3A_357 = vector.shape_cast %parallel_loop3A_356 : vector<1x1x16xf32> to vector<16xf32>
        %parallel_loop3A_358 = vector.shape_cast %parallel_loop3A_351 : vector<16xf32> to vector<1x1x16xf32>
        tpu.vector_store %arg8[%parallel_loop3A_353, %parallel_loop3A_354, %parallel_loop3A_355], %parallel_loop3A_358 {add = true, strides = array<i32>} : memref<2x200x128xf32, #tpu.memory_space<vmem>>, vector<1x1x16xf32>,
        %parallel_loop3A_359 = arith.index_cast %parallel_loop3A_336 : i32 to index
        %parallel_loop3A_360 = arith.constant 32 : index
        %parallel_loop3A_361 = tpu.vector_load %arg7[%parallel_loop3A_359, %parallel_loop3A_360] {strides = array<i32>} : memref<200x128xf32, #tpu.memory_space<vmem>>, vector<1x16xf32>,
        %parallel_loop3A_362 = vector.shape_cast %parallel_loop3A_361 : vector<1x16xf32> to vector<16xf32>
        %parallel_loop3A_363 = arith.constant 1 : i32
        %parallel_loop3A_364 = arith.index_cast %parallel_loop3A_363 : i32 to index
        %parallel_loop3A_365 = arith.index_cast %parallel_loop3A_336 : i32 to index
        %parallel_loop3A_366 = arith.constant 32 : index
        %parallel_loop3A_367 = tpu.vector_load %arg8[%parallel_loop3A_364, %parallel_loop3A_365, %parallel_loop3A_366] {strides = array<i32>} : memref<2x200x128xf32, #tpu.memory_space<vmem>>, vector<1x1x16xf32>,
        %parallel_loop3A_368 = vector.shape_cast %parallel_loop3A_367 : vector<1x1x16xf32> to vector<16xf32>
        %parallel_loop3A_369 = vector.shape_cast %parallel_loop3A_362 : vector<16xf32> to vector<1x1x16xf32>
        tpu.vector_store %arg8[%parallel_loop3A_364, %parallel_loop3A_365, %parallel_loop3A_366], %parallel_loop3A_369 {add = true, strides = array<i32>} : memref<2x200x128xf32, #tpu.memory_space<vmem>>, vector<1x1x16xf32>,
        %parallel_loop3A_370 = arith.index_cast %parallel_loop3A_336 : i32 to index
        %parallel_loop3A_371 = arith.constant 48 : index
        %parallel_loop3A_372 = tpu.vector_load %arg7[%parallel_loop3A_370, %parallel_loop3A_371] {strides = array<i32>} : memref<200x128xf32, #tpu.memory_space<vmem>>, vector<1x16xf32>,
        %parallel_loop3A_373 = vector.shape_cast %parallel_loop3A_372 : vector<1x16xf32> to vector<16xf32>
        %parallel_loop3A_374 = arith.constant 1 : i32
        %parallel_loop3A_375 = arith.index_cast %parallel_loop3A_374 : i32 to index
        %parallel_loop3A_376 = arith.index_cast %parallel_loop3A_336 : i32 to index
        %parallel_loop3A_377 = arith.constant 48 : index
        %parallel_loop3A_378 = tpu.vector_load %arg8[%parallel_loop3A_375, %parallel_loop3A_376, %parallel_loop3A_377] {strides = array<i32>} : memref<2x200x128xf32, #tpu.memory_space<vmem>>, vector<1x1x16xf32>,
        %parallel_loop3A_379 = vector.shape_cast %parallel_loop3A_378 : vector<1x1x16xf32> to vector<16xf32>
        %parallel_loop3A_380 = vector.shape_cast %parallel_loop3A_373 : vector<16xf32> to vector<1x1x16xf32>
        tpu.vector_store %arg8[%parallel_loop3A_375, %parallel_loop3A_376, %parallel_loop3A_377], %parallel_loop3A_380 {add = true, strides = array<i32>} : memref<2x200x128xf32, #tpu.memory_space<vmem>>, vector<1x1x16xf32>,
        %parallel_loop3A_381 = arith.index_cast %parallel_loop3A_336 : i32 to index
        %parallel_loop3A_382 = arith.constant 64 : index
        %parallel_loop3A_383 = tpu.vector_load %arg7[%parallel_loop3A_381, %parallel_loop3A_382] {strides = array<i32>} : memref<200x128xf32, #tpu.memory_space<vmem>>, vector<1x16xf32>,
        %parallel_loop3A_384 = vector.shape_cast %parallel_loop3A_383 : vector<1x16xf32> to vector<16xf32>
        %parallel_loop3A_385 = arith.constant 1 : i32
        %parallel_loop3A_386 = arith.index_cast %parallel_loop3A_385 : i32 to index
        %parallel_loop3A_387 = arith.index_cast %parallel_loop3A_336 : i32 to index
        %parallel_loop3A_388 = arith.constant 64 : index
        %parallel_loop3A_389 = tpu.vector_load %arg8[%parallel_loop3A_386, %parallel_loop3A_387, %parallel_loop3A_388] {strides = array<i32>} : memref<2x200x128xf32, #tpu.memory_space<vmem>>, vector<1x1x16xf32>,
        %parallel_loop3A_390 = vector.shape_cast %parallel_loop3A_389 : vector<1x1x16xf32> to vector<16xf32>
        %parallel_loop3A_391 = vector.shape_cast %parallel_loop3A_384 : vector<16xf32> to vector<1x1x16xf32>
        tpu.vector_store %arg8[%parallel_loop3A_386, %parallel_loop3A_387, %parallel_loop3A_388], %parallel_loop3A_391 {add = true, strides = array<i32>} : memref<2x200x128xf32, #tpu.memory_space<vmem>>, vector<1x1x16xf32>,
        %parallel_loop3A_392 = arith.index_cast %parallel_loop3A_336 : i32 to index
        %parallel_loop3A_393 = arith.constant 80 : index
        %parallel_loop3A_394 = tpu.vector_load %arg7[%parallel_loop3A_392, %parallel_loop3A_393] {strides = array<i32>} : memref<200x128xf32, #tpu.memory_space<vmem>>, vector<1x16xf32>,
        %parallel_loop3A_395 = vector.shape_cast %parallel_loop3A_394 : vector<1x16xf32> to vector<16xf32>
        %parallel_loop3A_396 = arith.constant 1 : i32
        %parallel_loop3A_397 = arith.index_cast %parallel_loop3A_396 : i32 to index
        %parallel_loop3A_398 = arith.index_cast %parallel_loop3A_336 : i32 to index
        %parallel_loop3A_399 = arith.constant 80 : index
        %parallel_loop3A_400 = tpu.vector_load %arg8[%parallel_loop3A_397, %parallel_loop3A_398, %parallel_loop3A_399] {strides = array<i32>} : memref<2x200x128xf32, #tpu.memory_space<vmem>>, vector<1x1x16xf32>,
        %parallel_loop3A_401 = vector.shape_cast %parallel_loop3A_400 : vector<1x1x16xf32> to vector<16xf32>
        %parallel_loop3A_402 = vector.shape_cast %parallel_loop3A_395 : vector<16xf32> to vector<1x1x16xf32>
        tpu.vector_store %arg8[%parallel_loop3A_397, %parallel_loop3A_398, %parallel_loop3A_399], %parallel_loop3A_402 {add = true, strides = array<i32>} : memref<2x200x128xf32, #tpu.memory_space<vmem>>, vector<1x1x16xf32>,
        %parallel_loop3A_403 = arith.index_cast %parallel_loop3A_336 : i32 to index
        %parallel_loop3A_404 = arith.constant 96 : index
        %parallel_loop3A_405 = tpu.vector_load %arg7[%parallel_loop3A_403, %parallel_loop3A_404] {strides = array<i32>} : memref<200x128xf32, #tpu.memory_space<vmem>>, vector<1x16xf32>,
        %parallel_loop3A_406 = vector.shape_cast %parallel_loop3A_405 : vector<1x16xf32> to vector<16xf32>
        %parallel_loop3A_407 = arith.constant 1 : i32
        %parallel_loop3A_408 = arith.index_cast %parallel_loop3A_407 : i32 to index
        %parallel_loop3A_409 = arith.index_cast %parallel_loop3A_336 : i32 to index
        %parallel_loop3A_410 = arith.constant 96 : index
        %parallel_loop3A_411 = tpu.vector_load %arg8[%parallel_loop3A_408, %parallel_loop3A_409, %parallel_loop3A_410] {strides = array<i32>} : memref<2x200x128xf32, #tpu.memory_space<vmem>>, vector<1x1x16xf32>,
        %parallel_loop3A_412 = vector.shape_cast %parallel_loop3A_411 : vector<1x1x16xf32> to vector<16xf32>
        %parallel_loop3A_413 = vector.shape_cast %parallel_loop3A_406 : vector<16xf32> to vector<1x1x16xf32>
        tpu.vector_store %arg8[%parallel_loop3A_408, %parallel_loop3A_409, %parallel_loop3A_410], %parallel_loop3A_413 {add = true, strides = array<i32>} : memref<2x200x128xf32, #tpu.memory_space<vmem>>, vector<1x1x16xf32>,
        %parallel_loop3A_414 = arith.index_cast %parallel_loop3A_336 : i32 to index
        %parallel_loop3A_415 = arith.constant 112 : index
        %parallel_loop3A_416 = tpu.vector_load %arg7[%parallel_loop3A_414, %parallel_loop3A_415] {strides = array<i32>} : memref<200x128xf32, #tpu.memory_space<vmem>>, vector<1x16xf32>,
        %parallel_loop3A_417 = vector.shape_cast %parallel_loop3A_416 : vector<1x16xf32> to vector<16xf32>
        %parallel_loop3A_418 = arith.constant 1 : i32
        %parallel_loop3A_419 = arith.index_cast %parallel_loop3A_418 : i32 to index
        %parallel_loop3A_420 = arith.index_cast %parallel_loop3A_336 : i32 to index
        %parallel_loop3A_421 = arith.constant 112 : index
        %parallel_loop3A_422 = tpu.vector_load %arg8[%parallel_loop3A_419, %parallel_loop3A_420, %parallel_loop3A_421] {strides = array<i32>} : memref<2x200x128xf32, #tpu.memory_space<vmem>>, vector<1x1x16xf32>,
        %parallel_loop3A_423 = vector.shape_cast %parallel_loop3A_422 : vector<1x1x16xf32> to vector<16xf32>
        %parallel_loop3A_424 = vector.shape_cast %parallel_loop3A_417 : vector<16xf32> to vector<1x1x16xf32>
        tpu.vector_store %arg8[%parallel_loop3A_419, %parallel_loop3A_420, %parallel_loop3A_421], %parallel_loop3A_424 {add = true, strides = array<i32>} : memref<2x200x128xf32, #tpu.memory_space<vmem>>, vector<1x1x16xf32>,
      } {sc.loop_unroll_factor = 4 : i64, sc.parallel_access}
      %add3A_297 = arith.addi %mul3A_2, %add3A_215 : i32
      %mul3A_298 = arith.constant 200 : i32
      %mul3A_299 = arith.muli %add3A_297, %mul3A_298 : i32
      %add3A_300 = arith.constant 96 : i32
      %add3A_301 = arith.addi %mul3A_299, %add3A_300 : i32
      %dma_start3A_302 = arith.constant 1 : i32
      %dma_start3A_303 = arith.constant 96 : i32
      %dma_start3A_304 = arith.constant 0 : i32
      %dma_start3A_305 = tpu.memref_slice %arg8[%dma_start3A_302, %dma_start3A_303, %dma_start3A_304] : memref<2x200x128xf32, #tpu.memory_space<vmem>> -> memref<1x48x128xf32, #tpu.memory_space<vmem>>
      %dma_start3A_306 = tpu.memref_squeeze %dma_start3A_305 : memref<1x48x128xf32, #tpu.memory_space<vmem>> -> memref<48x128xf32, #tpu.memory_space<vmem>>
      %dma_start3A_307 = arith.constant 0 : i32
      %dma_start3A_308 = tpu.memref_slice %arg5[%add3A_301, %dma_start3A_307] : memref<819200x128xf32, #tpu.memory_space<hbm>> -> memref<48x128xf32, #tpu.memory_space<hbm>>
      %dma_start3A_309 = arith.constant 0 : i32
      %dma_start3A_310 = tpu.memref_slice %arg5[%add3A_301, %dma_start3A_309] : memref<819200x128xf32, #tpu.memory_space<hbm>> -> memref<48x128xf32, #tpu.memory_space<hbm>>
      %dma_start3A_311 = arith.constant 96 : i32
      %dma_start3A_312 = arith.constant 0 : i32
      %dma_start3A_313 = tpu.memref_slice %arg8[%dma_start3A_302, %dma_start3A_311, %dma_start3A_312] : memref<2x200x128xf32, #tpu.memory_space<vmem>> -> memref<1x48x128xf32, #tpu.memory_space<vmem>>
      %dma_start3A_314 = tpu.memref_squeeze %dma_start3A_313 : memref<1x48x128xf32, #tpu.memory_space<vmem>> -> memref<48x128xf32, #tpu.memory_space<vmem>>
      tpu.enqueue_dma source(%dma_start3A_314 : memref<48x128xf32, #tpu.memory_space<vmem>>) target(%dma_start3A_310 : memref<48x128xf32, #tpu.memory_space<hbm>>) target_semaphore(%arg12 : memref<!tpu.dma_semaphore, #tpu.memory_space<semaphore_mem>>)
      %parallel_loop3A_315 = arith.constant 144 : i32
      %parallel_loop3A_316 = arith.constant 200 : i32
      %parallel_loop3A_317 = arith.constant 1 : i32
      scf.for %parallel_loop3A_336 = %parallel_loop3A_315 to %parallel_loop3A_316 step %parallel_loop3A_317  : i32 {
        %parallel_loop3A_337 = arith.index_cast %parallel_loop3A_336 : i32 to index
        %parallel_loop3A_338 = arith.constant 0 : index
        %parallel_loop3A_339 = tpu.vector_load %arg7[%parallel_loop3A_337, %parallel_loop3A_338] {strides = array<i32>} : memref<200x128xf32, #tpu.memory_space<vmem>>, vector<1x16xf32>,
        %parallel_loop3A_340 = vector.shape_cast %parallel_loop3A_339 : vector<1x16xf32> to vector<16xf32>
        %parallel_loop3A_341 = arith.constant 1 : i32
        %parallel_loop3A_342 = arith.index_cast %parallel_loop3A_341 : i32 to index
        %parallel_loop3A_343 = arith.index_cast %parallel_loop3A_336 : i32 to index
        %parallel_loop3A_344 = arith.constant 0 : index
        %parallel_loop3A_345 = tpu.vector_load %arg8[%parallel_loop3A_342, %parallel_loop3A_343, %parallel_loop3A_344] {strides = array<i32>} : memref<2x200x128xf32, #tpu.memory_space<vmem>>, vector<1x1x16xf32>,
        %parallel_loop3A_346 = vector.shape_cast %parallel_loop3A_345 : vector<1x1x16xf32> to vector<16xf32>
        %parallel_loop3A_347 = vector.shape_cast %parallel_loop3A_340 : vector<16xf32> to vector<1x1x16xf32>
        tpu.vector_store %arg8[%parallel_loop3A_342, %parallel_loop3A_343, %parallel_loop3A_344], %parallel_loop3A_347 {add = true, strides = array<i32>} : memref<2x200x128xf32, #tpu.memory_space<vmem>>, vector<1x1x16xf32>,
        %parallel_loop3A_348 = arith.index_cast %parallel_loop3A_336 : i32 to index
        %parallel_loop3A_349 = arith.constant 16 : index
        %parallel_loop3A_350 = tpu.vector_load %arg7[%parallel_loop3A_348, %parallel_loop3A_349] {strides = array<i32>} : memref<200x128xf32, #tpu.memory_space<vmem>>, vector<1x16xf32>,
        %parallel_loop3A_351 = vector.shape_cast %parallel_loop3A_350 : vector<1x16xf32> to vector<16xf32>
        %parallel_loop3A_352 = arith.constant 1 : i32
        %parallel_loop3A_353 = arith.index_cast %parallel_loop3A_352 : i32 to index
        %parallel_loop3A_354 = arith.index_cast %parallel_loop3A_336 : i32 to index
        %parallel_loop3A_355 = arith.constant 16 : index
        %parallel_loop3A_356 = tpu.vector_load %arg8[%parallel_loop3A_353, %parallel_loop3A_354, %parallel_loop3A_355] {strides = array<i32>} : memref<2x200x128xf32, #tpu.memory_space<vmem>>, vector<1x1x16xf32>,
        %parallel_loop3A_357 = vector.shape_cast %parallel_loop3A_356 : vector<1x1x16xf32> to vector<16xf32>
        %parallel_loop3A_358 = vector.shape_cast %parallel_loop3A_351 : vector<16xf32> to vector<1x1x16xf32>
        tpu.vector_store %arg8[%parallel_loop3A_353, %parallel_loop3A_354, %parallel_loop3A_355], %parallel_loop3A_358 {add = true, strides = array<i32>} : memref<2x200x128xf32, #tpu.memory_space<vmem>>, vector<1x1x16xf32>,
        %parallel_loop3A_359 = arith.index_cast %parallel_loop3A_336 : i32 to index
        %parallel_loop3A_360 = arith.constant 32 : index
        %parallel_loop3A_361 = tpu.vector_load %arg7[%parallel_loop3A_359, %parallel_loop3A_360] {strides = array<i32>} : memref<200x128xf32, #tpu.memory_space<vmem>>, vector<1x16xf32>,
        %parallel_loop3A_362 = vector.shape_cast %parallel_loop3A_361 : vector<1x16xf32> to vector<16xf32>
        %parallel_loop3A_363 = arith.constant 1 : i32
        %parallel_loop3A_364 = arith.index_cast %parallel_loop3A_363 : i32 to index
        %parallel_loop3A_365 = arith.index_cast %parallel_loop3A_336 : i32 to index
        %parallel_loop3A_366 = arith.constant 32 : index
        %parallel_loop3A_367 = tpu.vector_load %arg8[%parallel_loop3A_364, %parallel_loop3A_365, %parallel_loop3A_366] {strides = array<i32>} : memref<2x200x128xf32, #tpu.memory_space<vmem>>, vector<1x1x16xf32>,
        %parallel_loop3A_368 = vector.shape_cast %parallel_loop3A_367 : vector<1x1x16xf32> to vector<16xf32>
        %parallel_loop3A_369 = vector.shape_cast %parallel_loop3A_362 : vector<16xf32> to vector<1x1x16xf32>
        tpu.vector_store %arg8[%parallel_loop3A_364, %parallel_loop3A_365, %parallel_loop3A_366], %parallel_loop3A_369 {add = true, strides = array<i32>} : memref<2x200x128xf32, #tpu.memory_space<vmem>>, vector<1x1x16xf32>,
        %parallel_loop3A_370 = arith.index_cast %parallel_loop3A_336 : i32 to index
        %parallel_loop3A_371 = arith.constant 48 : index
        %parallel_loop3A_372 = tpu.vector_load %arg7[%parallel_loop3A_370, %parallel_loop3A_371] {strides = array<i32>} : memref<200x128xf32, #tpu.memory_space<vmem>>, vector<1x16xf32>,
        %parallel_loop3A_373 = vector.shape_cast %parallel_loop3A_372 : vector<1x16xf32> to vector<16xf32>
        %parallel_loop3A_374 = arith.constant 1 : i32
        %parallel_loop3A_375 = arith.index_cast %parallel_loop3A_374 : i32 to index
        %parallel_loop3A_376 = arith.index_cast %parallel_loop3A_336 : i32 to index
        %parallel_loop3A_377 = arith.constant 48 : index
        %parallel_loop3A_378 = tpu.vector_load %arg8[%parallel_loop3A_375, %parallel_loop3A_376, %parallel_loop3A_377] {strides = array<i32>} : memref<2x200x128xf32, #tpu.memory_space<vmem>>, vector<1x1x16xf32>,
        %parallel_loop3A_379 = vector.shape_cast %parallel_loop3A_378 : vector<1x1x16xf32> to vector<16xf32>
        %parallel_loop3A_380 = vector.shape_cast %parallel_loop3A_373 : vector<16xf32> to vector<1x1x16xf32>
        tpu.vector_store %arg8[%parallel_loop3A_375, %parallel_loop3A_376, %parallel_loop3A_377], %parallel_loop3A_380 {add = true, strides = array<i32>} : memref<2x200x128xf32, #tpu.memory_space<vmem>>, vector<1x1x16xf32>,
        %parallel_loop3A_381 = arith.index_cast %parallel_loop3A_336 : i32 to index
        %parallel_loop3A_382 = arith.constant 64 : index
        %parallel_loop3A_383 = tpu.vector_load %arg7[%parallel_loop3A_381, %parallel_loop3A_382] {strides = array<i32>} : memref<200x128xf32, #tpu.memory_space<vmem>>, vector<1x16xf32>,
        %parallel_loop3A_384 = vector.shape_cast %parallel_loop3A_383 : vector<1x16xf32> to vector<16xf32>
        %parallel_loop3A_385 = arith.constant 1 : i32
        %parallel_loop3A_386 = arith.index_cast %parallel_loop3A_385 : i32 to index
        %parallel_loop3A_387 = arith.index_cast %parallel_loop3A_336 : i32 to index
        %parallel_loop3A_388 = arith.constant 64 : index
        %parallel_loop3A_389 = tpu.vector_load %arg8[%parallel_loop3A_386, %parallel_loop3A_387, %parallel_loop3A_388] {strides = array<i32>} : memref<2x200x128xf32, #tpu.memory_space<vmem>>, vector<1x1x16xf32>,
        %parallel_loop3A_390 = vector.shape_cast %parallel_loop3A_389 : vector<1x1x16xf32> to vector<16xf32>
        %parallel_loop3A_391 = vector.shape_cast %parallel_loop3A_384 : vector<16xf32> to vector<1x1x16xf32>
        tpu.vector_store %arg8[%parallel_loop3A_386, %parallel_loop3A_387, %parallel_loop3A_388], %parallel_loop3A_391 {add = true, strides = array<i32>} : memref<2x200x128xf32, #tpu.memory_space<vmem>>, vector<1x1x16xf32>,
        %parallel_loop3A_392 = arith.index_cast %parallel_loop3A_336 : i32 to index
        %parallel_loop3A_393 = arith.constant 80 : index
        %parallel_loop3A_394 = tpu.vector_load %arg7[%parallel_loop3A_392, %parallel_loop3A_393] {strides = array<i32>} : memref<200x128xf32, #tpu.memory_space<vmem>>, vector<1x16xf32>,
        %parallel_loop3A_395 = vector.shape_cast %parallel_loop3A_394 : vector<1x16xf32> to vector<16xf32>
        %parallel_loop3A_396 = arith.constant 1 : i32
        %parallel_loop3A_397 = arith.index_cast %parallel_loop3A_396 : i32 to index
        %parallel_loop3A_398 = arith.index_cast %parallel_loop3A_336 : i32 to index
        %parallel_loop3A_399 = arith.constant 80 : index
        %parallel_loop3A_400 = tpu.vector_load %arg8[%parallel_loop3A_397, %parallel_loop3A_398, %parallel_loop3A_399] {strides = array<i32>} : memref<2x200x128xf32, #tpu.memory_space<vmem>>, vector<1x1x16xf32>,
        %parallel_loop3A_401 = vector.shape_cast %parallel_loop3A_400 : vector<1x1x16xf32> to vector<16xf32>
        %parallel_loop3A_402 = vector.shape_cast %parallel_loop3A_395 : vector<16xf32> to vector<1x1x16xf32>
        tpu.vector_store %arg8[%parallel_loop3A_397, %parallel_loop3A_398, %parallel_loop3A_399], %parallel_loop3A_402 {add = true, strides = array<i32>} : memref<2x200x128xf32, #tpu.memory_space<vmem>>, vector<1x1x16xf32>,
        %parallel_loop3A_403 = arith.index_cast %parallel_loop3A_336 : i32 to index
        %parallel_loop3A_404 = arith.constant 96 : index
        %parallel_loop3A_405 = tpu.vector_load %arg7[%parallel_loop3A_403, %parallel_loop3A_404] {strides = array<i32>} : memref<200x128xf32, #tpu.memory_space<vmem>>, vector<1x16xf32>,
        %parallel_loop3A_406 = vector.shape_cast %parallel_loop3A_405 : vector<1x16xf32> to vector<16xf32>
        %parallel_loop3A_407 = arith.constant 1 : i32
        %parallel_loop3A_408 = arith.index_cast %parallel_loop3A_407 : i32 to index
        %parallel_loop3A_409 = arith.index_cast %parallel_loop3A_336 : i32 to index
        %parallel_loop3A_410 = arith.constant 96 : index
        %parallel_loop3A_411 = tpu.vector_load %arg8[%parallel_loop3A_408, %parallel_loop3A_409, %parallel_loop3A_410] {strides = array<i32>} : memref<2x200x128xf32, #tpu.memory_space<vmem>>, vector<1x1x16xf32>,
        %parallel_loop3A_412 = vector.shape_cast %parallel_loop3A_411 : vector<1x1x16xf32> to vector<16xf32>
        %parallel_loop3A_413 = vector.shape_cast %parallel_loop3A_406 : vector<16xf32> to vector<1x1x16xf32>
        tpu.vector_store %arg8[%parallel_loop3A_408, %parallel_loop3A_409, %parallel_loop3A_410], %parallel_loop3A_413 {add = true, strides = array<i32>} : memref<2x200x128xf32, #tpu.memory_space<vmem>>, vector<1x1x16xf32>,
        %parallel_loop3A_414 = arith.index_cast %parallel_loop3A_336 : i32 to index
        %parallel_loop3A_415 = arith.constant 112 : index
        %parallel_loop3A_416 = tpu.vector_load %arg7[%parallel_loop3A_414, %parallel_loop3A_415] {strides = array<i32>} : memref<200x128xf32, #tpu.memory_space<vmem>>, vector<1x16xf32>,
        %parallel_loop3A_417 = vector.shape_cast %parallel_loop3A_416 : vector<1x16xf32> to vector<16xf32>
        %parallel_loop3A_418 = arith.constant 1 : i32
        %parallel_loop3A_419 = arith.index_cast %parallel_loop3A_418 : i32 to index
        %parallel_loop3A_420 = arith.index_cast %parallel_loop3A_336 : i32 to index
        %parallel_loop3A_421 = arith.constant 112 : index
        %parallel_loop3A_422 = tpu.vector_load %arg8[%parallel_loop3A_419, %parallel_loop3A_420, %parallel_loop3A_421] {strides = array<i32>} : memref<2x200x128xf32, #tpu.memory_space<vmem>>, vector<1x1x16xf32>,
        %parallel_loop3A_423 = vector.shape_cast %parallel_loop3A_422 : vector<1x1x16xf32> to vector<16xf32>
        %parallel_loop3A_424 = vector.shape_cast %parallel_loop3A_417 : vector<16xf32> to vector<1x1x16xf32>
        tpu.vector_store %arg8[%parallel_loop3A_419, %parallel_loop3A_420, %parallel_loop3A_421], %parallel_loop3A_424 {add = true, strides = array<i32>} : memref<2x200x128xf32, #tpu.memory_space<vmem>>, vector<1x1x16xf32>,
      } {sc.loop_unroll_factor = 4 : i64, sc.parallel_access}
      %add3A_318 = arith.addi %mul3A_2, %add3A_215 : i32
      %mul3A_319 = arith.constant 200 : i32
      %mul3A_320 = arith.muli %add3A_318, %mul3A_319 : i32
      %add3A_321 = arith.constant 144 : i32
      %add3A_322 = arith.addi %mul3A_320, %add3A_321 : i32
      %dma_start3A_323 = arith.constant 1 : i32
      %dma_start3A_324 = arith.constant 144 : i32
      %dma_start3A_325 = arith.constant 0 : i32
      %dma_start3A_326 = tpu.memref_slice %arg8[%dma_start3A_323, %dma_start3A_324, %dma_start3A_325] : memref<2x200x128xf32, #tpu.memory_space<vmem>> -> memref<1x56x128xf32, #tpu.memory_space<vmem>>
      %dma_start3A_327 = tpu.memref_squeeze %dma_start3A_326 : memref<1x56x128xf32, #tpu.memory_space<vmem>> -> memref<56x128xf32, #tpu.memory_space<vmem>>
      %dma_start3A_328 = arith.constant 0 : i32
      %dma_start3A_329 = tpu.memref_slice %arg5[%add3A_322, %dma_start3A_328] : memref<819200x128xf32, #tpu.memory_space<hbm>> -> memref<56x128xf32, #tpu.memory_space<hbm>>
      %dma_start3A_330 = arith.constant 0 : i32
      %dma_start3A_331 = tpu.memref_slice %arg5[%add3A_322, %dma_start3A_330] : memref<819200x128xf32, #tpu.memory_space<hbm>> -> memref<56x128xf32, #tpu.memory_space<hbm>>
      %dma_start3A_332 = arith.constant 144 : i32
      %dma_start3A_333 = arith.constant 0 : i32
      %dma_start3A_334 = tpu.memref_slice %arg8[%dma_start3A_323, %dma_start3A_332, %dma_start3A_333] : memref<2x200x128xf32, #tpu.memory_space<vmem>> -> memref<1x56x128xf32, #tpu.memory_space<vmem>>
      %dma_start3A_335 = tpu.memref_squeeze %dma_start3A_334 : memref<1x56x128xf32, #tpu.memory_space<vmem>> -> memref<56x128xf32, #tpu.memory_space<vmem>>
      tpu.enqueue_dma source(%dma_start3A_335 : memref<56x128xf32, #tpu.memory_space<vmem>>) target(%dma_start3A_331 : memref<56x128xf32, #tpu.memory_space<hbm>>) target_semaphore(%arg12 : memref<!tpu.dma_semaphore, #tpu.memory_space<semaphore_mem>>)
    }
    %scan3A_32 = arith.constant 64 : i32
    %dma_wait3A = arith.constant 1 : i32
    %dma_wait3A_33 = arith.constant 0 : i32
    %dma_wait3A_34 = arith.constant 0 : i32
    %dma_wait3A_35 = tpu.memref_slice %arg8[%dma_wait3A, %dma_wait3A_33, %dma_wait3A_34] : memref<2x200x128xf32, #tpu.memory_space<vmem>> -> memref<1x48x128xf32, #tpu.memory_space<vmem>>
    %dma_wait3A_36 = tpu.memref_squeeze %dma_wait3A_35 : memref<1x48x128xf32, #tpu.memory_space<vmem>> -> memref<48x128xf32, #tpu.memory_space<vmem>>
    %dma_wait3A_37 = arith.constant 0 : i32
    %dma_wait3A_38 = arith.constant 0 : i32
    %dma_wait3A_39 = tpu.memref_slice %arg5[%dma_wait3A_37, %dma_wait3A_38] : memref<819200x128xf32, #tpu.memory_space<hbm>> -> memref<48x128xf32, #tpu.memory_space<hbm>>
    %dma_wait3A_40 = arith.constant 0 : i32
    %dma_wait3A_41 = arith.constant 0 : i32
    %dma_wait3A_42 = tpu.memref_slice %arg5[%dma_wait3A_40, %dma_wait3A_41] : memref<819200x128xf32, #tpu.memory_space<hbm>> -> memref<48x128xf32, #tpu.memory_space<hbm>>
    %dma_wait3A_43 = arith.constant 0 : i32
    %dma_wait3A_44 = arith.constant 0 : i32
    %dma_wait3A_45 = tpu.memref_slice %arg8[%dma_wait3A, %dma_wait3A_43, %dma_wait3A_44] : memref<2x200x128xf32, #tpu.memory_space<vmem>> -> memref<1x48x128xf32, #tpu.memory_space<vmem>>
    %dma_wait3A_46 = tpu.memref_squeeze %dma_wait3A_45 : memref<1x48x128xf32, #tpu.memory_space<vmem>> -> memref<48x128xf32, #tpu.memory_space<vmem>>
    tpu.wait_dma2 semaphore(%arg12 : memref<!tpu.dma_semaphore, #tpu.memory_space<semaphore_mem>>) src(%dma_wait3A_46 : memref<48x128xf32, #tpu.memory_space<vmem>>) dst(%dma_wait3A_42 : memref<48x128xf32, #tpu.memory_space<hbm>>)
    %dma_wait3A_47 = arith.constant 1 : i32
    %dma_wait3A_48 = arith.constant 48 : i32
    %dma_wait3A_49 = arith.constant 0 : i32
    %dma_wait3A_50 = tpu.memref_slice %arg8[%dma_wait3A_47, %dma_wait3A_48, %dma_wait3A_49] : memref<2x200x128xf32, #tpu.memory_space<vmem>> -> memref<1x48x128xf32, #tpu.memory_space<vmem>>
    %dma_wait3A_51 = tpu.memref_squeeze %dma_wait3A_50 : memref<1x48x128xf32, #tpu.memory_space<vmem>> -> memref<48x128xf32, #tpu.memory_space<vmem>>
    %dma_wait3A_52 = arith.constant 48 : i32
    %dma_wait3A_53 = arith.constant 0 : i32
    %dma_wait3A_54 = tpu.memref_slice %arg5[%dma_wait3A_52, %dma_wait3A_53] : memref<819200x128xf32, #tpu.memory_space<hbm>> -> memref<48x128xf32, #tpu.memory_space<hbm>>
    %dma_wait3A_55 = arith.constant 48 : i32
    %dma_wait3A_56 = arith.constant 0 : i32
    %dma_wait3A_57 = tpu.memref_slice %arg5[%dma_wait3A_55, %dma_wait3A_56] : memref<819200x128xf32, #tpu.memory_space<hbm>> -> memref<48x128xf32, #tpu.memory_space<hbm>>
    %dma_wait3A_58 = arith.constant 48 : i32
    %dma_wait3A_59 = arith.constant 0 : i32
    %dma_wait3A_60 = tpu.memref_slice %arg8[%dma_wait3A_47, %dma_wait3A_58, %dma_wait3A_59] : memref<2x200x128xf32, #tpu.memory_space<vmem>> -> memref<1x48x128xf32, #tpu.memory_space<vmem>>
    %dma_wait3A_61 = tpu.memref_squeeze %dma_wait3A_60 : memref<1x48x128xf32, #tpu.memory_space<vmem>> -> memref<48x128xf32, #tpu.memory_space<vmem>>
    tpu.wait_dma2 semaphore(%arg12 : memref<!tpu.dma_semaphore, #tpu.memory_space<semaphore_mem>>) src(%dma_wait3A_61 : memref<48x128xf32, #tpu.memory_space<vmem>>) dst(%dma_wait3A_57 : memref<48x128xf32, #tpu.memory_space<hbm>>)
    %dma_wait3A_62 = arith.constant 1 : i32
    %dma_wait3A_63 = arith.constant 96 : i32
    %dma_wait3A_64 = arith.constant 0 : i32
    %dma_wait3A_65 = tpu.memref_slice %arg8[%dma_wait3A_62, %dma_wait3A_63, %dma_wait3A_64] : memref<2x200x128xf32, #tpu.memory_space<vmem>> -> memref<1x48x128xf32, #tpu.memory_space<vmem>>
    %dma_wait3A_66 = tpu.memref_squeeze %dma_wait3A_65 : memref<1x48x128xf32, #tpu.memory_space<vmem>> -> memref<48x128xf32, #tpu.memory_space<vmem>>
    %dma_wait3A_67 = arith.constant 96 : i32
    %dma_wait3A_68 = arith.constant 0 : i32
    %dma_wait3A_69 = tpu.memref_slice %arg5[%dma_wait3A_67, %dma_wait3A_68] : memref<819200x128xf32, #tpu.memory_space<hbm>> -> memref<48x128xf32, #tpu.memory_space<hbm>>
    %dma_wait3A_70 = arith.constant 96 : i32
    %dma_wait3A_71 = arith.constant 0 : i32
    %dma_wait3A_72 = tpu.memref_slice %arg5[%dma_wait3A_70, %dma_wait3A_71] : memref<819200x128xf32, #tpu.memory_space<hbm>> -> memref<48x128xf32, #tpu.memory_space<hbm>>
    %dma_wait3A_73 = arith.constant 96 : i32
    %dma_wait3A_74 = arith.constant 0 : i32
    %dma_wait3A_75 = tpu.memref_slice %arg8[%dma_wait3A_62, %dma_wait3A_73, %dma_wait3A_74] : memref<2x200x128xf32, #tpu.memory_space<vmem>> -> memref<1x48x128xf32, #tpu.memory_space<vmem>>
    %dma_wait3A_76 = tpu.memref_squeeze %dma_wait3A_75 : memref<1x48x128xf32, #tpu.memory_space<vmem>> -> memref<48x128xf32, #tpu.memory_space<vmem>>
    tpu.wait_dma2 semaphore(%arg12 : memref<!tpu.dma_semaphore, #tpu.memory_space<semaphore_mem>>) src(%dma_wait3A_76 : memref<48x128xf32, #tpu.memory_space<vmem>>) dst(%dma_wait3A_72 : memref<48x128xf32, #tpu.memory_space<hbm>>)
    %dma_wait3A_77 = arith.constant 1 : i32
    %dma_wait3A_78 = arith.constant 144 : i32
    %dma_wait3A_79 = arith.constant 0 : i32
    %dma_wait3A_80 = tpu.memref_slice %arg8[%dma_wait3A_77, %dma_wait3A_78, %dma_wait3A_79] : memref<2x200x128xf32, #tpu.memory_space<vmem>> -> memref<1x56x128xf32, #tpu.memory_space<vmem>>
    %dma_wait3A_81 = tpu.memref_squeeze %dma_wait3A_80 : memref<1x56x128xf32, #tpu.memory_space<vmem>> -> memref<56x128xf32, #tpu.memory_space<vmem>>
    %dma_wait3A_82 = arith.constant 144 : i32
    %dma_wait3A_83 = arith.constant 0 : i32
    %dma_wait3A_84 = tpu.memref_slice %arg5[%dma_wait3A_82, %dma_wait3A_83] : memref<819200x128xf32, #tpu.memory_space<hbm>> -> memref<56x128xf32, #tpu.memory_space<hbm>>
    %dma_wait3A_85 = arith.constant 144 : i32
    %dma_wait3A_86 = arith.constant 0 : i32
    %dma_wait3A_87 = tpu.memref_slice %arg5[%dma_wait3A_85, %dma_wait3A_86] : memref<819200x128xf32, #tpu.memory_space<hbm>> -> memref<56x128xf32, #tpu.memory_space<hbm>>
    %dma_wait3A_88 = arith.constant 144 : i32
    %dma_wait3A_89 = arith.constant 0 : i32
    %dma_wait3A_90 = tpu.memref_slice %arg8[%dma_wait3A_77, %dma_wait3A_88, %dma_wait3A_89] : memref<2x200x128xf32, #tpu.memory_space<vmem>> -> memref<1x56x128xf32, #tpu.memory_space<vmem>>
    %dma_wait3A_91 = tpu.memref_squeeze %dma_wait3A_90 : memref<1x56x128xf32, #tpu.memory_space<vmem>> -> memref<56x128xf32, #tpu.memory_space<vmem>>
    tpu.wait_dma2 semaphore(%arg12 : memref<!tpu.dma_semaphore, #tpu.memory_space<semaphore_mem>>) src(%dma_wait3A_91 : memref<56x128xf32, #tpu.memory_space<vmem>>) dst(%dma_wait3A_87 : memref<56x128xf32, #tpu.memory_space<hbm>>)
    return
  }
}

</mosaic_0001>

<sc_bundles>
// kernel: kernel.3.cloned.1.call-start
scs
__scs_entry_jumppad:
0x0: {  	(pc) =	sbr.rel $0x88, $3  }
0x1: {  	(tag) =	ssettag $0x0;
	lr =	simm.s32 $0x1  }
0x2: {  	[smem:$0x3F9E] =	sst lr;
	_ =	strace $0xD0000000  }
0x3: {  	_ = 	snop  }
0x4: {  	_ = 	snop  }
0x5: {  	_ = 	snop  }
0x6: {  	_ = 	snop  }
0x7: {  	_ = 	snop  }
__scs_overlays_trampoline_lowered:
0x8: {  	[smem:$0x3FAD] =	sst s0  }
0x9: {  	[smem:$0x3FAE] =	sst s1  }
0xa: {  	[smem:$0x3FAF] =	sst s2  }
0xb: {  	[smem:$0x3FB0] =	sst s3  }
0xc: {  	[smem:$0x3FB1] =	sst s4  }
0xd: {  	[smem:$0x3FB2] =	sst s5  }
0xe: {  	[smem:$0x3FB3] =	sst s6  }
0xf: {  	[smem:$0x3FB4] =	sst s7  }
0x10: {  	[smem:$0x3FB5] =	sst s8  }
0x11: {  	[smem:$0x3FB6] =	sst s9;
	s0 =	simm.s32 @!p0 $0x0  }
0x12: {  	s1 =	sld [smem:$0x3F9C];
	s0 =	simm.s32 @p0 $0x1  }
0x13: {  	[smem:$0x3FB7] =	sst s0;
	s0 =	simm.s32 @!p1 $0x0  }
0x14: {  	s2 =	sld [smem:$0x3F9B];
	s0 =	simm.s32 @p1 $0x1  }
0x15: {  	[smem:$0x3FB8] =	sst s0;
	s0 =	simm.s32 @!p2 $0x0  }
0x16: {  	s3 =	sld [smem:$0x3FDB];
	s0 =	simm.s32 @p2 $0x1  }
0x17: {  	s4 =	simm.s32 $0x1BF5;
	[smem:$0x3FBA] =	sst s0  }
0x18: {  	s0 =	sld [smem:$0x3F9D];
	_ =	swait.ge [sflag:s4], $0x0  }
0x19: {  	s7 =	sld [smem:$0x3F9E]  }
0x1a: {  	s8 =	sadd.s32 $0xFFFFE003, lr  }
0x1b: {  	s9 =	sadd.s32 $0xFFFFFEF7, lr;
	s5 =	simm.s32 $0xFFFFFFFF;
	p2 =	slt.u32 s8, $0xFFFFF086  }
0x1c: {  	p1 =	slt.u32 s9, $0xF7A;
	s5 =	simm.s32 @!p2 $0x0  }
0x1d: {  	s5 =	simm.s32 @p1 $0x1;
	p0 =	seq.s32 s7, s2  }
0x1e: {  	s7 =	smul.u32 @!p0 $0xF7A, s2;
	p2 =	seq.s32 @!p0 s5, $0x0  }
0x1f: {  	s9 =	smul.u32 $0xF7A, s1;
	s8 =	simm.s32 @!p0 $0x1BF5;
	p2 =	por !p2, p0  }
0x20: {  	[sflag:s8] =	ssyncset.s32 @!p0 $0xFFFFF086;
	s6 =	sadd.s32 @!p0 s3, s7;
	s7 =	simm.s32 @!p0 $0x108  }
0x21: {  	s3 =	sadd.s32 s3, s9;
	s6 =	sadd.s32 @!p0 $0x88, s6;
	s7 =	simm.s32 @p2 $0x1082  }
0x22: {  	[simem:s7], [sflag:s8] =	dma.local @!p0 [hbm:s6], $0xF7A  }
0x23: {  	s9 =	sor.u32 $0xD0000000, s2;
	s6 =	simm.s32 $0x108;
	_ =	swait.ge @!p0 [sflag:s8], $0x0  }
0x24: {  	s3 =	sadd.s32 $0x88, s3;
	s6 =	simm.s32 @!p1 $0x1082;
	[sflag:s4] =	ssyncset.s32 $0xFFFFF086  }
0x25: {  	[simem:s6], [sflag:s4] =	dma.local [hbm:s3], $0xF7A  }
0x26: {  	[smem:$0x3F9E] =	sst s1;
	(tag) =	ssettag s2;
	_ =	strace s9  }
0x27: {  	s1 =	sld [smem:$0x3FAE]  }
0x28: {  	s2 =	sld [smem:$0x3FAF]  }
0x29: {  	s4 =	sld [smem:$0x3FB1]  }
0x2a: {  	p0 =	seq.s32 s5, $0x0;
	s5 =	sld [smem:$0x3FB2]  }
0x2b: {  	s6 =	sld [smem:$0x3FB3]  }
0x2c: {  	s7 =	sld [smem:$0x3FB4]  }
0x2d: {  	s3 =	simm.s32 $0x108;
	s8 =	sld [smem:$0x3FB5]  }
0x2e: {  	s3 =	simm.s32 @!p0 $0x1082;
	s9 =	sld [smem:$0x3FB6]  }
0x2f: {  	lr =	sadd.s32 s0, s3;
	s0 =	sld [smem:$0x3FAD]  }
0x30: {  	s3 =	sld [smem:$0x3FB0]  }
0x31: {  	[smem:$0x3FB9] =	sst s10  }
0x32: {  	s10 =	sld [smem:$0x3FB7];
	_ =	sdelay $0x3  }
0x33: {  	p0 =	seq.s32 s10, $0x1;
	s10 =	sld [smem:$0x3FB9];
	_ =	sdelay $0x3  }
0x34: {  	[smem:$0x3FB9] =	sst s10  }
0x35: {  	s10 =	sld [smem:$0x3FB8];
	_ =	sdelay $0x3  }
0x36: {  	p1 =	seq.s32 s10, $0x1;
	s10 =	sld [smem:$0x3FB9];
	_ =	sdelay $0x3  }
0x37: {  	[smem:$0x3FB9] =	sst s10  }
0x38: {  	s10 =	sld [smem:$0x3FBA]  }
0x39: {  	_ = 	snop;
	(pc) =	sbr.ind lr, $3  }
0x3a: {  	_ = 	snop  }
0x3b: {  	_ = 	snop  }
0x3c: {  	p2 =	seq.s32 s10, $0x1;
	s10 =	sld [smem:$0x3FB9]  }
0x3d: {  	_ =	shalt  }
0x3e: {  	_ =	shalt  }
0x3f: {  	_ =	shalt  }
0x40: {  	_ =	shalt  }
0x41: {  	_ =	shalt  }
0x42: {  	_ =	shalt  }
0x43: {  	_ =	shalt  }
0x44: {  	_ =	shalt  }
0x45: {  	_ =	shalt  }
0x46: {  	_ =	shalt  }
0x47: {  	_ =	shalt  }
0x48: {  	_ =	shalt  }
0x49: {  	_ =	shalt  }
0x4a: {  	_ =	shalt  }
0x4b: {  	_ =	shalt  }
0x4c: {  	_ =	shalt  }
0x4d: {  	_ =	shalt  }
0x4e: {  	_ =	shalt  }
0x4f: {  	_ =	shalt  }
0x50: {  	_ =	shalt  }
0x51: {  	_ =	shalt  }
0x52: {  	_ =	shalt  }
0x53: {  	_ =	shalt  }
0x54: {  	_ =	shalt  }
0x55: {  	_ =	shalt  }
0x56: {  	_ =	shalt  }
0x57: {  	_ =	shalt  }
0x58: {  	_ =	shalt  }
0x59: {  	_ =	shalt  }
0x5a: {  	_ =	shalt  }
0x5b: {  	_ =	shalt  }
0x5c: {  	_ =	shalt  }
0x5d: {  	_ =	shalt  }
0x5e: {  	_ =	shalt  }
0x5f: {  	_ =	shalt  }
0x60: {  	_ =	shalt  }
0x61: {  	_ =	shalt  }
0x62: {  	_ =	shalt  }
0x63: {  	_ =	shalt  }
0x64: {  	_ =	shalt  }
0x65: {  	_ =	shalt  }
0x66: {  	_ =	shalt  }
0x67: {  	_ =	shalt  }
0x68: {  	_ =	shalt  }
0x69: {  	_ =	shalt  }
0x6a: {  	_ =	shalt  }
0x6b: {  	_ =	shalt  }
0x6c: {  	_ =	shalt  }
0x6d: {  	_ =	shalt  }
0x6e: {  	_ =	shalt  }
0x6f: {  	_ =	shalt  }
0x70: {  	_ =	shalt  }
0x71: {  	_ =	shalt  }
0x72: {  	_ =	shalt  }
0x73: {  	_ =	shalt  }
0x74: {  	_ =	shalt  }
0x75: {  	_ =	shalt  }
0x76: {  	_ =	shalt  }
0x77: {  	_ =	shalt  }
0x78: {  	_ =	shalt  }
0x79: {  	_ =	shalt  }
0x7a: {  	_ =	shalt  }
0x7b: {  	_ =	shalt  }
0x7c: {  	_ =	shalt  }
0x7d: {  	_ =	shalt  }
0x7e: {  	_ =	shalt  }
0x7f: {  	_ =	shalt  }
0x80: {  	_ =	shalt  }
0x81: {  	_ =	shalt  }
0x82: {  	_ =	shalt  }
0x83: {  	_ =	shalt  }
0x84: {  	_ =	shalt  }
0x85: {  	_ =	shalt  }
0x86: {  	_ =	shalt  }
0x87: {  	_ =	shalt  }
.Lfunc_end0:
.L_simem_size_0:
called_computation_lowered:
.L_overlay_start_0:
0x88: {  	s2 =	sld [smem:$0x3FD9]  }
0x89: {  	s3 =	sld [smem:$0x3FFE];
	_ =	sdelay $0x1  }
0x8a: {  	s1 =	srdreg.scid  }
0x8b: {  	s0 =	sand.u32 $0x1, s1  }
0x8c: {  	s17 =	sshll.u32 s0, $0xA;
	s2 =	sadd.s32 s3, s2  }
0x8d: {  	s2 =	sadd.s32 s2, s17  }
0x8e: {  	[smem:$0x3FC5] =	sst s2  }
0x8f: {  	_ = 	snop  }
0x90: {  	s2 =	sld [smem:$0x3FC8]  }
0x91: {  	s18 =	sld [smem:$0x3FC7]  }
0x92: {  	s4 =	sld [smem:$0x3FD0];
	(tm) =	ssettm $0x1  }
0x93: {  	s5 =	sld [smem:$0x3FFB];
	_ =	sdelay $0x3  }
0x94: {  	_ =	strace s5  }
0x95: {  	s5 =	sld [smem:$0x3FFC];
	_ =	sdelay $0x3  }
0x96: {  	_ =	strace s5  }
0x97: {  	s5 =	sld [smem:$0x3FFD];
	_ =	sdelay $0x3  }
0x98: {  	_ =	strace s5  }
0x99: {  	_ =	strace $0x8FFFFFFF  }
0x9a: {  	s19 =	sld [smem:$0x3FDB];
	_ =	sdelay $0x1  }
0x9b: {  	s6 =	simm.s32 $_scs_section_size  }
0x9c: {  	s7 =	simm.s32 $_size__tile_overlayer_lowered;
	s8 =	simm.s32 $_tile_overlayer_lowered  }
0x9d: {  	s22 =	simm.s32 $0x1BFF;
	s21 =	sshll.u32 s8, $0x1;
	s5 =	sadd.s32 s6, s19  }
0x9e: {  	s9 =	simm.s32 $0x0;
	s20 =	sshll.u32 s7, $0x1;
	s7 =	sadd.s32 s21, s5  }
0x9f: {  	[timem:s9], [sflag:s22] =	dma.local [hbm:s7], s20  }
0xa0: {  	_ =	swait.ge [sflag:s22], s20  }
0xa1: {  	s6 =	ssub.s32 $0x0, s20;
	[sflag:s22] =	ssyncset.done $0x0  }
0xa2: {  	[sflag:s22] =	ssyncadd.s32 s6;
	_ =	sdelay $0x1  }
0xa3: {  	s23 =	simm.s32 $0x1B8B  }
0xa4: {  	_ =	swait.ge [sflag:s23], $0x1  }
0xa5: {  	[sflag:s23] =	ssyncset.done $0x0  }
0xa6: {  	s25 =	simm.s32 $0x1B8E;
	s24 =	sld [smem:$0x3FFE];
	[sflag:s23] =	ssyncadd.s32 $0xFFFFFFFF  }
0xa7: {  	s26 =	simm.s32 $execute0_lowered;
	[smem:$0x3FD2] =	sst s25  }
0xa8: {  	s7 =	sshll.u32 s26, $0x1;
	_ =	strace $0x80000046;
	[dreg:$0x1] =	wrdreg $0xFFFFFFFF  }
0xa9: {  	s28 =	simm.s32 $_size_execute0_lowered;
	s5 =	sadd.s32 s5, s7;
	[dreg:$0x0] =	wrdreg $0x0  }
0xaa: {  	s7 =	sshll.u32 s28, $0x1;
	[dreg:$0x2] =	wrdreg s5  }
0xab: {  	[dreg:$0x3] =	wrdreg s7  }
0xac: {  	[dreg:$0x4] =	wrdreg $0xC0  }
0xad: {  	_ =	task [dreg:s9], $0x5FFFF  }
0xae: {  	[dreg:$0x1] =	wrdreg $0xFFFFFFFF  }
0xaf: {  	[dreg:$0x0] =	wrdreg $0x60  }
0xb0: {  	[dreg:$0x2] =	wrdreg s24  }
0xb1: {  	[dreg:$0x3] =	wrdreg s2  }
0xb2: {  	[dreg:$0x4] =	wrdreg s18  }
0xb3: {  	[dreg:$0x5] =	wrdreg s4  }
0xb4: {  	[dreg:$0x6] =	wrdreg $0x9  }
0xb5: {  	_ =	task.clear_ibuf [dreg:s9], $0x7FFFF;
	_ =	strace $0x90000046  }
0xb6: {  	s29 =	simm.s32 $0x9;
	_ =	strace $0x80000048  }
0xb7: {  	_ =	swait.ge [sflag:s29], $0x1  }
0xb8: {  	[sflag:s29] =	ssyncadd.s32 $0xFFFFFFFF  }
0xb9: {  	_ =	strace $0x90000048  }
0xba: {  	_ =	sfence  }
0xbb: {  	s30 =	sld [smem:$0x0];
	_ =	sdelay $0x2  }
0xbc: {  	s31 =	sshll.u32 s1, $0xD;
	s1 =	sshrl.u32 s1, $0x2  }
0xbd: {  	s3 =	sand.u32 $0x4000, s31;
	s1 =	sadd.s32 s1, s30  }
0xbe: {  	s0 =	sor.u32 s3, s0;
	s1 =	sshll.u32 s1, $0x11  }
0xbf: {  	s0 =	sor.u32 s1, s0  }
0xc0: {  	s0 =	sadd.s32 $0x8F2B, s0  }
0xc1: {  	[sflag:s0] =	ssyncadd.remote.s32 $0x1  }
0xc2: {  	_ =	sfence.sel $0xFFFF  }
0xc3: {  	[dreg:$0x0] =	wrdreg $0xFFFFFFFF;
	(pc) =	sbr.abs _section_cstart, $3  }
0xc4: {  	[dreg:$0x1] =	wrdreg $0xFFFFFFFF  }
0xc5: {  	_ =	task.clear_ibuf [dreg:s9], $0x2FFFF;
	_ =	strace $0x9FFFFFFF  }
0xc6: {  	(tm) =	ssettm $0x7FFFFFFF  }
0xc7: {  	_ =	shalt  }
tec
execute0_lowered:
.L_overlay_start_1:
0x0: {  	(tag) =	ssettag $0x1  }
0x1: {  	s0 =	rddreg [dreg:$0x0]  }
0x2: {  	s2 =	rddreg [dreg:$0x1];
	s1 =	srdreg.scid  }
0x3: {  	s4 =	rddreg [dreg:$0x3];
	s3 =	stileid.u32  }
0x4: {  	s5 =	simm.s32 $0x0;
	s9 =	simm.s32 $0x8000;
	s10 =	simm.s32 $0x5  }
0x5: {  	s11 =	simm.s32 $0x64;
	s12 =	simm.s32 $0xE400;
	s13 =	simm.s32 $0x80  }
0x6: {  	s14 =	simm.s32 $0x11600;
	s15 =	simm.s32 $0x14800;
	s16 =	simm.s32 $0x17A00  }
0x7: {  	s17 =	simm.s32 $0x1;
	s18 =	simm.s32 $0xFC00;
	s19 =	simm.s32 $0x11400  }
0x8: {  	s20 =	simm.s32 $0x12C00;
	s21 =	simm.s32 $0x3;
	s22 =	simm.s32 $0x2  }
0x9: {  	s23 =	simm.s32 $0x16000;
	s24 =	simm.s32 $0x17800;
	s1 =	sand.u32 $0x1, s1  }
0xa: {  	s25 =	simm.s32 $0x19000;
	s3 =	sshll.u32 s3, $0x8;
	s6 =	sshll.u32 s1, $0x7  }
0xb: {  	s26 =	simm.s32 $0x4;
	s1 =	ssub.s32 $0x2, s1;
	s6 =	sor.u32 s6, s3  }
0xc: {  	s28 =	simm.s32 $0x0;
	s7 =	sshrl.u32 s1, $0x1;
	s3 =	sshll.u32 s6, $0x5  }
0xd: {  	[smem:$0x7FF] =	sst s5;
	s1 =	ssub.s32 s1, s7;
	s0 =	sadd.s32 s3, s0  }
0xe: {  	_ =	strace $0x80000047;
	s8 =	smax.u32 s1, $0x1;
	s7 =	sadd.s32 $0x400, s0  }
.LBB2_1:
0xf: {  	s0 =	rddreg [dreg:$0x2]  }
0x10: {  	[tilespmem:s9], [sflag:$0x5] =	stream.linear.gather [hbm4b:s0+s5], $0x6400, $0x38;
	[tilespmem:$0x1AC00] =	vst v63  }
0x11: {  	_ =	swait.ge [sflag:s10], $0x6400  }
0x12: {  	[sflag:s10] =	ssyncset.done $0x0  }
0x13: {  	[sflag:s10] =	ssyncadd.s32 $0xFFFF9C00  }
0x14: {  	[tilespmem:s5], [sflag:$0x5] =	stream.linear.gather [hbm4b:s7+s5], $0x8000, $0x38;
	[tilespmem:$0x1AC00] =	vst v63  }
0x15: {  	_ =	swait.ge [sflag:s10], $0x8000  }
0x16: {  	[sflag:s10] =	ssyncset.done $0x0  }
0x17: {  	[sflag:s10] =	ssyncadd.s32 $0xFFFF8000  }
0x18: {  	[tilespmem:s12], [sflag:$0x1] =	stream.indirect.gather [hbm4b:s2+s11], $0x80, s5, s11, $0xb8;
	[tilespmem:$0x1AC00] =	vst v63  }
0x19: {  	s29 =	simm.s32 $0x0  }
0x1a: {  	[tilespmem:s14], [sflag:$0x1] =	stream.indirect.gather [hbm4b:s2+s11], $0x80, s13, s11, $0xb8;
	[tilespmem:$0x1AC00] =	vst v63  }
.LBB2_2:
0x1b: {  	p0 =	seq.s32 s29, $0x0  }
0x1c: {  	s0 =	simm.s32 @!p0 $0x4  }
0x1d: {  	_ =	swait.ge @!p0 [sflag:s0], $0x1800  }
0x1e: {  	[sflag:s0] =	ssyncset.done @!p0 $0x0  }
0x1f: {  	[sflag:s0] =	ssyncadd.s32 @!p0 $0xFFFFE800  }
0x20: {  	_ =	swait.ge @!p0 [sflag:s0], $0x1800  }
0x21: {  	[sflag:s0] =	ssyncset.done @!p0 $0x0  }
0x22: {  	[sflag:s0] =	ssyncadd.s32 @!p0 $0xFFFFE800  }
0x23: {  	_ =	swait.ge @!p0 [sflag:s0], $0x1800  }
0x24: {  	[sflag:s0] =	ssyncset.done @!p0 $0x0  }
0x25: {  	s31 =	sshll.u32 s29, $0x1;
	[sflag:s0] =	ssyncadd.s32 @!p0 $0xFFFFE800  }
0x26: {  	s30 =	sor.u32 $0x1, s31;
	_ =	swait.ge @!p0 [sflag:s0], $0x1C00  }
0x27: {  	s1 =	sshll.u32 s30, $0x8;
	[sflag:s0] =	ssyncset.done @!p0 $0x0  }
0x28: {  	s3 =	sand.u32 $0x3FFFFF00, s1;
	[sflag:s0] =	ssyncadd.s32 @!p0 $0xFFFFE400  }
0x29: {  	[tilespmem:s15], [sflag:$0x2] =	stream.indirect.gather [hbm4b:s2+s11], $0x80, s3, s11, $0xb8;
	[tilespmem:$0x1AC00] =	vst v63  }
0x2a: {  	s0 =	sor.u32 $0x80, s3  }
0x2b: {  	[tilespmem:s16], [sflag:$0x2] =	stream.indirect.gather [hbm4b:s2+s11], $0x80, s0, s11, $0xb8;
	[tilespmem:$0x1AC00] =	vst v63  }
0x2c: {  	_ =	swait.ge [sflag:s17], $0x3200  }
0x2d: {  	[sflag:s17] =	ssyncset.done $0x0  }
0x2e: {  	[sflag:s17] =	ssyncadd.s32 $0xFFFFCE00  }
0x2f: {  	_ =	swait.ge [sflag:s17], $0x3200  }
0x30: {  	[sflag:s17] =	ssyncset.done $0x0  }
0x31: {  	s0 =	simm.s32 $0x0;
	[sflag:s17] =	ssyncadd.s32 $0xFFFFCE00  }
0x32: {  	v0 =	vld [tilespmem:s0+$0x81F0]  }
0x33: {  	v1 =	vld [tilespmem:s0+$0x8000]  }
0x34: {  	v2 =	vld [tilespmem:s0+$0x8010]  }
0x35: {  	v3 =	vld [tilespmem:s0+$0x8020]  }
0x36: {  	v4 =	vld [tilespmem:s0+$0x8030]  }
0x37: {  	v5 =	vld [tilespmem:s0+$0x8040]  }
0x38: {  	v6 =	vld [tilespmem:s0+$0x8050]  }
0x39: {  	v7 =	vld [tilespmem:s0+$0x8060]  }
0x3a: {  	v8 =	vld [tilespmem:s0+$0x8070]  }
0x3b: {  	v9 =	vld [tilespmem:s0+$0x8080]  }
0x3c: {  	v10 =	vld [tilespmem:s0+$0x8090]  }
0x3d: {  	v11 =	vld [tilespmem:s0+$0x80A0]  }
0x3e: {  	v12 =	vld [tilespmem:s0+$0x80B0]  }
0x3f: {  	v13 =	vld [tilespmem:s0+$0x80C0]  }
0x40: {  	v14 =	vld [tilespmem:s0+$0x80D0]  }
0x41: {  	v15 =	vld [tilespmem:s0+$0x80E0]  }
0x42: {  	v16 =	vld [tilespmem:s0+$0x80F0]  }
0x43: {  	v17 =	vld [tilespmem:s0+$0x8100]  }
0x44: {  	v18 =	vld [tilespmem:s0+$0x8110]  }
0x45: {  	v19 =	vld [tilespmem:s0+$0x8120]  }
0x46: {  	v20 =	vld [tilespmem:s0+$0x8130]  }
0x47: {  	v21 =	vld [tilespmem:s0+$0x8140]  }
0x48: {  	v22 =	vld [tilespmem:s0+$0x8150]  }
0x49: {  	v23 =	vld [tilespmem:s0+$0x8160]  }
0x4a: {  	v24 =	vld [tilespmem:s0+$0x8170]  }
0x4b: {  	v25 =	vld [tilespmem:s0+$0x8180]  }
0x4c: {  	v26 =	vld [tilespmem:s0+$0x8190]  }
0x4d: {  	v27 =	vld [tilespmem:s0+$0x81A0]  }
0x4e: {  	v28 =	vld [tilespmem:s0+$0x81B0]  }
0x4f: {  	v29 =	vld [tilespmem:s0+$0x81C0]  }
0x50: {  	v30 =	vld [tilespmem:s0+$0x81D0]  }
0x51: {  	[tilespmem:s0+$0xE5F0] =	vst.add.f32.msk $0xffff, v0  }
0x52: {  	v0 =	vld [tilespmem:s0+$0x81E0]  }
0x53: {  	[tilespmem:s0+$0xE400] =	vst.add.f32.msk $0xffff, v1  }
0x54: {  	[tilespmem:s0+$0xE410] =	vst.add.f32.msk $0xffff, v2  }
0x55: {  	[tilespmem:s0+$0xE420] =	vst.add.f32.msk $0xffff, v3  }
0x56: {  	[tilespmem:s0+$0xE430] =	vst.add.f32.msk $0xffff, v4  }
0x57: {  	[tilespmem:s0+$0xE440] =	vst.add.f32.msk $0xffff, v5  }
0x58: {  	[tilespmem:s0+$0xE450] =	vst.add.f32.msk $0xffff, v6  }
0x59: {  	[tilespmem:s0+$0xE460] =	vst.add.f32.msk $0xffff, v7  }
0x5a: {  	[tilespmem:s0+$0xE470] =	vst.add.f32.msk $0xffff, v8  }
0x5b: {  	[tilespmem:s0+$0xE480] =	vst.add.f32.msk $0xffff, v9  }
0x5c: {  	[tilespmem:s0+$0xE490] =	vst.add.f32.msk $0xffff, v10  }
0x5d: {  	[tilespmem:s0+$0xE4A0] =	vst.add.f32.msk $0xffff, v11  }
0x5e: {  	[tilespmem:s0+$0xE4B0] =	vst.add.f32.msk $0xffff, v12  }
0x5f: {  	[tilespmem:s0+$0xE4C0] =	vst.add.f32.msk $0xffff, v13  }
0x60: {  	[tilespmem:s0+$0xE4D0] =	vst.add.f32.msk $0xffff, v14  }
0x61: {  	[tilespmem:s0+$0xE4E0] =	vst.add.f32.msk $0xffff, v15  }
0x62: {  	[tilespmem:s0+$0xE4F0] =	vst.add.f32.msk $0xffff, v16  }
0x63: {  	[tilespmem:s0+$0xE500] =	vst.add.f32.msk $0xffff, v17  }
0x64: {  	[tilespmem:s0+$0xE510] =	vst.add.f32.msk $0xffff, v18  }
0x65: {  	[tilespmem:s0+$0xE520] =	vst.add.f32.msk $0xffff, v19  }
0x66: {  	[tilespmem:s0+$0xE530] =	vst.add.f32.msk $0xffff, v20  }
0x67: {  	[tilespmem:s0+$0xE540] =	vst.add.f32.msk $0xffff, v21  }
0x68: {  	[tilespmem:s0+$0xE550] =	vst.add.f32.msk $0xffff, v22  }
0x69: {  	[tilespmem:s0+$0xE560] =	vst.add.f32.msk $0xffff, v23  }
0x6a: {  	[tilespmem:s0+$0xE570] =	vst.add.f32.msk $0xffff, v24  }
0x6b: {  	[tilespmem:s0+$0xE580] =	vst.add.f32.msk $0xffff, v25  }
0x6c: {  	[tilespmem:s0+$0xE590] =	vst.add.f32.msk $0xffff, v26  }
0x6d: {  	[tilespmem:s0+$0xE5A0] =	vst.add.f32.msk $0xffff, v27  }
0x6e: {  	[tilespmem:s0+$0xE5B0] =	vst.add.f32.msk $0xffff, v28  }
0x6f: {  	[tilespmem:s0+$0xE5C0] =	vst.add.f32.msk $0xffff, v29  }
0x70: {  	s1 =	simm.s32 $0x0;
	s3 =	simm.s32 $0x800;
	[tilespmem:s0+$0xE5D0] =	vst.add.f32.msk $0xffff, v30  }
.LBB2_3:
0x71: {  	s1 =	sadd.s32 $0x4, s1;
	[tilespmem:s0+$0xE5E0] =	vst.add.f32.msk $0xffff, v0;
	s0 =	sshra.s32 s3, $0x2  }
0x72: {  	v0 =	vld [tilespmem:s0+$0x81F0];
	p0 =	slt.u32 s1, $0x2C  }
0x73: {  	v1 =	vld [tilespmem:s0+$0x8000]  }
0x74: {  	v2 =	vld [tilespmem:s0+$0x8010]  }
0x75: {  	v3 =	vld [tilespmem:s0+$0x8020]  }
0x76: {  	v4 =	vld [tilespmem:s0+$0x8030]  }
0x77: {  	[tilespmem:s0+$0xE5F0] =	vst.add.f32.msk $0xffff, v0  }
0x78: {  	v5 =	vld [tilespmem:s0+$0x8040]  }
0x79: {  	v6 =	vld [tilespmem:s0+$0x8050]  }
0x7a: {  	v7 =	vld [tilespmem:s0+$0x8060]  }
0x7b: {  	v8 =	vld [tilespmem:s0+$0x8070]  }
0x7c: {  	v9 =	vld [tilespmem:s0+$0x8080]  }
0x7d: {  	v10 =	vld [tilespmem:s0+$0x8090]  }
0x7e: {  	v11 =	vld [tilespmem:s0+$0x80A0]  }
0x7f: {  	v12 =	vld [tilespmem:s0+$0x80B0]  }
0x80: {  	v13 =	vld [tilespmem:s0+$0x80C0]  }
0x81: {  	v14 =	vld [tilespmem:s0+$0x80D0]  }
0x82: {  	v15 =	vld [tilespmem:s0+$0x80E0]  }
0x83: {  	v16 =	vld [tilespmem:s0+$0x80F0]  }
0x84: {  	v17 =	vld [tilespmem:s0+$0x8100]  }
0x85: {  	v18 =	vld [tilespmem:s0+$0x8110]  }
0x86: {  	v19 =	vld [tilespmem:s0+$0x8120]  }
0x87: {  	v20 =	vld [tilespmem:s0+$0x8130]  }
0x88: {  	v21 =	vld [tilespmem:s0+$0x8140]  }
0x89: {  	v22 =	vld [tilespmem:s0+$0x8150]  }
0x8a: {  	v23 =	vld [tilespmem:s0+$0x8160]  }
0x8b: {  	v24 =	vld [tilespmem:s0+$0x8170]  }
0x8c: {  	v25 =	vld [tilespmem:s0+$0x8180]  }
0x8d: {  	v26 =	vld [tilespmem:s0+$0x8190]  }
0x8e: {  	v27 =	vld [tilespmem:s0+$0x81A0]  }
0x8f: {  	v28 =	vld [tilespmem:s0+$0x81B0]  }
0x90: {  	v29 =	vld [tilespmem:s0+$0x81C0]  }
0x91: {  	v30 =	vld [tilespmem:s0+$0x81D0]  }
0x92: {  	v0 =	vld [tilespmem:s0+$0x81E0]  }
0x93: {  	[tilespmem:s0+$0xE400] =	vst.add.f32.msk $0xffff, v1  }
0x94: {  	[tilespmem:s0+$0xE410] =	vst.add.f32.msk $0xffff, v2  }
0x95: {  	[tilespmem:s0+$0xE420] =	vst.add.f32.msk $0xffff, v3  }
0x96: {  	[tilespmem:s0+$0xE430] =	vst.add.f32.msk $0xffff, v4  }
0x97: {  	[tilespmem:s0+$0xE440] =	vst.add.f32.msk $0xffff, v5  }
0x98: {  	[tilespmem:s0+$0xE450] =	vst.add.f32.msk $0xffff, v6  }
0x99: {  	[tilespmem:s0+$0xE460] =	vst.add.f32.msk $0xffff, v7  }
0x9a: {  	[tilespmem:s0+$0xE470] =	vst.add.f32.msk $0xffff, v8  }
0x9b: {  	[tilespmem:s0+$0xE480] =	vst.add.f32.msk $0xffff, v9  }
0x9c: {  	[tilespmem:s0+$0xE490] =	vst.add.f32.msk $0xffff, v10  }
0x9d: {  	[tilespmem:s0+$0xE4A0] =	vst.add.f32.msk $0xffff, v11  }
0x9e: {  	[tilespmem:s0+$0xE4B0] =	vst.add.f32.msk $0xffff, v12  }
0x9f: {  	[tilespmem:s0+$0xE4C0] =	vst.add.f32.msk $0xffff, v13  }
0xa0: {  	[tilespmem:s0+$0xE4D0] =	vst.add.f32.msk $0xffff, v14  }
0xa1: {  	[tilespmem:s0+$0xE4E0] =	vst.add.f32.msk $0xffff, v15  }
0xa2: {  	[tilespmem:s0+$0xE4F0] =	vst.add.f32.msk $0xffff, v16  }
0xa3: {  	[tilespmem:s0+$0xE500] =	vst.add.f32.msk $0xffff, v17  }
0xa4: {  	[tilespmem:s0+$0xE510] =	vst.add.f32.msk $0xffff, v18  }
0xa5: {  	[tilespmem:s0+$0xE520] =	vst.add.f32.msk $0xffff, v19  }
0xa6: {  	[tilespmem:s0+$0xE530] =	vst.add.f32.msk $0xffff, v20  }
0xa7: {  	[tilespmem:s0+$0xE540] =	vst.add.f32.msk $0xffff, v21  }
0xa8: {  	[tilespmem:s0+$0xE550] =	vst.add.f32.msk $0xffff, v22  }
0xa9: {  	[tilespmem:s0+$0xE560] =	vst.add.f32.msk $0xffff, v23  }
0xaa: {  	[tilespmem:s0+$0xE570] =	vst.add.f32.msk $0xffff, v24  }
0xab: {  	[tilespmem:s0+$0xE580] =	vst.add.f32.msk $0xffff, v25  }
.Ltmp0:
0xac: {  	[tilespmem:s0+$0xE590] =	vst.add.f32.msk $0xffff, v26;
	(pc) =	sbr.rel @p0 .LBB2_3-.Ltmp0, $4  }
0xad: {  	[tilespmem:s0+$0xE5A0] =	vst.add.f32.msk $0xffff, v27  }
0xae: {  	[tilespmem:s0+$0xE5B0] =	vst.add.f32.msk $0xffff, v28  }
0xaf: {  	[tilespmem:s0+$0xE5C0] =	vst.add.f32.msk $0xffff, v29  }
0xb0: {  	s3 =	sadd.s32 $0x800, s3;
	[tilespmem:s0+$0xE5D0] =	vst.add.f32.msk $0xffff, v30  }
0xb1: {  	s31 =	sor.u32 s6, s31  }
0xb2: {  	s1 =	smul.u32 $0xC80, s31;
	_ =	sdelay $0x1  }
0xb3: {  	[tilespmem:s0+$0xE5E0] =	vst.add.f32.msk $0xffff, v0;
	s3 =	simm.s32 $0x0;
	s0 =	simm.s32 $0x0;
	s1 =	sadd.s32 s4, s1  }
0xb4: {  	[hbm4b:s1+s3] =	stream.linear.scatter [tilespmem:s12], [sflag:$0x3], $0x1800, $0x38;
	[tilespmem:$0x1AC00] =	vst v63  }
0xb5: {  	v0 =	vld [tilespmem:s0+$0x99F0]  }
0xb6: {  	v1 =	vld [tilespmem:s0+$0x9800]  }
0xb7: {  	v2 =	vld [tilespmem:s0+$0x9810]  }
0xb8: {  	v3 =	vld [tilespmem:s0+$0x9820]  }
0xb9: {  	v4 =	vld [tilespmem:s0+$0x9830]  }
0xba: {  	v5 =	vld [tilespmem:s0+$0x9840]  }
0xbb: {  	v6 =	vld [tilespmem:s0+$0x9850]  }
0xbc: {  	v7 =	vld [tilespmem:s0+$0x9860]  }
0xbd: {  	v8 =	vld [tilespmem:s0+$0x9870]  }
0xbe: {  	v9 =	vld [tilespmem:s0+$0x9880]  }
0xbf: {  	v10 =	vld [tilespmem:s0+$0x9890]  }
0xc0: {  	v11 =	vld [tilespmem:s0+$0x98A0]  }
0xc1: {  	v12 =	vld [tilespmem:s0+$0x98B0]  }
0xc2: {  	v13 =	vld [tilespmem:s0+$0x98C0]  }
0xc3: {  	v14 =	vld [tilespmem:s0+$0x98D0]  }
0xc4: {  	v15 =	vld [tilespmem:s0+$0x98E0]  }
0xc5: {  	v16 =	vld [tilespmem:s0+$0x98F0]  }
0xc6: {  	v17 =	vld [tilespmem:s0+$0x9900]  }
0xc7: {  	v18 =	vld [tilespmem:s0+$0x9910]  }
0xc8: {  	v19 =	vld [tilespmem:s0+$0x9920]  }
0xc9: {  	v20 =	vld [tilespmem:s0+$0x9930]  }
0xca: {  	v21 =	vld [tilespmem:s0+$0x9940]  }
0xcb: {  	v22 =	vld [tilespmem:s0+$0x9950]  }
0xcc: {  	v23 =	vld [tilespmem:s0+$0x9960]  }
0xcd: {  	v24 =	vld [tilespmem:s0+$0x9970]  }
0xce: {  	v25 =	vld [tilespmem:s0+$0x9980]  }
0xcf: {  	v26 =	vld [tilespmem:s0+$0x9990]  }
0xd0: {  	v27 =	vld [tilespmem:s0+$0x99A0]  }
0xd1: {  	v28 =	vld [tilespmem:s0+$0x99B0]  }
0xd2: {  	v29 =	vld [tilespmem:s0+$0x99C0]  }
0xd3: {  	v30 =	vld [tilespmem:s0+$0x99D0]  }
0xd4: {  	[tilespmem:s0+$0xFDF0] =	vst.add.f32.msk $0xffff, v0  }
0xd5: {  	v0 =	vld [tilespmem:s0+$0x99E0]  }
0xd6: {  	[tilespmem:s0+$0xFC00] =	vst.add.f32.msk $0xffff, v1  }
0xd7: {  	[tilespmem:s0+$0xFC10] =	vst.add.f32.msk $0xffff, v2  }
0xd8: {  	[tilespmem:s0+$0xFC20] =	vst.add.f32.msk $0xffff, v3  }
0xd9: {  	[tilespmem:s0+$0xFC30] =	vst.add.f32.msk $0xffff, v4  }
0xda: {  	[tilespmem:s0+$0xFC40] =	vst.add.f32.msk $0xffff, v5  }
0xdb: {  	[tilespmem:s0+$0xFC50] =	vst.add.f32.msk $0xffff, v6  }
0xdc: {  	[tilespmem:s0+$0xFC60] =	vst.add.f32.msk $0xffff, v7  }
0xdd: {  	[tilespmem:s0+$0xFC70] =	vst.add.f32.msk $0xffff, v8  }
0xde: {  	[tilespmem:s0+$0xFC80] =	vst.add.f32.msk $0xffff, v9  }
0xdf: {  	[tilespmem:s0+$0xFC90] =	vst.add.f32.msk $0xffff, v10  }
0xe0: {  	[tilespmem:s0+$0xFCA0] =	vst.add.f32.msk $0xffff, v11  }
0xe1: {  	[tilespmem:s0+$0xFCB0] =	vst.add.f32.msk $0xffff, v12  }
0xe2: {  	[tilespmem:s0+$0xFCC0] =	vst.add.f32.msk $0xffff, v13  }
0xe3: {  	[tilespmem:s0+$0xFCD0] =	vst.add.f32.msk $0xffff, v14  }
0xe4: {  	[tilespmem:s0+$0xFCE0] =	vst.add.f32.msk $0xffff, v15  }
0xe5: {  	[tilespmem:s0+$0xFCF0] =	vst.add.f32.msk $0xffff, v16  }
0xe6: {  	[tilespmem:s0+$0xFD00] =	vst.add.f32.msk $0xffff, v17  }
0xe7: {  	[tilespmem:s0+$0xFD10] =	vst.add.f32.msk $0xffff, v18  }
0xe8: {  	[tilespmem:s0+$0xFD20] =	vst.add.f32.msk $0xffff, v19  }
0xe9: {  	[tilespmem:s0+$0xFD30] =	vst.add.f32.msk $0xffff, v20  }
0xea: {  	[tilespmem:s0+$0xFD40] =	vst.add.f32.msk $0xffff, v21  }
0xeb: {  	[tilespmem:s0+$0xFD50] =	vst.add.f32.msk $0xffff, v22  }
0xec: {  	[tilespmem:s0+$0xFD60] =	vst.add.f32.msk $0xffff, v23  }
0xed: {  	[tilespmem:s0+$0xFD70] =	vst.add.f32.msk $0xffff, v24  }
0xee: {  	[tilespmem:s0+$0xFD80] =	vst.add.f32.msk $0xffff, v25  }
0xef: {  	[tilespmem:s0+$0xFD90] =	vst.add.f32.msk $0xffff, v26  }
0xf0: {  	[tilespmem:s0+$0xFDA0] =	vst.add.f32.msk $0xffff, v27  }
0xf1: {  	[tilespmem:s0+$0xFDB0] =	vst.add.f32.msk $0xffff, v28  }
0xf2: {  	[tilespmem:s0+$0xFDC0] =	vst.add.f32.msk $0xffff, v29  }
0xf3: {  	s1 =	simm.s32 $0x30;
	s3 =	simm.s32 $0x800;
	[tilespmem:s0+$0xFDD0] =	vst.add.f32.msk $0xffff, v30  }
.LBB2_5:
0xf4: {  	s1 =	sadd.s32 $0x4, s1;
	[tilespmem:s0+$0xFDE0] =	vst.add.f32.msk $0xffff, v0;
	s0 =	sshra.s32 s3, $0x2  }
0xf5: {  	v0 =	vld [tilespmem:s0+$0x99F0];
	p0 =	slt.u32 s1, $0x5C  }
0xf6: {  	v1 =	vld [tilespmem:s0+$0x9800]  }
0xf7: {  	v2 =	vld [tilespmem:s0+$0x9810]  }
0xf8: {  	v3 =	vld [tilespmem:s0+$0x9820]  }
0xf9: {  	v4 =	vld [tilespmem:s0+$0x9830]  }
0xfa: {  	[tilespmem:s0+$0xFDF0] =	vst.add.f32.msk $0xffff, v0  }
0xfb: {  	v5 =	vld [tilespmem:s0+$0x9840]  }
0xfc: {  	v6 =	vld [tilespmem:s0+$0x9850]  }
0xfd: {  	v7 =	vld [tilespmem:s0+$0x9860]  }
0xfe: {  	v8 =	vld [tilespmem:s0+$0x9870]  }
0xff: {  	v9 =	vld [tilespmem:s0+$0x9880]  }
0x100: {  	v10 =	vld [tilespmem:s0+$0x9890]  }
0x101: {  	v11 =	vld [tilespmem:s0+$0x98A0]  }
0x102: {  	v12 =	vld [tilespmem:s0+$0x98B0]  }
0x103: {  	v13 =	vld [tilespmem:s0+$0x98C0]  }
0x104: {  	v14 =	vld [tilespmem:s0+$0x98D0]  }
0x105: {  	v15 =	vld [tilespmem:s0+$0x98E0]  }
0x106: {  	v16 =	vld [tilespmem:s0+$0x98F0]  }
0x107: {  	v17 =	vld [tilespmem:s0+$0x9900]  }
0x108: {  	v18 =	vld [tilespmem:s0+$0x9910]  }
0x109: {  	v19 =	vld [tilespmem:s0+$0x9920]  }
0x10a: {  	v20 =	vld [tilespmem:s0+$0x9930]  }
0x10b: {  	v21 =	vld [tilespmem:s0+$0x9940]  }
0x10c: {  	v22 =	vld [tilespmem:s0+$0x9950]  }
0x10d: {  	v23 =	vld [tilespmem:s0+$0x9960]  }
0x10e: {  	v24 =	vld [tilespmem:s0+$0x9970]  }
0x10f: {  	v25 =	vld [tilespmem:s0+$0x9980]  }
0x110: {  	v26 =	vld [tilespmem:s0+$0x9990]  }
0x111: {  	v27 =	vld [tilespmem:s0+$0x99A0]  }
0x112: {  	v28 =	vld [tilespmem:s0+$0x99B0]  }
0x113: {  	v29 =	vld [tilespmem:s0+$0x99C0]  }
0x114: {  	v30 =	vld [tilespmem:s0+$0x99D0]  }
0x115: {  	v0 =	vld [tilespmem:s0+$0x99E0]  }
0x116: {  	[tilespmem:s0+$0xFC00] =	vst.add.f32.msk $0xffff, v1  }
0x117: {  	[tilespmem:s0+$0xFC10] =	vst.add.f32.msk $0xffff, v2  }
0x118: {  	[tilespmem:s0+$0xFC20] =	vst.add.f32.msk $0xffff, v3  }
0x119: {  	[tilespmem:s0+$0xFC30] =	vst.add.f32.msk $0xffff, v4  }
0x11a: {  	[tilespmem:s0+$0xFC40] =	vst.add.f32.msk $0xffff, v5  }
0x11b: {  	[tilespmem:s0+$0xFC50] =	vst.add.f32.msk $0xffff, v6  }
0x11c: {  	[tilespmem:s0+$0xFC60] =	vst.add.f32.msk $0xffff, v7  }
0x11d: {  	[tilespmem:s0+$0xFC70] =	vst.add.f32.msk $0xffff, v8  }
0x11e: {  	[tilespmem:s0+$0xFC80] =	vst.add.f32.msk $0xffff, v9  }
0x11f: {  	[tilespmem:s0+$0xFC90] =	vst.add.f32.msk $0xffff, v10  }
0x120: {  	[tilespmem:s0+$0xFCA0] =	vst.add.f32.msk $0xffff, v11  }
0x121: {  	[tilespmem:s0+$0xFCB0] =	vst.add.f32.msk $0xffff, v12  }
0x122: {  	[tilespmem:s0+$0xFCC0] =	vst.add.f32.msk $0xffff, v13  }
0x123: {  	[tilespmem:s0+$0xFCD0] =	vst.add.f32.msk $0xffff, v14  }
0x124: {  	[tilespmem:s0+$0xFCE0] =	vst.add.f32.msk $0xffff, v15  }
0x125: {  	[tilespmem:s0+$0xFCF0] =	vst.add.f32.msk $0xffff, v16  }
0x126: {  	[tilespmem:s0+$0xFD00] =	vst.add.f32.msk $0xffff, v17  }
0x127: {  	[tilespmem:s0+$0xFD10] =	vst.add.f32.msk $0xffff, v18  }
0x128: {  	[tilespmem:s0+$0xFD20] =	vst.add.f32.msk $0xffff, v19  }
0x129: {  	[tilespmem:s0+$0xFD30] =	vst.add.f32.msk $0xffff, v20  }
0x12a: {  	[tilespmem:s0+$0xFD40] =	vst.add.f32.msk $0xffff, v21  }
0x12b: {  	[tilespmem:s0+$0xFD50] =	vst.add.f32.msk $0xffff, v22  }
0x12c: {  	[tilespmem:s0+$0xFD60] =	vst.add.f32.msk $0xffff, v23  }
0x12d: {  	[tilespmem:s0+$0xFD70] =	vst.add.f32.msk $0xffff, v24  }
0x12e: {  	[tilespmem:s0+$0xFD80] =	vst.add.f32.msk $0xffff, v25  }
.Ltmp1:
0x12f: {  	[tilespmem:s0+$0xFD90] =	vst.add.f32.msk $0xffff, v26;
	(pc) =	sbr.rel @p0 .LBB2_5-.Ltmp1, $4  }
0x130: {  	[tilespmem:s0+$0xFDA0] =	vst.add.f32.msk $0xffff, v27  }
0x131: {  	[tilespmem:s0+$0xFDB0] =	vst.add.f32.msk $0xffff, v28  }
0x132: {  	[tilespmem:s0+$0xFDC0] =	vst.add.f32.msk $0xffff, v29  }
0x133: {  	s3 =	sadd.s32 $0x800, s3;
	[tilespmem:s0+$0xFDD0] =	vst.add.f32.msk $0xffff, v30  }
0x134: {  	s1 =	smul.u32 $0x6400, s31;
	_ =	sdelay $0x1  }
0x135: {  	s1 =	sshrl.u32 s1, $0x3  }
0x136: {  	s31 =	sadd.s32 s4, s1  }
0x137: {  	[tilespmem:s0+$0xFDE0] =	vst.add.f32.msk $0xffff, v0;
	s3 =	simm.s32 $0x0;
	s0 =	simm.s32 $0x0;
	s1 =	sadd.s32 $0x300, s31  }
0x138: {  	[hbm4b:s1+s3] =	stream.linear.scatter [tilespmem:s18], [sflag:$0x3], $0x1800, $0x38;
	[tilespmem:$0x1AC00] =	vst v63  }
0x139: {  	v0 =	vld [tilespmem:s0+$0xB1F0]  }
0x13a: {  	v1 =	vld [tilespmem:s0+$0xB000]  }
0x13b: {  	v2 =	vld [tilespmem:s0+$0xB010]  }
0x13c: {  	v3 =	vld [tilespmem:s0+$0xB020]  }
0x13d: {  	v4 =	vld [tilespmem:s0+$0xB030]  }
0x13e: {  	v5 =	vld [tilespmem:s0+$0xB040]  }
0x13f: {  	v6 =	vld [tilespmem:s0+$0xB050]  }
0x140: {  	v7 =	vld [tilespmem:s0+$0xB060]  }
0x141: {  	v8 =	vld [tilespmem:s0+$0xB070]  }
0x142: {  	v9 =	vld [tilespmem:s0+$0xB080]  }
0x143: {  	v10 =	vld [tilespmem:s0+$0xB090]  }
0x144: {  	v11 =	vld [tilespmem:s0+$0xB0A0]  }
0x145: {  	v12 =	vld [tilespmem:s0+$0xB0B0]  }
0x146: {  	v13 =	vld [tilespmem:s0+$0xB0C0]  }
0x147: {  	v14 =	vld [tilespmem:s0+$0xB0D0]  }
0x148: {  	v15 =	vld [tilespmem:s0+$0xB0E0]  }
0x149: {  	v16 =	vld [tilespmem:s0+$0xB0F0]  }
0x14a: {  	v17 =	vld [tilespmem:s0+$0xB100]  }
0x14b: {  	v18 =	vld [tilespmem:s0+$0xB110]  }
0x14c: {  	v19 =	vld [tilespmem:s0+$0xB120]  }
0x14d: {  	v20 =	vld [tilespmem:s0+$0xB130]  }
0x14e: {  	v21 =	vld [tilespmem:s0+$0xB140]  }
0x14f: {  	v22 =	vld [tilespmem:s0+$0xB150]  }
0x150: {  	v23 =	vld [tilespmem:s0+$0xB160]  }
0x151: {  	v24 =	vld [tilespmem:s0+$0xB170]  }
0x152: {  	v25 =	vld [tilespmem:s0+$0xB180]  }
0x153: {  	v26 =	vld [tilespmem:s0+$0xB190]  }
0x154: {  	v27 =	vld [tilespmem:s0+$0xB1A0]  }
0x155: {  	v28 =	vld [tilespmem:s0+$0xB1B0]  }
0x156: {  	v29 =	vld [tilespmem:s0+$0xB1C0]  }
0x157: {  	v30 =	vld [tilespmem:s0+$0xB1D0]  }
0x158: {  	[tilespmem:s0+$0x115F0] =	vst.add.f32.msk $0xffff, v0  }
0x159: {  	v0 =	vld [tilespmem:s0+$0xB1E0]  }
0x15a: {  	[tilespmem:s0+$0x11400] =	vst.add.f32.msk $0xffff, v1  }
0x15b: {  	[tilespmem:s0+$0x11410] =	vst.add.f32.msk $0xffff, v2  }
0x15c: {  	[tilespmem:s0+$0x11420] =	vst.add.f32.msk $0xffff, v3  }
0x15d: {  	[tilespmem:s0+$0x11430] =	vst.add.f32.msk $0xffff, v4  }
0x15e: {  	[tilespmem:s0+$0x11440] =	vst.add.f32.msk $0xffff, v5  }
0x15f: {  	[tilespmem:s0+$0x11450] =	vst.add.f32.msk $0xffff, v6  }
0x160: {  	[tilespmem:s0+$0x11460] =	vst.add.f32.msk $0xffff, v7  }
0x161: {  	[tilespmem:s0+$0x11470] =	vst.add.f32.msk $0xffff, v8  }
0x162: {  	[tilespmem:s0+$0x11480] =	vst.add.f32.msk $0xffff, v9  }
0x163: {  	[tilespmem:s0+$0x11490] =	vst.add.f32.msk $0xffff, v10  }
0x164: {  	[tilespmem:s0+$0x114A0] =	vst.add.f32.msk $0xffff, v11  }
0x165: {  	[tilespmem:s0+$0x114B0] =	vst.add.f32.msk $0xffff, v12  }
0x166: {  	[tilespmem:s0+$0x114C0] =	vst.add.f32.msk $0xffff, v13  }
0x167: {  	[tilespmem:s0+$0x114D0] =	vst.add.f32.msk $0xffff, v14  }
0x168: {  	[tilespmem:s0+$0x114E0] =	vst.add.f32.msk $0xffff, v15  }
0x169: {  	[tilespmem:s0+$0x114F0] =	vst.add.f32.msk $0xffff, v16  }
0x16a: {  	[tilespmem:s0+$0x11500] =	vst.add.f32.msk $0xffff, v17  }
0x16b: {  	[tilespmem:s0+$0x11510] =	vst.add.f32.msk $0xffff, v18  }
0x16c: {  	[tilespmem:s0+$0x11520] =	vst.add.f32.msk $0xffff, v19  }
0x16d: {  	[tilespmem:s0+$0x11530] =	vst.add.f32.msk $0xffff, v20  }
0x16e: {  	[tilespmem:s0+$0x11540] =	vst.add.f32.msk $0xffff, v21  }
0x16f: {  	[tilespmem:s0+$0x11550] =	vst.add.f32.msk $0xffff, v22  }
0x170: {  	[tilespmem:s0+$0x11560] =	vst.add.f32.msk $0xffff, v23  }
0x171: {  	[tilespmem:s0+$0x11570] =	vst.add.f32.msk $0xffff, v24  }
0x172: {  	[tilespmem:s0+$0x11580] =	vst.add.f32.msk $0xffff, v25  }
0x173: {  	[tilespmem:s0+$0x11590] =	vst.add.f32.msk $0xffff, v26  }
0x174: {  	[tilespmem:s0+$0x115A0] =	vst.add.f32.msk $0xffff, v27  }
0x175: {  	[tilespmem:s0+$0x115B0] =	vst.add.f32.msk $0xffff, v28  }
0x176: {  	[tilespmem:s0+$0x115C0] =	vst.add.f32.msk $0xffff, v29  }
0x177: {  	s1 =	simm.s32 $0x60;
	s3 =	simm.s32 $0x800;
	[tilespmem:s0+$0x115D0] =	vst.add.f32.msk $0xffff, v30  }
.LBB2_7:
0x178: {  	s1 =	sadd.s32 $0x4, s1;
	[tilespmem:s0+$0x115E0] =	vst.add.f32.msk $0xffff, v0;
	s0 =	sshra.s32 s3, $0x2  }
0x179: {  	v0 =	vld [tilespmem:s0+$0xB1F0];
	p0 =	slt.u32 s1, $0x8C  }
0x17a: {  	v1 =	vld [tilespmem:s0+$0xB000]  }
0x17b: {  	v2 =	vld [tilespmem:s0+$0xB010]  }
0x17c: {  	v3 =	vld [tilespmem:s0+$0xB020]  }
0x17d: {  	v4 =	vld [tilespmem:s0+$0xB030]  }
0x17e: {  	[tilespmem:s0+$0x115F0] =	vst.add.f32.msk $0xffff, v0  }
0x17f: {  	v5 =	vld [tilespmem:s0+$0xB040]  }
0x180: {  	v6 =	vld [tilespmem:s0+$0xB050]  }
0x181: {  	v7 =	vld [tilespmem:s0+$0xB060]  }
0x182: {  	v8 =	vld [tilespmem:s0+$0xB070]  }
0x183: {  	v9 =	vld [tilespmem:s0+$0xB080]  }
0x184: {  	v10 =	vld [tilespmem:s0+$0xB090]  }
0x185: {  	v11 =	vld [tilespmem:s0+$0xB0A0]  }
0x186: {  	v12 =	vld [tilespmem:s0+$0xB0B0]  }
0x187: {  	v13 =	vld [tilespmem:s0+$0xB0C0]  }
0x188: {  	v14 =	vld [tilespmem:s0+$0xB0D0]  }
0x189: {  	v15 =	vld [tilespmem:s0+$0xB0E0]  }
0x18a: {  	v16 =	vld [tilespmem:s0+$0xB0F0]  }
0x18b: {  	v17 =	vld [tilespmem:s0+$0xB100]  }
0x18c: {  	v18 =	vld [tilespmem:s0+$0xB110]  }
0x18d: {  	v19 =	vld [tilespmem:s0+$0xB120]  }
0x18e: {  	v20 =	vld [tilespmem:s0+$0xB130]  }
0x18f: {  	v21 =	vld [tilespmem:s0+$0xB140]  }
0x190: {  	v22 =	vld [tilespmem:s0+$0xB150]  }
0x191: {  	v23 =	vld [tilespmem:s0+$0xB160]  }
0x192: {  	v24 =	vld [tilespmem:s0+$0xB170]  }
0x193: {  	v25 =	vld [tilespmem:s0+$0xB180]  }
0x194: {  	v26 =	vld [tilespmem:s0+$0xB190]  }
0x195: {  	v27 =	vld [tilespmem:s0+$0xB1A0]  }
0x196: {  	v28 =	vld [tilespmem:s0+$0xB1B0]  }
0x197: {  	v29 =	vld [tilespmem:s0+$0xB1C0]  }
0x198: {  	v30 =	vld [tilespmem:s0+$0xB1D0]  }
0x199: {  	v0 =	vld [tilespmem:s0+$0xB1E0]  }
0x19a: {  	[tilespmem:s0+$0x11400] =	vst.add.f32.msk $0xffff, v1  }
0x19b: {  	[tilespmem:s0+$0x11410] =	vst.add.f32.msk $0xffff, v2  }
0x19c: {  	[tilespmem:s0+$0x11420] =	vst.add.f32.msk $0xffff, v3  }
0x19d: {  	[tilespmem:s0+$0x11430] =	vst.add.f32.msk $0xffff, v4  }
0x19e: {  	[tilespmem:s0+$0x11440] =	vst.add.f32.msk $0xffff, v5  }
0x19f: {  	[tilespmem:s0+$0x11450] =	vst.add.f32.msk $0xffff, v6  }
0x1a0: {  	[tilespmem:s0+$0x11460] =	vst.add.f32.msk $0xffff, v7  }
0x1a1: {  	[tilespmem:s0+$0x11470] =	vst.add.f32.msk $0xffff, v8  }
0x1a2: {  	[tilespmem:s0+$0x11480] =	vst.add.f32.msk $0xffff, v9  }
0x1a3: {  	[tilespmem:s0+$0x11490] =	vst.add.f32.msk $0xffff, v10  }
0x1a4: {  	[tilespmem:s0+$0x114A0] =	vst.add.f32.msk $0xffff, v11  }
0x1a5: {  	[tilespmem:s0+$0x114B0] =	vst.add.f32.msk $0xffff, v12  }
0x1a6: {  	[tilespmem:s0+$0x114C0] =	vst.add.f32.msk $0xffff, v13  }
0x1a7: {  	[tilespmem:s0+$0x114D0] =	vst.add.f32.msk $0xffff, v14  }
0x1a8: {  	[tilespmem:s0+$0x114E0] =	vst.add.f32.msk $0xffff, v15  }
0x1a9: {  	[tilespmem:s0+$0x114F0] =	vst.add.f32.msk $0xffff, v16  }
0x1aa: {  	[tilespmem:s0+$0x11500] =	vst.add.f32.msk $0xffff, v17  }
0x1ab: {  	[tilespmem:s0+$0x11510] =	vst.add.f32.msk $0xffff, v18  }
0x1ac: {  	[tilespmem:s0+$0x11520] =	vst.add.f32.msk $0xffff, v19  }
0x1ad: {  	[tilespmem:s0+$0x11530] =	vst.add.f32.msk $0xffff, v20  }
0x1ae: {  	[tilespmem:s0+$0x11540] =	vst.add.f32.msk $0xffff, v21  }
0x1af: {  	[tilespmem:s0+$0x11550] =	vst.add.f32.msk $0xffff, v22  }
0x1b0: {  	[tilespmem:s0+$0x11560] =	vst.add.f32.msk $0xffff, v23  }
0x1b1: {  	[tilespmem:s0+$0x11570] =	vst.add.f32.msk $0xffff, v24  }
0x1b2: {  	[tilespmem:s0+$0x11580] =	vst.add.f32.msk $0xffff, v25  }
.Ltmp2:
0x1b3: {  	[tilespmem:s0+$0x11590] =	vst.add.f32.msk $0xffff, v26;
	(pc) =	sbr.rel @p0 .LBB2_7-.Ltmp2, $4  }
0x1b4: {  	[tilespmem:s0+$0x115A0] =	vst.add.f32.msk $0xffff, v27  }
0x1b5: {  	[tilespmem:s0+$0x115B0] =	vst.add.f32.msk $0xffff, v28  }
0x1b6: {  	[tilespmem:s0+$0x115C0] =	vst.add.f32.msk $0xffff, v29  }
0x1b7: {  	s3 =	sadd.s32 $0x800, s3;
	[tilespmem:s0+$0x115D0] =	vst.add.f32.msk $0xffff, v30  }
0x1b8: {  	[tilespmem:s0+$0x115E0] =	vst.add.f32.msk $0xffff, v0;
	s3 =	sadd.s32 $0x600, s31;
	s1 =	simm.s32 $0x0;
	s0 =	simm.s32 $0x0  }
0x1b9: {  	[hbm4b:s3+s1] =	stream.linear.scatter [tilespmem:s19], [sflag:$0x3], $0x1800, $0x38;
	[tilespmem:$0x1AC00] =	vst v63  }
0x1ba: {  	v0 =	vld [tilespmem:s0+$0xC9F0]  }
0x1bb: {  	v1 =	vld [tilespmem:s0+$0xC800]  }
0x1bc: {  	v2 =	vld [tilespmem:s0+$0xC810]  }
0x1bd: {  	v3 =	vld [tilespmem:s0+$0xC820]  }
0x1be: {  	v4 =	vld [tilespmem:s0+$0xC830]  }
0x1bf: {  	v5 =	vld [tilespmem:s0+$0xC840]  }
0x1c0: {  	v6 =	vld [tilespmem:s0+$0xC850]  }
0x1c1: {  	v7 =	vld [tilespmem:s0+$0xC860]  }
0x1c2: {  	v8 =	vld [tilespmem:s0+$0xC870]  }
0x1c3: {  	v9 =	vld [tilespmem:s0+$0xC880]  }
0x1c4: {  	v10 =	vld [tilespmem:s0+$0xC890]  }
0x1c5: {  	v11 =	vld [tilespmem:s0+$0xC8A0]  }
0x1c6: {  	v12 =	vld [tilespmem:s0+$0xC8B0]  }
0x1c7: {  	v13 =	vld [tilespmem:s0+$0xC8C0]  }
0x1c8: {  	v14 =	vld [tilespmem:s0+$0xC8D0]  }
0x1c9: {  	v15 =	vld [tilespmem:s0+$0xC8E0]  }
0x1ca: {  	v16 =	vld [tilespmem:s0+$0xC8F0]  }
0x1cb: {  	v17 =	vld [tilespmem:s0+$0xC900]  }
0x1cc: {  	v18 =	vld [tilespmem:s0+$0xC910]  }
0x1cd: {  	v19 =	vld [tilespmem:s0+$0xC920]  }
0x1ce: {  	v20 =	vld [tilespmem:s0+$0xC930]  }
0x1cf: {  	v21 =	vld [tilespmem:s0+$0xC940]  }
0x1d0: {  	v22 =	vld [tilespmem:s0+$0xC950]  }
0x1d1: {  	v23 =	vld [tilespmem:s0+$0xC960]  }
0x1d2: {  	v24 =	vld [tilespmem:s0+$0xC970]  }
0x1d3: {  	v25 =	vld [tilespmem:s0+$0xC980]  }
0x1d4: {  	v26 =	vld [tilespmem:s0+$0xC990]  }
0x1d5: {  	v27 =	vld [tilespmem:s0+$0xC9A0]  }
0x1d6: {  	v28 =	vld [tilespmem:s0+$0xC9B0]  }
0x1d7: {  	v29 =	vld [tilespmem:s0+$0xC9C0]  }
0x1d8: {  	v30 =	vld [tilespmem:s0+$0xC9D0]  }
0x1d9: {  	[tilespmem:s0+$0x12DF0] =	vst.add.f32.msk $0xffff, v0  }
0x1da: {  	v0 =	vld [tilespmem:s0+$0xC9E0]  }
0x1db: {  	[tilespmem:s0+$0x12C00] =	vst.add.f32.msk $0xffff, v1  }
0x1dc: {  	[tilespmem:s0+$0x12C10] =	vst.add.f32.msk $0xffff, v2  }
0x1dd: {  	[tilespmem:s0+$0x12C20] =	vst.add.f32.msk $0xffff, v3  }
0x1de: {  	[tilespmem:s0+$0x12C30] =	vst.add.f32.msk $0xffff, v4  }
0x1df: {  	[tilespmem:s0+$0x12C40] =	vst.add.f32.msk $0xffff, v5  }
0x1e0: {  	[tilespmem:s0+$0x12C50] =	vst.add.f32.msk $0xffff, v6  }
0x1e1: {  	[tilespmem:s0+$0x12C60] =	vst.add.f32.msk $0xffff, v7  }
0x1e2: {  	[tilespmem:s0+$0x12C70] =	vst.add.f32.msk $0xffff, v8  }
0x1e3: {  	[tilespmem:s0+$0x12C80] =	vst.add.f32.msk $0xffff, v9  }
0x1e4: {  	[tilespmem:s0+$0x12C90] =	vst.add.f32.msk $0xffff, v10  }
0x1e5: {  	[tilespmem:s0+$0x12CA0] =	vst.add.f32.msk $0xffff, v11  }
0x1e6: {  	[tilespmem:s0+$0x12CB0] =	vst.add.f32.msk $0xffff, v12  }
0x1e7: {  	[tilespmem:s0+$0x12CC0] =	vst.add.f32.msk $0xffff, v13  }
0x1e8: {  	[tilespmem:s0+$0x12CD0] =	vst.add.f32.msk $0xffff, v14  }
0x1e9: {  	[tilespmem:s0+$0x12CE0] =	vst.add.f32.msk $0xffff, v15  }
0x1ea: {  	[tilespmem:s0+$0x12CF0] =	vst.add.f32.msk $0xffff, v16  }
0x1eb: {  	[tilespmem:s0+$0x12D00] =	vst.add.f32.msk $0xffff, v17  }
0x1ec: {  	[tilespmem:s0+$0x12D10] =	vst.add.f32.msk $0xffff, v18  }
0x1ed: {  	[tilespmem:s0+$0x12D20] =	vst.add.f32.msk $0xffff, v19  }
0x1ee: {  	[tilespmem:s0+$0x12D30] =	vst.add.f32.msk $0xffff, v20  }
0x1ef: {  	[tilespmem:s0+$0x12D40] =	vst.add.f32.msk $0xffff, v21  }
0x1f0: {  	[tilespmem:s0+$0x12D50] =	vst.add.f32.msk $0xffff, v22  }
0x1f1: {  	[tilespmem:s0+$0x12D60] =	vst.add.f32.msk $0xffff, v23  }
0x1f2: {  	[tilespmem:s0+$0x12D70] =	vst.add.f32.msk $0xffff, v24  }
0x1f3: {  	[tilespmem:s0+$0x12D80] =	vst.add.f32.msk $0xffff, v25  }
0x1f4: {  	[tilespmem:s0+$0x12D90] =	vst.add.f32.msk $0xffff, v26  }
0x1f5: {  	[tilespmem:s0+$0x12DA0] =	vst.add.f32.msk $0xffff, v27  }
0x1f6: {  	[tilespmem:s0+$0x12DB0] =	vst.add.f32.msk $0xffff, v28  }
0x1f7: {  	[tilespmem:s0+$0x12DC0] =	vst.add.f32.msk $0xffff, v29  }
0x1f8: {  	s1 =	simm.s32 $0x90;
	s3 =	simm.s32 $0x800;
	[tilespmem:s0+$0x12DD0] =	vst.add.f32.msk $0xffff, v30  }
.LBB2_9:
0x1f9: {  	s1 =	sadd.s32 $0x4, s1;
	[tilespmem:s0+$0x12DE0] =	vst.add.f32.msk $0xffff, v0;
	s0 =	sshra.s32 s3, $0x2  }
0x1fa: {  	v0 =	vld [tilespmem:s0+$0xC9F0];
	p0 =	slt.u32 s1, $0xC4  }
0x1fb: {  	v1 =	vld [tilespmem:s0+$0xC800]  }
0x1fc: {  	v2 =	vld [tilespmem:s0+$0xC810]  }
0x1fd: {  	v3 =	vld [tilespmem:s0+$0xC820]  }
0x1fe: {  	v4 =	vld [tilespmem:s0+$0xC830]  }
0x1ff: {  	[tilespmem:s0+$0x12DF0] =	vst.add.f32.msk $0xffff, v0  }
0x200: {  	v5 =	vld [tilespmem:s0+$0xC840]  }
0x201: {  	v6 =	vld [tilespmem:s0+$0xC850]  }
0x202: {  	v7 =	vld [tilespmem:s0+$0xC860]  }
0x203: {  	v8 =	vld [tilespmem:s0+$0xC870]  }
0x204: {  	v9 =	vld [tilespmem:s0+$0xC880]  }
0x205: {  	v10 =	vld [tilespmem:s0+$0xC890]  }
0x206: {  	v11 =	vld [tilespmem:s0+$0xC8A0]  }
0x207: {  	v12 =	vld [tilespmem:s0+$0xC8B0]  }
0x208: {  	v13 =	vld [tilespmem:s0+$0xC8C0]  }
0x209: {  	v14 =	vld [tilespmem:s0+$0xC8D0]  }
0x20a: {  	v15 =	vld [tilespmem:s0+$0xC8E0]  }
0x20b: {  	v16 =	vld [tilespmem:s0+$0xC8F0]  }
0x20c: {  	v17 =	vld [tilespmem:s0+$0xC900]  }
0x20d: {  	v18 =	vld [tilespmem:s0+$0xC910]  }
0x20e: {  	v19 =	vld [tilespmem:s0+$0xC920]  }
0x20f: {  	v20 =	vld [tilespmem:s0+$0xC930]  }
0x210: {  	v21 =	vld [tilespmem:s0+$0xC940]  }
0x211: {  	v22 =	vld [tilespmem:s0+$0xC950]  }
0x212: {  	v23 =	vld [tilespmem:s0+$0xC960]  }
0x213: {  	v24 =	vld [tilespmem:s0+$0xC970]  }
0x214: {  	v25 =	vld [tilespmem:s0+$0xC980]  }
0x215: {  	v26 =	vld [tilespmem:s0+$0xC990]  }
0x216: {  	v27 =	vld [tilespmem:s0+$0xC9A0]  }
0x217: {  	v28 =	vld [tilespmem:s0+$0xC9B0]  }
0x218: {  	v29 =	vld [tilespmem:s0+$0xC9C0]  }
0x219: {  	v30 =	vld [tilespmem:s0+$0xC9D0]  }
0x21a: {  	v0 =	vld [tilespmem:s0+$0xC9E0]  }
0x21b: {  	[tilespmem:s0+$0x12C00] =	vst.add.f32.msk $0xffff, v1  }
0x21c: {  	[tilespmem:s0+$0x12C10] =	vst.add.f32.msk $0xffff, v2  }
0x21d: {  	[tilespmem:s0+$0x12C20] =	vst.add.f32.msk $0xffff, v3  }
0x21e: {  	[tilespmem:s0+$0x12C30] =	vst.add.f32.msk $0xffff, v4  }
0x21f: {  	[tilespmem:s0+$0x12C40] =	vst.add.f32.msk $0xffff, v5  }
0x220: {  	[tilespmem:s0+$0x12C50] =	vst.add.f32.msk $0xffff, v6  }
0x221: {  	[tilespmem:s0+$0x12C60] =	vst.add.f32.msk $0xffff, v7  }
0x222: {  	[tilespmem:s0+$0x12C70] =	vst.add.f32.msk $0xffff, v8  }
0x223: {  	[tilespmem:s0+$0x12C80] =	vst.add.f32.msk $0xffff, v9  }
0x224: {  	[tilespmem:s0+$0x12C90] =	vst.add.f32.msk $0xffff, v10  }
0x225: {  	[tilespmem:s0+$0x12CA0] =	vst.add.f32.msk $0xffff, v11  }
0x226: {  	[tilespmem:s0+$0x12CB0] =	vst.add.f32.msk $0xffff, v12  }
0x227: {  	[tilespmem:s0+$0x12CC0] =	vst.add.f32.msk $0xffff, v13  }
0x228: {  	[tilespmem:s0+$0x12CD0] =	vst.add.f32.msk $0xffff, v14  }
0x229: {  	[tilespmem:s0+$0x12CE0] =	vst.add.f32.msk $0xffff, v15  }
0x22a: {  	[tilespmem:s0+$0x12CF0] =	vst.add.f32.msk $0xffff, v16  }
0x22b: {  	[tilespmem:s0+$0x12D00] =	vst.add.f32.msk $0xffff, v17  }
0x22c: {  	[tilespmem:s0+$0x12D10] =	vst.add.f32.msk $0xffff, v18  }
0x22d: {  	[tilespmem:s0+$0x12D20] =	vst.add.f32.msk $0xffff, v19  }
0x22e: {  	[tilespmem:s0+$0x12D30] =	vst.add.f32.msk $0xffff, v20  }
0x22f: {  	[tilespmem:s0+$0x12D40] =	vst.add.f32.msk $0xffff, v21  }
0x230: {  	[tilespmem:s0+$0x12D50] =	vst.add.f32.msk $0xffff, v22  }
0x231: {  	[tilespmem:s0+$0x12D60] =	vst.add.f32.msk $0xffff, v23  }
0x232: {  	[tilespmem:s0+$0x12D70] =	vst.add.f32.msk $0xffff, v24  }
0x233: {  	[tilespmem:s0+$0x12D80] =	vst.add.f32.msk $0xffff, v25  }
.Ltmp3:
0x234: {  	[tilespmem:s0+$0x12D90] =	vst.add.f32.msk $0xffff, v26;
	(pc) =	sbr.rel @p0 .LBB2_9-.Ltmp3, $4  }
0x235: {  	[tilespmem:s0+$0x12DA0] =	vst.add.f32.msk $0xffff, v27  }
0x236: {  	[tilespmem:s0+$0x12DB0] =	vst.add.f32.msk $0xffff, v28  }
0x237: {  	[tilespmem:s0+$0x12DC0] =	vst.add.f32.msk $0xffff, v29  }
0x238: {  	s3 =	sadd.s32 $0x800, s3;
	[tilespmem:s0+$0x12DD0] =	vst.add.f32.msk $0xffff, v30  }
0x239: {  	[tilespmem:s0+$0x12DE0] =	vst.add.f32.msk $0xffff, v0;
	s31 =	sadd.s32 $0x900, s31  }
0x23a: {  	[hbm4b:s31+s5] =	stream.linear.scatter [tilespmem:s20], [sflag:$0x3], $0x1C00, $0x38;
	[tilespmem:$0x1AC00] =	vst v63  }
0x23b: {  	_ =	swait.ge [sflag:s21], $0x1800  }
0x23c: {  	[sflag:s21] =	ssyncset.done $0x0  }
0x23d: {  	[sflag:s21] =	ssyncadd.s32 $0xFFFFE800  }
0x23e: {  	_ =	swait.ge [sflag:s21], $0x1800  }
0x23f: {  	[sflag:s21] =	ssyncset.done $0x0  }
0x240: {  	[sflag:s21] =	ssyncadd.s32 $0xFFFFE800  }
0x241: {  	_ =	swait.ge [sflag:s21], $0x1800  }
0x242: {  	[sflag:s21] =	ssyncset.done $0x0  }
0x243: {  	p0 =	seq.s32 s29, $0x3F;
	[sflag:s21] =	ssyncadd.s32 $0xFFFFE800  }
0x244: {  	s0 =	sshll.u32 @!p0 s29, $0x9;
	_ =	swait.ge [sflag:s21], $0x1C00  }
0x245: {  	s3 =	simm.s32 @!p0 $0x64;
	s0 =	sand.u32 @!p0 $0x3FFFFE00, s0;
	[sflag:s21] =	ssyncset.done $0x0  }
0x246: {  	s31 =	simm.s32 @!p0 $0xE400;
	s1 =	sadd.s32 @!p0 $0x200, s0;
	[sflag:s21] =	ssyncadd.s32 $0xFFFFE400  }
0x247: {  	[tilespmem:s31], [sflag:$0x1] =	stream.indirect.gather @!p0 [hbm4b:s2+s3], $0x80, s1, s3, $0xb8;
	[tilespmem:$0x1AC00] =	vst v63  }
0x248: {  	s0 =	sadd.s32 @!p0 $0x280, s0;
	s1 =	simm.s32 @!p0 $0x11600  }
0x249: {  	[tilespmem:s1], [sflag:$0x1] =	stream.indirect.gather @!p0 [hbm4b:s2+s3], $0x80, s0, s3, $0xb8;
	[tilespmem:$0x1AC00] =	vst v63  }
0x24a: {  	_ =	swait.ge [sflag:s22], $0x3200  }
0x24b: {  	[sflag:s22] =	ssyncset.done $0x0  }
0x24c: {  	[sflag:s22] =	ssyncadd.s32 $0xFFFFCE00  }
0x24d: {  	_ =	swait.ge [sflag:s22], $0x3200  }
0x24e: {  	[sflag:s22] =	ssyncset.done $0x0  }
0x24f: {  	s0 =	simm.s32 $0x0;
	[sflag:s22] =	ssyncadd.s32 $0xFFFFCE00  }
0x250: {  	v0 =	vld [tilespmem:s0+$0x81F0]  }
0x251: {  	v1 =	vld [tilespmem:s0+$0x8000]  }
0x252: {  	v2 =	vld [tilespmem:s0+$0x8010]  }
0x253: {  	v3 =	vld [tilespmem:s0+$0x8020]  }
0x254: {  	v4 =	vld [tilespmem:s0+$0x8030]  }
0x255: {  	v5 =	vld [tilespmem:s0+$0x8040]  }
0x256: {  	v6 =	vld [tilespmem:s0+$0x8050]  }
0x257: {  	v7 =	vld [tilespmem:s0+$0x8060]  }
0x258: {  	v8 =	vld [tilespmem:s0+$0x8070]  }
0x259: {  	v9 =	vld [tilespmem:s0+$0x8080]  }
0x25a: {  	v10 =	vld [tilespmem:s0+$0x8090]  }
0x25b: {  	v11 =	vld [tilespmem:s0+$0x80A0]  }
0x25c: {  	v12 =	vld [tilespmem:s0+$0x80B0]  }
0x25d: {  	v13 =	vld [tilespmem:s0+$0x80C0]  }
0x25e: {  	v14 =	vld [tilespmem:s0+$0x80D0]  }
0x25f: {  	v15 =	vld [tilespmem:s0+$0x80E0]  }
0x260: {  	v16 =	vld [tilespmem:s0+$0x80F0]  }
0x261: {  	v17 =	vld [tilespmem:s0+$0x8100]  }
0x262: {  	v18 =	vld [tilespmem:s0+$0x8110]  }
0x263: {  	v19 =	vld [tilespmem:s0+$0x8120]  }
0x264: {  	v20 =	vld [tilespmem:s0+$0x8130]  }
0x265: {  	v21 =	vld [tilespmem:s0+$0x8140]  }
0x266: {  	v22 =	vld [tilespmem:s0+$0x8150]  }
0x267: {  	v23 =	vld [tilespmem:s0+$0x8160]  }
0x268: {  	v24 =	vld [tilespmem:s0+$0x8170]  }
0x269: {  	v25 =	vld [tilespmem:s0+$0x8180]  }
0x26a: {  	v26 =	vld [tilespmem:s0+$0x8190]  }
0x26b: {  	v27 =	vld [tilespmem:s0+$0x81A0]  }
0x26c: {  	v28 =	vld [tilespmem:s0+$0x81B0]  }
0x26d: {  	v29 =	vld [tilespmem:s0+$0x81C0]  }
0x26e: {  	v30 =	vld [tilespmem:s0+$0x81D0]  }
0x26f: {  	[tilespmem:s0+$0x149F0] =	vst.add.f32.msk $0xffff, v0  }
0x270: {  	v0 =	vld [tilespmem:s0+$0x81E0]  }
0x271: {  	[tilespmem:s0+$0x14800] =	vst.add.f32.msk $0xffff, v1  }
0x272: {  	[tilespmem:s0+$0x14810] =	vst.add.f32.msk $0xffff, v2  }
0x273: {  	[tilespmem:s0+$0x14820] =	vst.add.f32.msk $0xffff, v3  }
0x274: {  	[tilespmem:s0+$0x14830] =	vst.add.f32.msk $0xffff, v4  }
0x275: {  	[tilespmem:s0+$0x14840] =	vst.add.f32.msk $0xffff, v5  }
0x276: {  	[tilespmem:s0+$0x14850] =	vst.add.f32.msk $0xffff, v6  }
0x277: {  	[tilespmem:s0+$0x14860] =	vst.add.f32.msk $0xffff, v7  }
0x278: {  	[tilespmem:s0+$0x14870] =	vst.add.f32.msk $0xffff, v8  }
0x279: {  	[tilespmem:s0+$0x14880] =	vst.add.f32.msk $0xffff, v9  }
0x27a: {  	[tilespmem:s0+$0x14890] =	vst.add.f32.msk $0xffff, v10  }
0x27b: {  	[tilespmem:s0+$0x148A0] =	vst.add.f32.msk $0xffff, v11  }
0x27c: {  	[tilespmem:s0+$0x148B0] =	vst.add.f32.msk $0xffff, v12  }
0x27d: {  	[tilespmem:s0+$0x148C0] =	vst.add.f32.msk $0xffff, v13  }
0x27e: {  	[tilespmem:s0+$0x148D0] =	vst.add.f32.msk $0xffff, v14  }
0x27f: {  	[tilespmem:s0+$0x148E0] =	vst.add.f32.msk $0xffff, v15  }
0x280: {  	[tilespmem:s0+$0x148F0] =	vst.add.f32.msk $0xffff, v16  }
0x281: {  	[tilespmem:s0+$0x14900] =	vst.add.f32.msk $0xffff, v17  }
0x282: {  	[tilespmem:s0+$0x14910] =	vst.add.f32.msk $0xffff, v18  }
0x283: {  	[tilespmem:s0+$0x14920] =	vst.add.f32.msk $0xffff, v19  }
0x284: {  	[tilespmem:s0+$0x14930] =	vst.add.f32.msk $0xffff, v20  }
0x285: {  	[tilespmem:s0+$0x14940] =	vst.add.f32.msk $0xffff, v21  }
0x286: {  	[tilespmem:s0+$0x14950] =	vst.add.f32.msk $0xffff, v22  }
0x287: {  	[tilespmem:s0+$0x14960] =	vst.add.f32.msk $0xffff, v23  }
0x288: {  	[tilespmem:s0+$0x14970] =	vst.add.f32.msk $0xffff, v24  }
0x289: {  	[tilespmem:s0+$0x14980] =	vst.add.f32.msk $0xffff, v25  }
0x28a: {  	[tilespmem:s0+$0x14990] =	vst.add.f32.msk $0xffff, v26  }
0x28b: {  	[tilespmem:s0+$0x149A0] =	vst.add.f32.msk $0xffff, v27  }
0x28c: {  	[tilespmem:s0+$0x149B0] =	vst.add.f32.msk $0xffff, v28  }
0x28d: {  	[tilespmem:s0+$0x149C0] =	vst.add.f32.msk $0xffff, v29  }
0x28e: {  	s1 =	simm.s32 $0x0;
	s3 =	simm.s32 $0x800;
	[tilespmem:s0+$0x149D0] =	vst.add.f32.msk $0xffff, v30  }
.LBB2_11:
0x28f: {  	s1 =	sadd.s32 $0x4, s1;
	[tilespmem:s0+$0x149E0] =	vst.add.f32.msk $0xffff, v0;
	s0 =	sshra.s32 s3, $0x2  }
0x290: {  	v0 =	vld [tilespmem:s0+$0x81F0];
	p0 =	slt.u32 s1, $0x2C  }
0x291: {  	v1 =	vld [tilespmem:s0+$0x8000]  }
0x292: {  	v2 =	vld [tilespmem:s0+$0x8010]  }
0x293: {  	v3 =	vld [tilespmem:s0+$0x8020]  }
0x294: {  	v4 =	vld [tilespmem:s0+$0x8030]  }
0x295: {  	[tilespmem:s0+$0x149F0] =	vst.add.f32.msk $0xffff, v0  }
0x296: {  	v5 =	vld [tilespmem:s0+$0x8040]  }
0x297: {  	v6 =	vld [tilespmem:s0+$0x8050]  }
0x298: {  	v7 =	vld [tilespmem:s0+$0x8060]  }
0x299: {  	v8 =	vld [tilespmem:s0+$0x8070]  }
0x29a: {  	v9 =	vld [tilespmem:s0+$0x8080]  }
0x29b: {  	v10 =	vld [tilespmem:s0+$0x8090]  }
0x29c: {  	v11 =	vld [tilespmem:s0+$0x80A0]  }
0x29d: {  	v12 =	vld [tilespmem:s0+$0x80B0]  }
0x29e: {  	v13 =	vld [tilespmem:s0+$0x80C0]  }
0x29f: {  	v14 =	vld [tilespmem:s0+$0x80D0]  }
0x2a0: {  	v15 =	vld [tilespmem:s0+$0x80E0]  }
0x2a1: {  	v16 =	vld [tilespmem:s0+$0x80F0]  }
0x2a2: {  	v17 =	vld [tilespmem:s0+$0x8100]  }
0x2a3: {  	v18 =	vld [tilespmem:s0+$0x8110]  }
0x2a4: {  	v19 =	vld [tilespmem:s0+$0x8120]  }
0x2a5: {  	v20 =	vld [tilespmem:s0+$0x8130]  }
0x2a6: {  	v21 =	vld [tilespmem:s0+$0x8140]  }
0x2a7: {  	v22 =	vld [tilespmem:s0+$0x8150]  }
0x2a8: {  	v23 =	vld [tilespmem:s0+$0x8160]  }
0x2a9: {  	v24 =	vld [tilespmem:s0+$0x8170]  }
0x2aa: {  	v25 =	vld [tilespmem:s0+$0x8180]  }
0x2ab: {  	v26 =	vld [tilespmem:s0+$0x8190]  }
0x2ac: {  	v27 =	vld [tilespmem:s0+$0x81A0]  }
0x2ad: {  	v28 =	vld [tilespmem:s0+$0x81B0]  }
0x2ae: {  	v29 =	vld [tilespmem:s0+$0x81C0]  }
0x2af: {  	v30 =	vld [tilespmem:s0+$0x81D0]  }
0x2b0: {  	v0 =	vld [tilespmem:s0+$0x81E0]  }
0x2b1: {  	[tilespmem:s0+$0x14800] =	vst.add.f32.msk $0xffff, v1  }
0x2b2: {  	[tilespmem:s0+$0x14810] =	vst.add.f32.msk $0xffff, v2  }
0x2b3: {  	[tilespmem:s0+$0x14820] =	vst.add.f32.msk $0xffff, v3  }
0x2b4: {  	[tilespmem:s0+$0x14830] =	vst.add.f32.msk $0xffff, v4  }
0x2b5: {  	[tilespmem:s0+$0x14840] =	vst.add.f32.msk $0xffff, v5  }
0x2b6: {  	[tilespmem:s0+$0x14850] =	vst.add.f32.msk $0xffff, v6  }
0x2b7: {  	[tilespmem:s0+$0x14860] =	vst.add.f32.msk $0xffff, v7  }
0x2b8: {  	[tilespmem:s0+$0x14870] =	vst.add.f32.msk $0xffff, v8  }
0x2b9: {  	[tilespmem:s0+$0x14880] =	vst.add.f32.msk $0xffff, v9  }
0x2ba: {  	[tilespmem:s0+$0x14890] =	vst.add.f32.msk $0xffff, v10  }
0x2bb: {  	[tilespmem:s0+$0x148A0] =	vst.add.f32.msk $0xffff, v11  }
0x2bc: {  	[tilespmem:s0+$0x148B0] =	vst.add.f32.msk $0xffff, v12  }
0x2bd: {  	[tilespmem:s0+$0x148C0] =	vst.add.f32.msk $0xffff, v13  }
0x2be: {  	[tilespmem:s0+$0x148D0] =	vst.add.f32.msk $0xffff, v14  }
0x2bf: {  	[tilespmem:s0+$0x148E0] =	vst.add.f32.msk $0xffff, v15  }
0x2c0: {  	[tilespmem:s0+$0x148F0] =	vst.add.f32.msk $0xffff, v16  }
0x2c1: {  	[tilespmem:s0+$0x14900] =	vst.add.f32.msk $0xffff, v17  }
0x2c2: {  	[tilespmem:s0+$0x14910] =	vst.add.f32.msk $0xffff, v18  }
0x2c3: {  	[tilespmem:s0+$0x14920] =	vst.add.f32.msk $0xffff, v19  }
0x2c4: {  	[tilespmem:s0+$0x14930] =	vst.add.f32.msk $0xffff, v20  }
0x2c5: {  	[tilespmem:s0+$0x14940] =	vst.add.f32.msk $0xffff, v21  }
0x2c6: {  	[tilespmem:s0+$0x14950] =	vst.add.f32.msk $0xffff, v22  }
0x2c7: {  	[tilespmem:s0+$0x14960] =	vst.add.f32.msk $0xffff, v23  }
0x2c8: {  	[tilespmem:s0+$0x14970] =	vst.add.f32.msk $0xffff, v24  }
0x2c9: {  	[tilespmem:s0+$0x14980] =	vst.add.f32.msk $0xffff, v25  }
.Ltmp4:
0x2ca: {  	[tilespmem:s0+$0x14990] =	vst.add.f32.msk $0xffff, v26;
	(pc) =	sbr.rel @p0 .LBB2_11-.Ltmp4, $4  }
0x2cb: {  	[tilespmem:s0+$0x149A0] =	vst.add.f32.msk $0xffff, v27  }
0x2cc: {  	[tilespmem:s0+$0x149B0] =	vst.add.f32.msk $0xffff, v28  }
0x2cd: {  	[tilespmem:s0+$0x149C0] =	vst.add.f32.msk $0xffff, v29  }
0x2ce: {  	s3 =	sadd.s32 $0x800, s3;
	[tilespmem:s0+$0x149D0] =	vst.add.f32.msk $0xffff, v30  }
0x2cf: {  	s30 =	sor.u32 s6, s30  }
0x2d0: {  	s1 =	smul.u32 $0xC80, s30;
	_ =	sdelay $0x1  }
0x2d1: {  	[tilespmem:s0+$0x149E0] =	vst.add.f32.msk $0xffff, v0;
	s31 =	simm.s32 $0x0;
	s0 =	simm.s32 $0x0;
	s3 =	sadd.s32 s4, s1  }
0x2d2: {  	[hbm4b:s3+s31] =	stream.linear.scatter [tilespmem:s15], [sflag:$0x4], $0x1800, $0x38;
	[tilespmem:$0x1AC00] =	vst v63  }
0x2d3: {  	v0 =	vld [tilespmem:s0+$0x99F0]  }
0x2d4: {  	v1 =	vld [tilespmem:s0+$0x9800]  }
0x2d5: {  	v2 =	vld [tilespmem:s0+$0x9810]  }
0x2d6: {  	v3 =	vld [tilespmem:s0+$0x9820]  }
0x2d7: {  	v4 =	vld [tilespmem:s0+$0x9830]  }
0x2d8: {  	v5 =	vld [tilespmem:s0+$0x9840]  }
0x2d9: {  	v6 =	vld [tilespmem:s0+$0x9850]  }
0x2da: {  	v7 =	vld [tilespmem:s0+$0x9860]  }
0x2db: {  	v8 =	vld [tilespmem:s0+$0x9870]  }
0x2dc: {  	v9 =	vld [tilespmem:s0+$0x9880]  }
0x2dd: {  	v10 =	vld [tilespmem:s0+$0x9890]  }
0x2de: {  	v11 =	vld [tilespmem:s0+$0x98A0]  }
0x2df: {  	v12 =	vld [tilespmem:s0+$0x98B0]  }
0x2e0: {  	v13 =	vld [tilespmem:s0+$0x98C0]  }
0x2e1: {  	v14 =	vld [tilespmem:s0+$0x98D0]  }
0x2e2: {  	v15 =	vld [tilespmem:s0+$0x98E0]  }
0x2e3: {  	v16 =	vld [tilespmem:s0+$0x98F0]  }
0x2e4: {  	v17 =	vld [tilespmem:s0+$0x9900]  }
0x2e5: {  	v18 =	vld [tilespmem:s0+$0x9910]  }
0x2e6: {  	v19 =	vld [tilespmem:s0+$0x9920]  }
0x2e7: {  	v20 =	vld [tilespmem:s0+$0x9930]  }
0x2e8: {  	v21 =	vld [tilespmem:s0+$0x9940]  }
0x2e9: {  	v22 =	vld [tilespmem:s0+$0x9950]  }
0x2ea: {  	v23 =	vld [tilespmem:s0+$0x9960]  }
0x2eb: {  	v24 =	vld [tilespmem:s0+$0x9970]  }
0x2ec: {  	v25 =	vld [tilespmem:s0+$0x9980]  }
0x2ed: {  	v26 =	vld [tilespmem:s0+$0x9990]  }
0x2ee: {  	v27 =	vld [tilespmem:s0+$0x99A0]  }
0x2ef: {  	v28 =	vld [tilespmem:s0+$0x99B0]  }
0x2f0: {  	v29 =	vld [tilespmem:s0+$0x99C0]  }
0x2f1: {  	v30 =	vld [tilespmem:s0+$0x99D0]  }
0x2f2: {  	[tilespmem:s0+$0x161F0] =	vst.add.f32.msk $0xffff, v0  }
0x2f3: {  	v0 =	vld [tilespmem:s0+$0x99E0]  }
0x2f4: {  	[tilespmem:s0+$0x16000] =	vst.add.f32.msk $0xffff, v1  }
0x2f5: {  	[tilespmem:s0+$0x16010] =	vst.add.f32.msk $0xffff, v2  }
0x2f6: {  	[tilespmem:s0+$0x16020] =	vst.add.f32.msk $0xffff, v3  }
0x2f7: {  	[tilespmem:s0+$0x16030] =	vst.add.f32.msk $0xffff, v4  }
0x2f8: {  	[tilespmem:s0+$0x16040] =	vst.add.f32.msk $0xffff, v5  }
0x2f9: {  	[tilespmem:s0+$0x16050] =	vst.add.f32.msk $0xffff, v6  }
0x2fa: {  	[tilespmem:s0+$0x16060] =	vst.add.f32.msk $0xffff, v7  }
0x2fb: {  	[tilespmem:s0+$0x16070] =	vst.add.f32.msk $0xffff, v8  }
0x2fc: {  	[tilespmem:s0+$0x16080] =	vst.add.f32.msk $0xffff, v9  }
0x2fd: {  	[tilespmem:s0+$0x16090] =	vst.add.f32.msk $0xffff, v10  }
0x2fe: {  	[tilespmem:s0+$0x160A0] =	vst.add.f32.msk $0xffff, v11  }
0x2ff: {  	[tilespmem:s0+$0x160B0] =	vst.add.f32.msk $0xffff, v12  }
0x300: {  	[tilespmem:s0+$0x160C0] =	vst.add.f32.msk $0xffff, v13  }
0x301: {  	[tilespmem:s0+$0x160D0] =	vst.add.f32.msk $0xffff, v14  }
0x302: {  	[tilespmem:s0+$0x160E0] =	vst.add.f32.msk $0xffff, v15  }
0x303: {  	[tilespmem:s0+$0x160F0] =	vst.add.f32.msk $0xffff, v16  }
0x304: {  	[tilespmem:s0+$0x16100] =	vst.add.f32.msk $0xffff, v17  }
0x305: {  	[tilespmem:s0+$0x16110] =	vst.add.f32.msk $0xffff, v18  }
0x306: {  	[tilespmem:s0+$0x16120] =	vst.add.f32.msk $0xffff, v19  }
0x307: {  	[tilespmem:s0+$0x16130] =	vst.add.f32.msk $0xffff, v20  }
0x308: {  	[tilespmem:s0+$0x16140] =	vst.add.f32.msk $0xffff, v21  }
0x309: {  	[tilespmem:s0+$0x16150] =	vst.add.f32.msk $0xffff, v22  }
0x30a: {  	[tilespmem:s0+$0x16160] =	vst.add.f32.msk $0xffff, v23  }
0x30b: {  	[tilespmem:s0+$0x16170] =	vst.add.f32.msk $0xffff, v24  }
0x30c: {  	[tilespmem:s0+$0x16180] =	vst.add.f32.msk $0xffff, v25  }
0x30d: {  	[tilespmem:s0+$0x16190] =	vst.add.f32.msk $0xffff, v26  }
0x30e: {  	[tilespmem:s0+$0x161A0] =	vst.add.f32.msk $0xffff, v27  }
0x30f: {  	[tilespmem:s0+$0x161B0] =	vst.add.f32.msk $0xffff, v28  }
0x310: {  	[tilespmem:s0+$0x161C0] =	vst.add.f32.msk $0xffff, v29  }
0x311: {  	s1 =	simm.s32 $0x30;
	s3 =	simm.s32 $0x800;
	[tilespmem:s0+$0x161D0] =	vst.add.f32.msk $0xffff, v30  }
.LBB2_13:
0x312: {  	s1 =	sadd.s32 $0x4, s1;
	[tilespmem:s0+$0x161E0] =	vst.add.f32.msk $0xffff, v0;
	s0 =	sshra.s32 s3, $0x2  }
0x313: {  	v0 =	vld [tilespmem:s0+$0x99F0];
	p0 =	slt.u32 s1, $0x5C  }
0x314: {  	v1 =	vld [tilespmem:s0+$0x9800]  }
0x315: {  	v2 =	vld [tilespmem:s0+$0x9810]  }
0x316: {  	v3 =	vld [tilespmem:s0+$0x9820]  }
0x317: {  	v4 =	vld [tilespmem:s0+$0x9830]  }
0x318: {  	[tilespmem:s0+$0x161F0] =	vst.add.f32.msk $0xffff, v0  }
0x319: {  	v5 =	vld [tilespmem:s0+$0x9840]  }
0x31a: {  	v6 =	vld [tilespmem:s0+$0x9850]  }
0x31b: {  	v7 =	vld [tilespmem:s0+$0x9860]  }
0x31c: {  	v8 =	vld [tilespmem:s0+$0x9870]  }
0x31d: {  	v9 =	vld [tilespmem:s0+$0x9880]  }
0x31e: {  	v10 =	vld [tilespmem:s0+$0x9890]  }
0x31f: {  	v11 =	vld [tilespmem:s0+$0x98A0]  }
0x320: {  	v12 =	vld [tilespmem:s0+$0x98B0]  }
0x321: {  	v13 =	vld [tilespmem:s0+$0x98C0]  }
0x322: {  	v14 =	vld [tilespmem:s0+$0x98D0]  }
0x323: {  	v15 =	vld [tilespmem:s0+$0x98E0]  }
0x324: {  	v16 =	vld [tilespmem:s0+$0x98F0]  }
0x325: {  	v17 =	vld [tilespmem:s0+$0x9900]  }
0x326: {  	v18 =	vld [tilespmem:s0+$0x9910]  }
0x327: {  	v19 =	vld [tilespmem:s0+$0x9920]  }
0x328: {  	v20 =	vld [tilespmem:s0+$0x9930]  }
0x329: {  	v21 =	vld [tilespmem:s0+$0x9940]  }
0x32a: {  	v22 =	vld [tilespmem:s0+$0x9950]  }
0x32b: {  	v23 =	vld [tilespmem:s0+$0x9960]  }
0x32c: {  	v24 =	vld [tilespmem:s0+$0x9970]  }
0x32d: {  	v25 =	vld [tilespmem:s0+$0x9980]  }
0x32e: {  	v26 =	vld [tilespmem:s0+$0x9990]  }
0x32f: {  	v27 =	vld [tilespmem:s0+$0x99A0]  }
0x330: {  	v28 =	vld [tilespmem:s0+$0x99B0]  }
0x331: {  	v29 =	vld [tilespmem:s0+$0x99C0]  }
0x332: {  	v30 =	vld [tilespmem:s0+$0x99D0]  }
0x333: {  	v0 =	vld [tilespmem:s0+$0x99E0]  }
0x334: {  	[tilespmem:s0+$0x16000] =	vst.add.f32.msk $0xffff, v1  }
0x335: {  	[tilespmem:s0+$0x16010] =	vst.add.f32.msk $0xffff, v2  }
0x336: {  	[tilespmem:s0+$0x16020] =	vst.add.f32.msk $0xffff, v3  }
0x337: {  	[tilespmem:s0+$0x16030] =	vst.add.f32.msk $0xffff, v4  }
0x338: {  	[tilespmem:s0+$0x16040] =	vst.add.f32.msk $0xffff, v5  }
0x339: {  	[tilespmem:s0+$0x16050] =	vst.add.f32.msk $0xffff, v6  }
0x33a: {  	[tilespmem:s0+$0x16060] =	vst.add.f32.msk $0xffff, v7  }
0x33b: {  	[tilespmem:s0+$0x16070] =	vst.add.f32.msk $0xffff, v8  }
0x33c: {  	[tilespmem:s0+$0x16080] =	vst.add.f32.msk $0xffff, v9  }
0x33d: {  	[tilespmem:s0+$0x16090] =	vst.add.f32.msk $0xffff, v10  }
0x33e: {  	[tilespmem:s0+$0x160A0] =	vst.add.f32.msk $0xffff, v11  }
0x33f: {  	[tilespmem:s0+$0x160B0] =	vst.add.f32.msk $0xffff, v12  }
0x340: {  	[tilespmem:s0+$0x160C0] =	vst.add.f32.msk $0xffff, v13  }
0x341: {  	[tilespmem:s0+$0x160D0] =	vst.add.f32.msk $0xffff, v14  }
0x342: {  	[tilespmem:s0+$0x160E0] =	vst.add.f32.msk $0xffff, v15  }
0x343: {  	[tilespmem:s0+$0x160F0] =	vst.add.f32.msk $0xffff, v16  }
0x344: {  	[tilespmem:s0+$0x16100] =	vst.add.f32.msk $0xffff, v17  }
0x345: {  	[tilespmem:s0+$0x16110] =	vst.add.f32.msk $0xffff, v18  }
0x346: {  	[tilespmem:s0+$0x16120] =	vst.add.f32.msk $0xffff, v19  }
0x347: {  	[tilespmem:s0+$0x16130] =	vst.add.f32.msk $0xffff, v20  }
0x348: {  	[tilespmem:s0+$0x16140] =	vst.add.f32.msk $0xffff, v21  }
0x349: {  	[tilespmem:s0+$0x16150] =	vst.add.f32.msk $0xffff, v22  }
0x34a: {  	[tilespmem:s0+$0x16160] =	vst.add.f32.msk $0xffff, v23  }
0x34b: {  	[tilespmem:s0+$0x16170] =	vst.add.f32.msk $0xffff, v24  }
0x34c: {  	[tilespmem:s0+$0x16180] =	vst.add.f32.msk $0xffff, v25  }
.Ltmp5:
0x34d: {  	[tilespmem:s0+$0x16190] =	vst.add.f32.msk $0xffff, v26;
	(pc) =	sbr.rel @p0 .LBB2_13-.Ltmp5, $4  }
0x34e: {  	[tilespmem:s0+$0x161A0] =	vst.add.f32.msk $0xffff, v27  }
0x34f: {  	[tilespmem:s0+$0x161B0] =	vst.add.f32.msk $0xffff, v28  }
0x350: {  	[tilespmem:s0+$0x161C0] =	vst.add.f32.msk $0xffff, v29  }
0x351: {  	s3 =	sadd.s32 $0x800, s3;
	[tilespmem:s0+$0x161D0] =	vst.add.f32.msk $0xffff, v30  }
0x352: {  	s1 =	smul.u32 $0x6400, s30;
	_ =	sdelay $0x1  }
0x353: {  	s1 =	sshrl.u32 s1, $0x3  }
0x354: {  	s30 =	sadd.s32 s4, s1  }
0x355: {  	[tilespmem:s0+$0x161E0] =	vst.add.f32.msk $0xffff, v0;
	s31 =	simm.s32 $0x0;
	s0 =	simm.s32 $0x0;
	s3 =	sadd.s32 $0x300, s30  }
0x356: {  	[hbm4b:s3+s31] =	stream.linear.scatter [tilespmem:s23], [sflag:$0x4], $0x1800, $0x38;
	[tilespmem:$0x1AC00] =	vst v63  }
0x357: {  	v0 =	vld [tilespmem:s0+$0xB1F0]  }
0x358: {  	v1 =	vld [tilespmem:s0+$0xB000]  }
0x359: {  	v2 =	vld [tilespmem:s0+$0xB010]  }
0x35a: {  	v3 =	vld [tilespmem:s0+$0xB020]  }
0x35b: {  	v4 =	vld [tilespmem:s0+$0xB030]  }
0x35c: {  	v5 =	vld [tilespmem:s0+$0xB040]  }
0x35d: {  	v6 =	vld [tilespmem:s0+$0xB050]  }
0x35e: {  	v7 =	vld [tilespmem:s0+$0xB060]  }
0x35f: {  	v8 =	vld [tilespmem:s0+$0xB070]  }
0x360: {  	v9 =	vld [tilespmem:s0+$0xB080]  }
0x361: {  	v10 =	vld [tilespmem:s0+$0xB090]  }
0x362: {  	v11 =	vld [tilespmem:s0+$0xB0A0]  }
0x363: {  	v12 =	vld [tilespmem:s0+$0xB0B0]  }
0x364: {  	v13 =	vld [tilespmem:s0+$0xB0C0]  }
0x365: {  	v14 =	vld [tilespmem:s0+$0xB0D0]  }
0x366: {  	v15 =	vld [tilespmem:s0+$0xB0E0]  }
0x367: {  	v16 =	vld [tilespmem:s0+$0xB0F0]  }
0x368: {  	v17 =	vld [tilespmem:s0+$0xB100]  }
0x369: {  	v18 =	vld [tilespmem:s0+$0xB110]  }
0x36a: {  	v19 =	vld [tilespmem:s0+$0xB120]  }
0x36b: {  	v20 =	vld [tilespmem:s0+$0xB130]  }
0x36c: {  	v21 =	vld [tilespmem:s0+$0xB140]  }
0x36d: {  	v22 =	vld [tilespmem:s0+$0xB150]  }
0x36e: {  	v23 =	vld [tilespmem:s0+$0xB160]  }
0x36f: {  	v24 =	vld [tilespmem:s0+$0xB170]  }
0x370: {  	v25 =	vld [tilespmem:s0+$0xB180]  }
0x371: {  	v26 =	vld [tilespmem:s0+$0xB190]  }
0x372: {  	v27 =	vld [tilespmem:s0+$0xB1A0]  }
0x373: {  	v28 =	vld [tilespmem:s0+$0xB1B0]  }
0x374: {  	v29 =	vld [tilespmem:s0+$0xB1C0]  }
0x375: {  	v30 =	vld [tilespmem:s0+$0xB1D0]  }
0x376: {  	[tilespmem:s0+$0x179F0] =	vst.add.f32.msk $0xffff, v0  }
0x377: {  	v0 =	vld [tilespmem:s0+$0xB1E0]  }
0x378: {  	[tilespmem:s0+$0x17800] =	vst.add.f32.msk $0xffff, v1  }
0x379: {  	[tilespmem:s0+$0x17810] =	vst.add.f32.msk $0xffff, v2  }
0x37a: {  	[tilespmem:s0+$0x17820] =	vst.add.f32.msk $0xffff, v3  }
0x37b: {  	[tilespmem:s0+$0x17830] =	vst.add.f32.msk $0xffff, v4  }
0x37c: {  	[tilespmem:s0+$0x17840] =	vst.add.f32.msk $0xffff, v5  }
0x37d: {  	[tilespmem:s0+$0x17850] =	vst.add.f32.msk $0xffff, v6  }
0x37e: {  	[tilespmem:s0+$0x17860] =	vst.add.f32.msk $0xffff, v7  }
0x37f: {  	[tilespmem:s0+$0x17870] =	vst.add.f32.msk $0xffff, v8  }
0x380: {  	[tilespmem:s0+$0x17880] =	vst.add.f32.msk $0xffff, v9  }
0x381: {  	[tilespmem:s0+$0x17890] =	vst.add.f32.msk $0xffff, v10  }
0x382: {  	[tilespmem:s0+$0x178A0] =	vst.add.f32.msk $0xffff, v11  }
0x383: {  	[tilespmem:s0+$0x178B0] =	vst.add.f32.msk $0xffff, v12  }
0x384: {  	[tilespmem:s0+$0x178C0] =	vst.add.f32.msk $0xffff, v13  }
0x385: {  	[tilespmem:s0+$0x178D0] =	vst.add.f32.msk $0xffff, v14  }
0x386: {  	[tilespmem:s0+$0x178E0] =	vst.add.f32.msk $0xffff, v15  }
0x387: {  	[tilespmem:s0+$0x178F0] =	vst.add.f32.msk $0xffff, v16  }
0x388: {  	[tilespmem:s0+$0x17900] =	vst.add.f32.msk $0xffff, v17  }
0x389: {  	[tilespmem:s0+$0x17910] =	vst.add.f32.msk $0xffff, v18  }
0x38a: {  	[tilespmem:s0+$0x17920] =	vst.add.f32.msk $0xffff, v19  }
0x38b: {  	[tilespmem:s0+$0x17930] =	vst.add.f32.msk $0xffff, v20  }
0x38c: {  	[tilespmem:s0+$0x17940] =	vst.add.f32.msk $0xffff, v21  }
0x38d: {  	[tilespmem:s0+$0x17950] =	vst.add.f32.msk $0xffff, v22  }
0x38e: {  	[tilespmem:s0+$0x17960] =	vst.add.f32.msk $0xffff, v23  }
0x38f: {  	[tilespmem:s0+$0x17970] =	vst.add.f32.msk $0xffff, v24  }
0x390: {  	[tilespmem:s0+$0x17980] =	vst.add.f32.msk $0xffff, v25  }
0x391: {  	[tilespmem:s0+$0x17990] =	vst.add.f32.msk $0xffff, v26  }
0x392: {  	[tilespmem:s0+$0x179A0] =	vst.add.f32.msk $0xffff, v27  }
0x393: {  	[tilespmem:s0+$0x179B0] =	vst.add.f32.msk $0xffff, v28  }
0x394: {  	[tilespmem:s0+$0x179C0] =	vst.add.f32.msk $0xffff, v29  }
0x395: {  	s1 =	simm.s32 $0x60;
	s3 =	simm.s32 $0x800;
	[tilespmem:s0+$0x179D0] =	vst.add.f32.msk $0xffff, v30  }
.LBB2_15:
0x396: {  	s1 =	sadd.s32 $0x4, s1;
	[tilespmem:s0+$0x179E0] =	vst.add.f32.msk $0xffff, v0;
	s0 =	sshra.s32 s3, $0x2  }
0x397: {  	v0 =	vld [tilespmem:s0+$0xB1F0];
	p0 =	slt.u32 s1, $0x8C  }
0x398: {  	v1 =	vld [tilespmem:s0+$0xB000]  }
0x399: {  	v2 =	vld [tilespmem:s0+$0xB010]  }
0x39a: {  	v3 =	vld [tilespmem:s0+$0xB020]  }
0x39b: {  	v4 =	vld [tilespmem:s0+$0xB030]  }
0x39c: {  	[tilespmem:s0+$0x179F0] =	vst.add.f32.msk $0xffff, v0  }
0x39d: {  	v5 =	vld [tilespmem:s0+$0xB040]  }
0x39e: {  	v6 =	vld [tilespmem:s0+$0xB050]  }
0x39f: {  	v7 =	vld [tilespmem:s0+$0xB060]  }
0x3a0: {  	v8 =	vld [tilespmem:s0+$0xB070]  }
0x3a1: {  	v9 =	vld [tilespmem:s0+$0xB080]  }
0x3a2: {  	v10 =	vld [tilespmem:s0+$0xB090]  }
0x3a3: {  	v11 =	vld [tilespmem:s0+$0xB0A0]  }
0x3a4: {  	v12 =	vld [tilespmem:s0+$0xB0B0]  }
0x3a5: {  	v13 =	vld [tilespmem:s0+$0xB0C0]  }
0x3a6: {  	v14 =	vld [tilespmem:s0+$0xB0D0]  }
0x3a7: {  	v15 =	vld [tilespmem:s0+$0xB0E0]  }
0x3a8: {  	v16 =	vld [tilespmem:s0+$0xB0F0]  }
0x3a9: {  	v17 =	vld [tilespmem:s0+$0xB100]  }
0x3aa: {  	v18 =	vld [tilespmem:s0+$0xB110]  }
0x3ab: {  	v19 =	vld [tilespmem:s0+$0xB120]  }
0x3ac: {  	v20 =	vld [tilespmem:s0+$0xB130]  }
0x3ad: {  	v21 =	vld [tilespmem:s0+$0xB140]  }
0x3ae: {  	v22 =	vld [tilespmem:s0+$0xB150]  }
0x3af: {  	v23 =	vld [tilespmem:s0+$0xB160]  }
0x3b0: {  	v24 =	vld [tilespmem:s0+$0xB170]  }
0x3b1: {  	v25 =	vld [tilespmem:s0+$0xB180]  }
0x3b2: {  	v26 =	vld [tilespmem:s0+$0xB190]  }
0x3b3: {  	v27 =	vld [tilespmem:s0+$0xB1A0]  }
0x3b4: {  	v28 =	vld [tilespmem:s0+$0xB1B0]  }
0x3b5: {  	v29 =	vld [tilespmem:s0+$0xB1C0]  }
0x3b6: {  	v30 =	vld [tilespmem:s0+$0xB1D0]  }
0x3b7: {  	v0 =	vld [tilespmem:s0+$0xB1E0]  }
0x3b8: {  	[tilespmem:s0+$0x17800] =	vst.add.f32.msk $0xffff, v1  }
0x3b9: {  	[tilespmem:s0+$0x17810] =	vst.add.f32.msk $0xffff, v2  }
0x3ba: {  	[tilespmem:s0+$0x17820] =	vst.add.f32.msk $0xffff, v3  }
0x3bb: {  	[tilespmem:s0+$0x17830] =	vst.add.f32.msk $0xffff, v4  }
0x3bc: {  	[tilespmem:s0+$0x17840] =	vst.add.f32.msk $0xffff, v5  }
0x3bd: {  	[tilespmem:s0+$0x17850] =	vst.add.f32.msk $0xffff, v6  }
0x3be: {  	[tilespmem:s0+$0x17860] =	vst.add.f32.msk $0xffff, v7  }
0x3bf: {  	[tilespmem:s0+$0x17870] =	vst.add.f32.msk $0xffff, v8  }
0x3c0: {  	[tilespmem:s0+$0x17880] =	vst.add.f32.msk $0xffff, v9  }
0x3c1: {  	[tilespmem:s0+$0x17890] =	vst.add.f32.msk $0xffff, v10  }
0x3c2: {  	[tilespmem:s0+$0x178A0] =	vst.add.f32.msk $0xffff, v11  }
0x3c3: {  	[tilespmem:s0+$0x178B0] =	vst.add.f32.msk $0xffff, v12  }
0x3c4: {  	[tilespmem:s0+$0x178C0] =	vst.add.f32.msk $0xffff, v13  }
0x3c5: {  	[tilespmem:s0+$0x178D0] =	vst.add.f32.msk $0xffff, v14  }
0x3c6: {  	[tilespmem:s0+$0x178E0] =	vst.add.f32.msk $0xffff, v15  }
0x3c7: {  	[tilespmem:s0+$0x178F0] =	vst.add.f32.msk $0xffff, v16  }
0x3c8: {  	[tilespmem:s0+$0x17900] =	vst.add.f32.msk $0xffff, v17  }
0x3c9: {  	[tilespmem:s0+$0x17910] =	vst.add.f32.msk $0xffff, v18  }
0x3ca: {  	[tilespmem:s0+$0x17920] =	vst.add.f32.msk $0xffff, v19  }
0x3cb: {  	[tilespmem:s0+$0x17930] =	vst.add.f32.msk $0xffff, v20  }
0x3cc: {  	[tilespmem:s0+$0x17940] =	vst.add.f32.msk $0xffff, v21  }
0x3cd: {  	[tilespmem:s0+$0x17950] =	vst.add.f32.msk $0xffff, v22  }
0x3ce: {  	[tilespmem:s0+$0x17960] =	vst.add.f32.msk $0xffff, v23  }
0x3cf: {  	[tilespmem:s0+$0x17970] =	vst.add.f32.msk $0xffff, v24  }
0x3d0: {  	[tilespmem:s0+$0x17980] =	vst.add.f32.msk $0xffff, v25  }
.Ltmp6:
0x3d1: {  	[tilespmem:s0+$0x17990] =	vst.add.f32.msk $0xffff, v26;
	(pc) =	sbr.rel @p0 .LBB2_15-.Ltmp6, $4  }
0x3d2: {  	[tilespmem:s0+$0x179A0] =	vst.add.f32.msk $0xffff, v27  }
0x3d3: {  	[tilespmem:s0+$0x179B0] =	vst.add.f32.msk $0xffff, v28  }
0x3d4: {  	[tilespmem:s0+$0x179C0] =	vst.add.f32.msk $0xffff, v29  }
0x3d5: {  	s3 =	sadd.s32 $0x800, s3;
	[tilespmem:s0+$0x179D0] =	vst.add.f32.msk $0xffff, v30  }
0x3d6: {  	[tilespmem:s0+$0x179E0] =	vst.add.f32.msk $0xffff, v0;
	s31 =	sadd.s32 $0x600, s30;
	s1 =	simm.s32 $0x0;
	s0 =	simm.s32 $0x0  }
0x3d7: {  	[hbm4b:s31+s1] =	stream.linear.scatter [tilespmem:s24], [sflag:$0x4], $0x1800, $0x38;
	[tilespmem:$0x1AC00] =	vst v63  }
0x3d8: {  	v0 =	vld [tilespmem:s0+$0xC9F0]  }
0x3d9: {  	v1 =	vld [tilespmem:s0+$0xC800]  }
0x3da: {  	v2 =	vld [tilespmem:s0+$0xC810]  }
0x3db: {  	v3 =	vld [tilespmem:s0+$0xC820]  }
0x3dc: {  	v4 =	vld [tilespmem:s0+$0xC830]  }
0x3dd: {  	v5 =	vld [tilespmem:s0+$0xC840]  }
0x3de: {  	v6 =	vld [tilespmem:s0+$0xC850]  }
0x3df: {  	v7 =	vld [tilespmem:s0+$0xC860]  }
0x3e0: {  	v8 =	vld [tilespmem:s0+$0xC870]  }
0x3e1: {  	v9 =	vld [tilespmem:s0+$0xC880]  }
0x3e2: {  	v10 =	vld [tilespmem:s0+$0xC890]  }
0x3e3: {  	v11 =	vld [tilespmem:s0+$0xC8A0]  }
0x3e4: {  	v12 =	vld [tilespmem:s0+$0xC8B0]  }
0x3e5: {  	v13 =	vld [tilespmem:s0+$0xC8C0]  }
0x3e6: {  	v14 =	vld [tilespmem:s0+$0xC8D0]  }
0x3e7: {  	v15 =	vld [tilespmem:s0+$0xC8E0]  }
0x3e8: {  	v16 =	vld [tilespmem:s0+$0xC8F0]  }
0x3e9: {  	v17 =	vld [tilespmem:s0+$0xC900]  }
0x3ea: {  	v18 =	vld [tilespmem:s0+$0xC910]  }
0x3eb: {  	v19 =	vld [tilespmem:s0+$0xC920]  }
0x3ec: {  	v20 =	vld [tilespmem:s0+$0xC930]  }
0x3ed: {  	v21 =	vld [tilespmem:s0+$0xC940]  }
0x3ee: {  	v22 =	vld [tilespmem:s0+$0xC950]  }
0x3ef: {  	v23 =	vld [tilespmem:s0+$0xC960]  }
0x3f0: {  	v24 =	vld [tilespmem:s0+$0xC970]  }
0x3f1: {  	v25 =	vld [tilespmem:s0+$0xC980]  }
0x3f2: {  	v26 =	vld [tilespmem:s0+$0xC990]  }
0x3f3: {  	v27 =	vld [tilespmem:s0+$0xC9A0]  }
0x3f4: {  	v28 =	vld [tilespmem:s0+$0xC9B0]  }
0x3f5: {  	v29 =	vld [tilespmem:s0+$0xC9C0]  }
0x3f6: {  	v30 =	vld [tilespmem:s0+$0xC9D0]  }
0x3f7: {  	[tilespmem:s0+$0x191F0] =	vst.add.f32.msk $0xffff, v0  }
0x3f8: {  	v0 =	vld [tilespmem:s0+$0xC9E0]  }
0x3f9: {  	[tilespmem:s0+$0x19000] =	vst.add.f32.msk $0xffff, v1  }
0x3fa: {  	[tilespmem:s0+$0x19010] =	vst.add.f32.msk $0xffff, v2  }
0x3fb: {  	[tilespmem:s0+$0x19020] =	vst.add.f32.msk $0xffff, v3  }
0x3fc: {  	[tilespmem:s0+$0x19030] =	vst.add.f32.msk $0xffff, v4  }
0x3fd: {  	[tilespmem:s0+$0x19040] =	vst.add.f32.msk $0xffff, v5  }
0x3fe: {  	[tilespmem:s0+$0x19050] =	vst.add.f32.msk $0xffff, v6  }
0x3ff: {  	[tilespmem:s0+$0x19060] =	vst.add.f32.msk $0xffff, v7  }
0x400: {  	[tilespmem:s0+$0x19070] =	vst.add.f32.msk $0xffff, v8  }
0x401: {  	[tilespmem:s0+$0x19080] =	vst.add.f32.msk $0xffff, v9  }
0x402: {  	[tilespmem:s0+$0x19090] =	vst.add.f32.msk $0xffff, v10  }
0x403: {  	[tilespmem:s0+$0x190A0] =	vst.add.f32.msk $0xffff, v11  }
0x404: {  	[tilespmem:s0+$0x190B0] =	vst.add.f32.msk $0xffff, v12  }
0x405: {  	[tilespmem:s0+$0x190C0] =	vst.add.f32.msk $0xffff, v13  }
0x406: {  	[tilespmem:s0+$0x190D0] =	vst.add.f32.msk $0xffff, v14  }
0x407: {  	[tilespmem:s0+$0x190E0] =	vst.add.f32.msk $0xffff, v15  }
0x408: {  	[tilespmem:s0+$0x190F0] =	vst.add.f32.msk $0xffff, v16  }
0x409: {  	[tilespmem:s0+$0x19100] =	vst.add.f32.msk $0xffff, v17  }
0x40a: {  	[tilespmem:s0+$0x19110] =	vst.add.f32.msk $0xffff, v18  }
0x40b: {  	[tilespmem:s0+$0x19120] =	vst.add.f32.msk $0xffff, v19  }
0x40c: {  	[tilespmem:s0+$0x19130] =	vst.add.f32.msk $0xffff, v20  }
0x40d: {  	[tilespmem:s0+$0x19140] =	vst.add.f32.msk $0xffff, v21  }
0x40e: {  	[tilespmem:s0+$0x19150] =	vst.add.f32.msk $0xffff, v22  }
0x40f: {  	[tilespmem:s0+$0x19160] =	vst.add.f32.msk $0xffff, v23  }
0x410: {  	[tilespmem:s0+$0x19170] =	vst.add.f32.msk $0xffff, v24  }
0x411: {  	[tilespmem:s0+$0x19180] =	vst.add.f32.msk $0xffff, v25  }
0x412: {  	[tilespmem:s0+$0x19190] =	vst.add.f32.msk $0xffff, v26  }
0x413: {  	[tilespmem:s0+$0x191A0] =	vst.add.f32.msk $0xffff, v27  }
0x414: {  	[tilespmem:s0+$0x191B0] =	vst.add.f32.msk $0xffff, v28  }
0x415: {  	[tilespmem:s0+$0x191C0] =	vst.add.f32.msk $0xffff, v29  }
0x416: {  	s3 =	simm.s32 $0x800;
	s1 =	simm.s32 $0x90;
	[tilespmem:s0+$0x191D0] =	vst.add.f32.msk $0xffff, v30  }
.LBB2_17:
0x417: {  	s1 =	sadd.s32 $0x4, s1;
	[tilespmem:s0+$0x191E0] =	vst.add.f32.msk $0xffff, v0;
	s0 =	sshra.s32 s3, $0x2  }
0x418: {  	v0 =	vld [tilespmem:s0+$0xC9F0];
	p0 =	slt.u32 s1, $0xC4  }
0x419: {  	v1 =	vld [tilespmem:s0+$0xC800]  }
0x41a: {  	v2 =	vld [tilespmem:s0+$0xC810]  }
0x41b: {  	v3 =	vld [tilespmem:s0+$0xC820]  }
0x41c: {  	v4 =	vld [tilespmem:s0+$0xC830]  }
0x41d: {  	[tilespmem:s0+$0x191F0] =	vst.add.f32.msk $0xffff, v0  }
0x41e: {  	v5 =	vld [tilespmem:s0+$0xC840]  }
0x41f: {  	v6 =	vld [tilespmem:s0+$0xC850]  }
0x420: {  	v7 =	vld [tilespmem:s0+$0xC860]  }
0x421: {  	v8 =	vld [tilespmem:s0+$0xC870]  }
0x422: {  	v9 =	vld [tilespmem:s0+$0xC880]  }
0x423: {  	v10 =	vld [tilespmem:s0+$0xC890]  }
0x424: {  	v11 =	vld [tilespmem:s0+$0xC8A0]  }
0x425: {  	v12 =	vld [tilespmem:s0+$0xC8B0]  }
0x426: {  	v13 =	vld [tilespmem:s0+$0xC8C0]  }
0x427: {  	v14 =	vld [tilespmem:s0+$0xC8D0]  }
0x428: {  	v15 =	vld [tilespmem:s0+$0xC8E0]  }
0x429: {  	v16 =	vld [tilespmem:s0+$0xC8F0]  }
0x42a: {  	v17 =	vld [tilespmem:s0+$0xC900]  }
0x42b: {  	v18 =	vld [tilespmem:s0+$0xC910]  }
0x42c: {  	v19 =	vld [tilespmem:s0+$0xC920]  }
0x42d: {  	v20 =	vld [tilespmem:s0+$0xC930]  }
0x42e: {  	v21 =	vld [tilespmem:s0+$0xC940]  }
0x42f: {  	v22 =	vld [tilespmem:s0+$0xC950]  }
0x430: {  	v23 =	vld [tilespmem:s0+$0xC960]  }
0x431: {  	v24 =	vld [tilespmem:s0+$0xC970]  }
0x432: {  	v25 =	vld [tilespmem:s0+$0xC980]  }
0x433: {  	v26 =	vld [tilespmem:s0+$0xC990]  }
0x434: {  	v27 =	vld [tilespmem:s0+$0xC9A0]  }
0x435: {  	v28 =	vld [tilespmem:s0+$0xC9B0]  }
0x436: {  	v29 =	vld [tilespmem:s0+$0xC9C0]  }
0x437: {  	v30 =	vld [tilespmem:s0+$0xC9D0]  }
0x438: {  	v0 =	vld [tilespmem:s0+$0xC9E0]  }
0x439: {  	[tilespmem:s0+$0x19000] =	vst.add.f32.msk $0xffff, v1  }
0x43a: {  	[tilespmem:s0+$0x19010] =	vst.add.f32.msk $0xffff, v2  }
0x43b: {  	[tilespmem:s0+$0x19020] =	vst.add.f32.msk $0xffff, v3  }
0x43c: {  	[tilespmem:s0+$0x19030] =	vst.add.f32.msk $0xffff, v4  }
0x43d: {  	[tilespmem:s0+$0x19040] =	vst.add.f32.msk $0xffff, v5  }
0x43e: {  	[tilespmem:s0+$0x19050] =	vst.add.f32.msk $0xffff, v6  }
0x43f: {  	[tilespmem:s0+$0x19060] =	vst.add.f32.msk $0xffff, v7  }
0x440: {  	[tilespmem:s0+$0x19070] =	vst.add.f32.msk $0xffff, v8  }
0x441: {  	[tilespmem:s0+$0x19080] =	vst.add.f32.msk $0xffff, v9  }
0x442: {  	[tilespmem:s0+$0x19090] =	vst.add.f32.msk $0xffff, v10  }
0x443: {  	[tilespmem:s0+$0x190A0] =	vst.add.f32.msk $0xffff, v11  }
0x444: {  	[tilespmem:s0+$0x190B0] =	vst.add.f32.msk $0xffff, v12  }
0x445: {  	[tilespmem:s0+$0x190C0] =	vst.add.f32.msk $0xffff, v13  }
0x446: {  	[tilespmem:s0+$0x190D0] =	vst.add.f32.msk $0xffff, v14  }
0x447: {  	[tilespmem:s0+$0x190E0] =	vst.add.f32.msk $0xffff, v15  }
0x448: {  	[tilespmem:s0+$0x190F0] =	vst.add.f32.msk $0xffff, v16  }
0x449: {  	[tilespmem:s0+$0x19100] =	vst.add.f32.msk $0xffff, v17  }
0x44a: {  	[tilespmem:s0+$0x19110] =	vst.add.f32.msk $0xffff, v18  }
0x44b: {  	[tilespmem:s0+$0x19120] =	vst.add.f32.msk $0xffff, v19  }
0x44c: {  	[tilespmem:s0+$0x19130] =	vst.add.f32.msk $0xffff, v20  }
0x44d: {  	[tilespmem:s0+$0x19140] =	vst.add.f32.msk $0xffff, v21  }
0x44e: {  	[tilespmem:s0+$0x19150] =	vst.add.f32.msk $0xffff, v22  }
0x44f: {  	[tilespmem:s0+$0x19160] =	vst.add.f32.msk $0xffff, v23  }
0x450: {  	[tilespmem:s0+$0x19170] =	vst.add.f32.msk $0xffff, v24  }
0x451: {  	[tilespmem:s0+$0x19180] =	vst.add.f32.msk $0xffff, v25  }
.Ltmp7:
0x452: {  	[tilespmem:s0+$0x19190] =	vst.add.f32.msk $0xffff, v26;
	(pc) =	sbr.rel @p0 .LBB2_17-.Ltmp7, $4  }
0x453: {  	[tilespmem:s0+$0x191A0] =	vst.add.f32.msk $0xffff, v27  }
0x454: {  	[tilespmem:s0+$0x191B0] =	vst.add.f32.msk $0xffff, v28  }
0x455: {  	[tilespmem:s0+$0x191C0] =	vst.add.f32.msk $0xffff, v29  }
0x456: {  	s3 =	sadd.s32 $0x800, s3;
	[tilespmem:s0+$0x191D0] =	vst.add.f32.msk $0xffff, v30  }
0x457: {  	s29 =	sadd.s32 $0x1, s29  }
0x458: {  	p0 =	sne.s32 s29, $0x40  }
.Ltmp8:
0x459: {  	_ = 	snop;
	(pc) =	sbr.rel @p0 .LBB2_2-.Ltmp8, $3  }
0x45a: {  	_ =	sdelay $0x1  }
0x45b: {  	[tilespmem:s0+$0x191E0] =	vst.add.f32.msk $0xffff, v0;
	s31 =	sadd.s32 $0x900, s30  }
0x45c: {  	[hbm4b:s31+s5] =	stream.linear.scatter [tilespmem:s25], [sflag:$0x4], $0x1C00, $0x38;
	[tilespmem:$0x1AC00] =	vst v63  }
0x45d: {  	_ =	swait.ge [sflag:s26], $0x1800  }
0x45e: {  	[sflag:s26] =	ssyncset.done $0x0  }
0x45f: {  	[sflag:s26] =	ssyncadd.s32 $0xFFFFE800  }
0x460: {  	_ =	swait.ge [sflag:s26], $0x1800  }
0x461: {  	[sflag:s26] =	ssyncset.done $0x0  }
0x462: {  	s28 =	sadd.s32 $0x1, s28;
	[sflag:s26] =	ssyncadd.s32 $0xFFFFE800  }
0x463: {  	p0 =	sne.s32 s28, s8;
	_ =	swait.ge [sflag:s26], $0x1800  }
.Ltmp9:
0x464: {  	[sflag:s26] =	ssyncset.done $0x0;
	(pc) =	sbr.rel @p0 .LBB2_1-.Ltmp9, $4  }
0x465: {  	[sflag:s26] =	ssyncadd.s32 $0xFFFFE800  }
0x466: {  	_ =	swait.ge [sflag:s26], $0x1C00  }
0x467: {  	[sflag:s26] =	ssyncset.done $0x0  }
0x468: {  	[sflag:s26] =	ssyncadd.s32 $0xFFFFE400  }
0x469: {  	_ =	sfence.sel $0x180000  }
0x46a: {  	[bflag:$0x0] =	sbarrier.arrive $0xFFFF  }
0x46b: {  	_ =	strace $0x90000047  }
0x46c: {  	s0 =	stileid.u32;
	[bflag:$0x2] =	sbarrier.arrive $0xFFFF  }
0x46d: {  	p0 =	sne.s32 s0, $0x0;
	s0 =	rddreg [dreg:$0x4]  }
0x46e: {  	s0 =	sadd.s32 @!p0 $0x100000, s0  }
0x46f: {  	[sflag:s0] =	ssyncadd.tile.s32 @!p0 $0x1;
	_ =	shalt  }
.Lfunc_end2:
_tile_overlayer_lowered:
.L_overlay_start_2:
0x470: {  	(tag) =	ssettag $0x2  }
0x471: {  	s0 =	rddreg [dreg:$0x0];
	s2 =	stileid.u32  }
0x472: {  	s1 =	rddreg [dreg:$0x1];
	p0 =	sne.s32 s2, $0x0  }
0x473: {  	s3 =	rddreg [dreg:$0x2];
	[bflag:$0x3] =	sbarrier.arrive $0xFFFF;
	s2 =	simm.s32 @!p0 $0x1C05  }
0x474: {  	[timem:s3], [sflag:s2] =	dma.local @!p0 [hbm:s0], s1  }
0x475: {  	s0 =	simm.s32 @!p0 $0x5  }
0x476: {  	_ =	swait.ge @!p0 [sflag:s0], s1  }
0x477: {  	s1 =	ssub.s32 @!p0 $0x0, s1;
	[sflag:s0] =	ssyncset.done @!p0 $0x0  }
0x478: {  	[sflag:s0] =	ssyncadd.s32 @!p0 s1  }
0x479: {  	[bflag:$0x3] =	sbarrier.arrive $0xFFFF  }
0x47a: {  	_ =	shalt  }

</sc_bundles>
